<compile_context>
chip_gen: v7x
topology: tpu7x:2x2x1
jax: 0.10.2.dev20260603
libtpu: 0.0.44.dev20260713+nightly
codegen_flags: <defaults>
</compile_context>

<pallas_src>
import functools

import jax
import jax.numpy as jnp
from jax import lax
from jax.experimental import pallas as pl
from jax.experimental.pallas import tpu as pltpu
import jax.experimental.pallas.tpu_sc as plsc

NC = 2
NS = 16
NT = NC * NS
K = 128
DW = 16
DH = 64


def _sc_deg(rowp, NP, C):
    CPT = NP // NS // K
    mesh = plsc.VectorSubcoreMesh(core_axis_name="c", subcore_axis_name="s",
                                  num_cores=NC, num_subcores=NS)

    @functools.partial(
        pl.kernel,
        out_type=jax.ShapeDtypeStruct((2 * NP, DW), jnp.float32),
        mesh=mesh,
        compiler_params=pltpu.CompilerParams(use_tc_tiling_on_sc=False),
        scratch_types=[
            pltpu.VMEM((C, K), jnp.int32),
            pltpu.VMEM((K, DW), jnp.float32),
            pltpu.VMEM((K, DW), jnp.float32),
            pltpu.VMEM_SHARED((NP, DW), jnp.float32),
        ],
    )
    def k(row_hbm, out_hbm, row_v, bufz, bufo, accd):
        c = lax.axis_index("c")
        s = lax.axis_index("s")
        wid = s * NC + c
        zeros16 = jnp.zeros((16,), jnp.float32)
        ones16 = jnp.ones((16,), jnp.float32)

        def fill(i, _):
            bufz[i, pl.ds(0, 16)] = zeros16
            bufo[i, pl.ds(0, 16)] = ones16
            return _

        lax.fori_loop(0, K, fill, None)
        base = s * (NP // NS)
        for kk in range(CPT):
            pltpu.sync_copy(bufz, accd.at[pl.ds(base + kk * K, K)])
        plsc.subcore_barrier()

        pltpu.sync_copy(row_hbm.at[wid], row_v)

        def body(j, _):
            pltpu.sync_copy(bufo, accd.at[row_v.at[j]], add=True)
            return _

        lax.fori_loop(0, C, body, None)
        plsc.subcore_barrier()
        for kk in range(CPT):
            pltpu.sync_copy(accd.at[pl.ds(base + kk * K, K)], bufz)
            pltpu.sync_copy(bufz, out_hbm.at[pl.ds(c * NP + base + kk * K, K)])

    return k(rowp)


def _sc_spmm(yh, rowcs, colcs, NP, C2):
    CPT = NP // NS // K
    mesh = plsc.VectorSubcoreMesh(core_axis_name="c", subcore_axis_name="s",
                                  num_cores=NC, num_subcores=NS)

    @functools.partial(
        pl.kernel,
        out_type=jax.ShapeDtypeStruct((2 * NP, DH), jnp.float32),
        mesh=mesh,
        compiler_params=pltpu.CompilerParams(use_tc_tiling_on_sc=False),
        scratch_types=[
            pltpu.VMEM((C2 + 3, K), jnp.int32),
            pltpu.VMEM((C2 + 3, K), jnp.int32),
            pltpu.VMEM((K, DH), jnp.float32),
            pltpu.VMEM((K, DH), jnp.float32),
            pltpu.VMEM_SHARED((NP, DH), jnp.float32),
            pltpu.SemaphoreType.DMA,
            pltpu.SemaphoreType.DMA,
        ],
    )
    def k(y_hbm, row_hbm, col_hbm, out_hbm, row_v, col_v, bufa, bufb, acc,
          sema, semb):
        c = lax.axis_index("c")
        s = lax.axis_index("s")
        wid = c * NS + s
        zeros16 = jnp.zeros((16,), jnp.float32)

        def fill(i, _):
            for t in range(DH // 16):
                bufa[i, pl.ds(t * 16, 16)] = zeros16
            return _

        lax.fori_loop(0, K, fill, None)
        base = s * (NP // NS)
        for kk in range(CPT):
            pltpu.sync_copy(bufa, acc.at[pl.ds(base + kk * K, K)])
        plsc.subcore_barrier()

        pltpu.sync_copy(row_hbm.at[wid], row_v)
        pltpu.sync_copy(col_hbm.at[wid], col_v)

        CE = C2 + 1
        pltpu.async_copy(y_hbm.at[row_v.at[0]], bufa, sema)
        pltpu.async_copy(y_hbm.at[row_v.at[1]], bufb, semb)

        def body(i, _):
            ja = 2 * i
            jb = 2 * i + 1
            pltpu.make_async_copy(y_hbm.at[row_v.at[ja]], bufa, sema).wait()
            pltpu.sync_copy(bufa, acc.at[col_v.at[ja]], add=True)
            pltpu.async_copy(y_hbm.at[row_v.at[ja + 2]], bufa, sema)
            pltpu.make_async_copy(y_hbm.at[row_v.at[jb]], bufb, semb).wait()
            pltpu.sync_copy(bufb, acc.at[col_v.at[jb]], add=True)
            pltpu.async_copy(y_hbm.at[row_v.at[jb + 2]], bufb, semb)
            return _

        lax.fori_loop(0, CE // 2, body, None)
        pltpu.make_async_copy(y_hbm.at[row_v.at[CE]], bufa, sema).wait()
        pltpu.make_async_copy(y_hbm.at[row_v.at[CE + 1]], bufb, semb).wait()

        plsc.subcore_barrier()
        for kk in range(CPT):
            pltpu.sync_copy(acc.at[pl.ds(base + kk * K, K)], bufa)
            pltpu.sync_copy(bufa, out_hbm.at[pl.ds(c * NP + base + kk * K, K)])

    return k(yh, rowcs, colcs)


def _tc_prep(degp, xp, NP, D, R):
    G = NP // R

    def body(d0, d1, x_ref, dinv_ref, y0_ref, y1_ref):
        deg = (d0[...] + d1[...])[:, 0:1]
        db = jnp.broadcast_to(lax.rsqrt(1.0 + deg), (R, D))
        dinv_ref[...] = db
        y = db * x_ref[...]
        y0_ref[...] = y[:, :DH]
        y1_ref[...] = y[:, DH:]

    return pl.pallas_call(
        body,
        grid=(G,),
        in_specs=[
            pl.BlockSpec((R, DW), lambda i: (i, 0)),
            pl.BlockSpec((R, DW), lambda i: (i + G, 0)),
            pl.BlockSpec((R, D), lambda i: (i, 0)),
        ],
        out_specs=[
            pl.BlockSpec((R, D), lambda i: (i, 0)),
            pl.BlockSpec((R, DH), lambda i: (i, 0)),
            pl.BlockSpec((R, DH), lambda i: (i, 0)),
        ],
        out_shape=[
            jax.ShapeDtypeStruct((NP, D), jnp.float32),
            jax.ShapeDtypeStruct((NP, DH), jnp.float32),
            jax.ShapeDtypeStruct((NP, DH), jnp.float32),
        ],
    )(degp, degp, xp)


def _tc_layer(S2, y0, y1, dinvb, W, b, NP, D, R):
    G = NP // R

    def body(s0, s1, y0_ref, y1_ref, dv, w_ref, b_ref, y0o, y1o):
        agg = dv[...] * jnp.concatenate(
            [s0[...] + y0_ref[...], s1[...] + y1_ref[...]], axis=1)
        h = jnp.maximum(
            jnp.dot(agg, w_ref[...], preferred_element_type=jnp.float32)
            + b_ref[...], 0.0)
        y2 = dv[...] * h
        y0o[...] = y2[:, :DH]
        y1o[...] = y2[:, DH:]

    return pl.pallas_call(
        body,
        grid=(G,),
        in_specs=[
            pl.BlockSpec((R, DH), lambda i: (i, 0)),
            pl.BlockSpec((R, DH), lambda i: (i + G, 0)),
            pl.BlockSpec((R, DH), lambda i: (i, 0)),
            pl.BlockSpec((R, DH), lambda i: (i, 0)),
            pl.BlockSpec((R, D), lambda i: (i, 0)),
            pl.BlockSpec((D, D), lambda i: (0, 0)),
            pl.BlockSpec((1, D), lambda i: (0, 0)),
        ],
        out_specs=[
            pl.BlockSpec((R, DH), lambda i: (i, 0)),
            pl.BlockSpec((R, DH), lambda i: (i, 0)),
        ],
        out_shape=[
            jax.ShapeDtypeStruct((NP, DH), jnp.float32),
            jax.ShapeDtypeStruct((NP, DH), jnp.float32),
        ],
    )(S2, S2, y0, y1, dinvb, W, b.reshape(1, D))


def _tc_last(S2, y0, y1, dinvb, W, b, Wm1, bm1, Wm2p, bm2p, NP, D, R):
    G = NP // R
    H = Wm1.shape[1]

    def body(s0, s1, y0_ref, y1_ref, dv, w_ref, b_ref, wm1, bm1_ref, wm2,
             bm2_ref, o_ref):
        agg = dv[...] * jnp.concatenate(
            [s0[...] + y0_ref[...], s1[...] + y1_ref[...]], axis=1)
        h = jnp.maximum(
            jnp.dot(agg, w_ref[...], preferred_element_type=jnp.float32)
            + b_ref[...], 0.0)
        h2 = jnp.maximum(
            jnp.dot(h, wm1[...], preferred_element_type=jnp.float32)
            + bm1_ref[...], 0.0)
        o_ref[...] = (jnp.dot(h2, wm2[...], preferred_element_type=jnp.float32)
                      + bm2_ref[...])

    return pl.pallas_call(
        body,
        grid=(G,),
        in_specs=[
            pl.BlockSpec((R, DH), lambda i: (i, 0)),
            pl.BlockSpec((R, DH), lambda i: (i + G, 0)),
            pl.BlockSpec((R, DH), lambda i: (i, 0)),
            pl.BlockSpec((R, DH), lambda i: (i, 0)),
            pl.BlockSpec((R, D), lambda i: (i, 0)),
            pl.BlockSpec((D, D), lambda i: (0, 0)),
            pl.BlockSpec((1, D), lambda i: (0, 0)),
            pl.BlockSpec((D, H), lambda i: (0, 0)),
            pl.BlockSpec((1, H), lambda i: (0, 0)),
            pl.BlockSpec((H, D), lambda i: (0, 0)),
            pl.BlockSpec((1, D), lambda i: (0, 0)),
        ],
        out_specs=pl.BlockSpec((R, D), lambda i: (i, 0)),
        out_shape=jax.ShapeDtypeStruct((NP, D), jnp.float32),
    )(S2, S2, y0, y1, dinvb, W, b.reshape(1, D), Wm1, bm1.reshape(1, H),
      Wm2p, bm2p.reshape(1, D))


def kernel(x, edge_index, edge_weight, W0, b0, W1, b1, W2, b2, Wm1, bm1,
           Wm2, bm2):
    N, D = x.shape
    E = edge_index.shape[1]
    L = Wm2.shape[1]

    NP = -(-N // (NS * K)) * (NS * K)
    row = edge_index[0]
    col = edge_index[1]

    C = -(-E // (NT * K))
    padi = jnp.full((NT * C * K - E,), N, dtype=jnp.int32)
    rowp = jnp.concatenate([row, padi]).reshape(NT, C, K)

    C2 = -(-E // (NS * K))
    if C2 % 2 == 0:
        C2 += 1
    CT = C2 + 3
    pad_n = NS * CT * K - E
    spreadj = N + (jnp.arange(pad_n, dtype=jnp.int32) % (NP - N))
    rowf = jnp.concatenate(
        [row, spreadj[:NS * C2 * K - E]]).reshape(NS, C2, K)
    colf = jnp.concatenate(
        [col, spreadj[:NS * C2 * K - E]]).reshape(NS, C2, K)
    tailr = spreadj[NS * C2 * K - E:].reshape(NS, 3, K)
    rowf = jnp.concatenate([rowf, tailr], axis=1)
    colf = jnp.concatenate([colf, tailr], axis=1)
    rowcs = jnp.concatenate([rowf, rowf + NP], axis=0)
    colcs = jnp.concatenate([colf, colf], axis=0)

    xp = jnp.pad(x, ((0, NP - N), (0, 0)))
    Wm2p = jnp.pad(Wm2, ((0, 0), (0, D - L)))
    bm2p = jnp.pad(bm2, (0, D - L))

    R = 1024
    degp = _sc_deg(rowp, NP, C)
    dinvb, y0, y1 = _tc_prep(degp, xp, NP, D, R)
    for (W, b) in ((W0, b0), (W1, b1)):
        yh = jnp.concatenate([y0, y1], axis=0)
        S2 = _sc_spmm(yh, rowcs, colcs, NP, C2)
        y0, y1 = _tc_layer(S2, y0, y1, dinvb, W, b, NP, D, R)
    yh = jnp.concatenate([y0, y1], axis=0)
    S2 = _sc_spmm(yh, rowcs, colcs, NP, C2)
    out = _tc_last(S2, y0, y1, dinvb, W2, b2, Wm1, bm1, Wm2p, bm2p, NP, D, R)
    return out[:N, :L]

# --- scband reference (transcript-rebuilt; emitter-appended) ---
"""Pipeline reference for scband-sagemodel-42528766165365 (READ-ONLY COPY).

The authoritative reference and input builder live on the scoring server;
editing this copy changes nothing except your own understanding.
"""

import jax, jax.numpy as jnp
import numpy as np

N = 10000
E = 320000
D = 128
UNITS = 128
HIDDEN = 256
NUM_LABELS = 40


def setup_inputs(seed: int = 0) -> dict:
    key = jax.random.key(seed)
    ks = jax.random.split(key, 12)
    x = jax.random.normal(ks[0], (N, D), dtype=jnp.float32)
    edge_index = jax.random.randint(ks[1], (2, E), 0, N, dtype=jnp.int32)
    edge_weight = jnp.ones((E,), dtype=jnp.float32)

    def dense_init(k, shape):
        return jax.random.normal(k, shape, dtype=jnp.float32) * (1.0 / np.sqrt(shape[0]))

    W0 = dense_init(ks[2], (D, UNITS)); b0 = jnp.zeros((UNITS,), jnp.float32)
    W1 = dense_init(ks[3], (UNITS, UNITS)); b1 = jnp.zeros((UNITS,), jnp.float32)
    W2 = dense_init(ks[4], (UNITS, UNITS)); b2 = jnp.zeros((UNITS,), jnp.float32)
    Wm1 = dense_init(ks[5], (UNITS, HIDDEN)); bm1 = jnp.zeros((HIDDEN,), jnp.float32)
    Wm2 = dense_init(ks[6], (HIDDEN, NUM_LABELS)); bm2 = jnp.zeros((NUM_LABELS,), jnp.float32)
    return {"x": x, "edge_index": edge_index, "edge_weight": edge_weight,
            "W0": W0, "b0": b0, "W1": W1, "b1": b1, "W2": W2, "b2": b2,
            "Wm1": Wm1, "bm1": bm1, "Wm2": Wm2, "bm2": bm2}


def _gcn_sage(x, row, col, W, b):
    # tf_geometric GCNGraphSage: GCN-normalized (renorm / add-self-loop) neighbor
    # aggregation followed by dense transform + ReLU.
    n = x.shape[0]
    loop = jnp.arange(n, dtype=row.dtype)
    row2 = jnp.concatenate([row, loop])
    col2 = jnp.concatenate([col, loop])
    ew = jnp.ones(row2.shape[0], dtype=x.dtype)
    deg = jnp.zeros((n,), x.dtype).at[row2].add(ew)
    dinv = jnp.where(deg > 0, jax.lax.rsqrt(deg), 0.0)
    w = dinv[row2] * ew * dinv[col2]
    msg = x[row2] * w[:, None]            # gather + gcn_mapper
    agg = jnp.zeros((n, x.shape[1]), x.dtype).at[col2].add(msg)  # sum_reducer
    return jax.nn.relu(agg @ W + b)


def reference(x, edge_index, edge_weight, W0, b0, W1, b1, W2, b2, Wm1, bm1, Wm2, bm2):
    # edge_weight is accepted (third tuple element in the original call) but unused,
    # matching `x, edge_index, _ = inputs` in the original model.
    row, col = edge_index[0], edge_index[1]
    h = _gcn_sage(x, row, col, W0, b0)
    h = _gcn_sage(h, row, col, W1, b1)
    h = _gcn_sage(h, row, col, W2, b2)
    # mlp: Flatten is a no-op on [N, UNITS]
    h = jax.nn.relu(h @ Wm1 + bm1)
    return h @ Wm2 + bm2

if __name__ == "__main__":
    import jax
    _d = setup_inputs()
    print(jax.jit(kernel)(*tuple(_d.values())))

</pallas_src>

<mosaic_0001>
#map = affine_map<(d0, d1) -> (0, 0, 0)>
#map1 = affine_map<(d0, d1) -> (0, 0)>
module attributes {stable_mosaic.version = 14 : i64} {
  func.func @k(%arg0: i32, %arg1: i32, %arg2: memref<32x79x128xi32, #tpu.memory_space<hbm>>, %arg3: memref<20480x16xf32, #tpu.memory_space<hbm>>, %arg4: memref<79x128xi32, #tpu.memory_space<vmem>>, %arg5: memref<128x16xf32, #tpu.memory_space<vmem>>, %arg6: memref<128x16xf32, #tpu.memory_space<vmem>>, %arg7: memref<10240x16xf32, #tpu.memory_space<vmem_shared>>) attributes {dimension_semantics = [#tpu.dimension_semantics<core_parallel>, #tpu.dimension_semantics<subcore_parallel>], iteration_bounds = array<i64: 2, 16>, scalar_prefetch = 0 : i64, scratch_operands = 4 : i64, tpu.core_type = #tpu.core_type<sc_vector_subcore>, window_params = [{transform_indices = #map}, {transform_indices = #map1}]} {
    %mul3A = arith.constant 2 : i32
    %mul3A_0 = arith.muli %arg1, %mul3A : i32
    %add3A = arith.addi %mul3A_0, %arg0 : i32
    %broadcast_in_dim3A = arith.constant 0.000000e+00 : f32
    %broadcast_in_dim3A_1 = vector.broadcast %broadcast_in_dim3A : f32 to vector<16xf32>
    %broadcast_in_dim3A_2 = arith.constant 1.000000e+00 : f32
    %broadcast_in_dim3A_3 = vector.broadcast %broadcast_in_dim3A_2 : f32 to vector<16xf32>
    %scan3A = arith.constant 0 : i32
    %scan3A_4 = arith.constant 128 : i32
    %scan3A_5 = arith.addi %scan3A, %scan3A_4 : i32
    %scan3A_6 = arith.constant 1 : i32
    scf.for %scan3A_61 = %scan3A to %scan3A_5 step %scan3A_6  : i32 {
      %swap3A = arith.index_cast %scan3A_61 : i32 to index
      %swap3A_62 = arith.constant 0 : index
      %swap3A_63 = tpu.vector_load %arg5[%swap3A, %swap3A_62] {strides = array<i32>} : memref<128x16xf32, #tpu.memory_space<vmem>>, vector<1x16xf32>,
      %swap3A_64 = vector.shape_cast %swap3A_63 : vector<1x16xf32> to vector<16xf32>
      %swap3A_65 = vector.shape_cast %broadcast_in_dim3A_1 : vector<16xf32> to vector<1x16xf32>
      tpu.vector_store %arg5[%swap3A, %swap3A_62], %swap3A_65 {strides = array<i32>} : memref<128x16xf32, #tpu.memory_space<vmem>>, vector<1x16xf32>,
      %swap3A_66 = arith.index_cast %scan3A_61 : i32 to index
      %swap3A_67 = arith.constant 0 : index
      %swap3A_68 = tpu.vector_load %arg6[%swap3A_66, %swap3A_67] {strides = array<i32>} : memref<128x16xf32, #tpu.memory_space<vmem>>, vector<1x16xf32>,
      %swap3A_69 = vector.shape_cast %swap3A_68 : vector<1x16xf32> to vector<16xf32>
      %swap3A_70 = vector.shape_cast %broadcast_in_dim3A_3 : vector<16xf32> to vector<1x16xf32>
      tpu.vector_store %arg6[%swap3A_66, %swap3A_67], %swap3A_70 {strides = array<i32>} : memref<128x16xf32, #tpu.memory_space<vmem>>, vector<1x16xf32>,
    }
    %scan3A_7 = arith.constant 128 : i32
    %mul3A_8 = arith.constant 640 : i32
    %mul3A_9 = arith.muli %arg1, %mul3A_8 : i32
    %add3A_10 = arith.constant 0 : i32
    %add3A_11 = arith.addi %mul3A_9, %add3A_10 : i32
    "tpu.region"() ({
      %run_scoped3A = tpu.sem_alloc : memref<!tpu.dma_semaphore, #tpu.memory_space<semaphore_mem>>
      %dma_start3A = arith.constant 0 : i32
      %dma_start3A_61 = tpu.memref_slice %arg7[%add3A_11, %dma_start3A] : memref<10240x16xf32, #tpu.memory_space<vmem_shared>> -> memref<128x16xf32, #tpu.memory_space<vmem_shared>>
      %dma_start3A_62 = arith.constant 0 : i32
      %dma_start3A_63 = tpu.memref_slice %arg7[%add3A_11, %dma_start3A_62] : memref<10240x16xf32, #tpu.memory_space<vmem_shared>> -> memref<128x16xf32, #tpu.memory_space<vmem_shared>>
      tpu.enqueue_dma source(%arg5 : memref<128x16xf32, #tpu.memory_space<vmem>>) target(%dma_start3A_63 : memref<128x16xf32, #tpu.memory_space<vmem_shared>>) target_semaphore(%run_scoped3A : memref<!tpu.dma_semaphore, #tpu.memory_space<semaphore_mem>>)
      %dma_wait3A = arith.constant 0 : i32
      %dma_wait3A_64 = tpu.memref_slice %arg7[%add3A_11, %dma_wait3A] : memref<10240x16xf32, #tpu.memory_space<vmem_shared>> -> memref<128x16xf32, #tpu.memory_space<vmem_shared>>
      %dma_wait3A_65 = arith.constant 0 : i32
      %dma_wait3A_66 = tpu.memref_slice %arg7[%add3A_11, %dma_wait3A_65] : memref<10240x16xf32, #tpu.memory_space<vmem_shared>> -> memref<128x16xf32, #tpu.memory_space<vmem_shared>>
      tpu.wait_dma2 semaphore(%run_scoped3A : memref<!tpu.dma_semaphore, #tpu.memory_space<semaphore_mem>>) src(%arg5 : memref<128x16xf32, #tpu.memory_space<vmem>>) dst(%dma_wait3A_66 : memref<128x16xf32, #tpu.memory_space<vmem_shared>>)
      tpu.yield
    }) : () -> ()
    %add3A_12 = arith.constant 128 : i32
    %add3A_13 = arith.addi %mul3A_9, %add3A_12 : i32
    "tpu.region"() ({
      %run_scoped3A = tpu.sem_alloc : memref<!tpu.dma_semaphore, #tpu.memory_space<semaphore_mem>>
      %dma_start3A = arith.constant 0 : i32
      %dma_start3A_61 = tpu.memref_slice %arg7[%add3A_13, %dma_start3A] : memref<10240x16xf32, #tpu.memory_space<vmem_shared>> -> memref<128x16xf32, #tpu.memory_space<vmem_shared>>
      %dma_start3A_62 = arith.constant 0 : i32
      %dma_start3A_63 = tpu.memref_slice %arg7[%add3A_13, %dma_start3A_62] : memref<10240x16xf32, #tpu.memory_space<vmem_shared>> -> memref<128x16xf32, #tpu.memory_space<vmem_shared>>
      tpu.enqueue_dma source(%arg5 : memref<128x16xf32, #tpu.memory_space<vmem>>) target(%dma_start3A_63 : memref<128x16xf32, #tpu.memory_space<vmem_shared>>) target_semaphore(%run_scoped3A : memref<!tpu.dma_semaphore, #tpu.memory_space<semaphore_mem>>)
      %dma_wait3A = arith.constant 0 : i32
      %dma_wait3A_64 = tpu.memref_slice %arg7[%add3A_13, %dma_wait3A] : memref<10240x16xf32, #tpu.memory_space<vmem_shared>> -> memref<128x16xf32, #tpu.memory_space<vmem_shared>>
      %dma_wait3A_65 = arith.constant 0 : i32
      %dma_wait3A_66 = tpu.memref_slice %arg7[%add3A_13, %dma_wait3A_65] : memref<10240x16xf32, #tpu.memory_space<vmem_shared>> -> memref<128x16xf32, #tpu.memory_space<vmem_shared>>
      tpu.wait_dma2 semaphore(%run_scoped3A : memref<!tpu.dma_semaphore, #tpu.memory_space<semaphore_mem>>) src(%arg5 : memref<128x16xf32, #tpu.memory_space<vmem>>) dst(%dma_wait3A_66 : memref<128x16xf32, #tpu.memory_space<vmem_shared>>)
      tpu.yield
    }) : () -> ()
    %add3A_14 = arith.constant 256 : i32
    %add3A_15 = arith.addi %mul3A_9, %add3A_14 : i32
    "tpu.region"() ({
      %run_scoped3A = tpu.sem_alloc : memref<!tpu.dma_semaphore, #tpu.memory_space<semaphore_mem>>
      %dma_start3A = arith.constant 0 : i32
      %dma_start3A_61 = tpu.memref_slice %arg7[%add3A_15, %dma_start3A] : memref<10240x16xf32, #tpu.memory_space<vmem_shared>> -> memref<128x16xf32, #tpu.memory_space<vmem_shared>>
      %dma_start3A_62 = arith.constant 0 : i32
      %dma_start3A_63 = tpu.memref_slice %arg7[%add3A_15, %dma_start3A_62] : memref<10240x16xf32, #tpu.memory_space<vmem_shared>> -> memref<128x16xf32, #tpu.memory_space<vmem_shared>>
      tpu.enqueue_dma source(%arg5 : memref<128x16xf32, #tpu.memory_space<vmem>>) target(%dma_start3A_63 : memref<128x16xf32, #tpu.memory_space<vmem_shared>>) target_semaphore(%run_scoped3A : memref<!tpu.dma_semaphore, #tpu.memory_space<semaphore_mem>>)
      %dma_wait3A = arith.constant 0 : i32
      %dma_wait3A_64 = tpu.memref_slice %arg7[%add3A_15, %dma_wait3A] : memref<10240x16xf32, #tpu.memory_space<vmem_shared>> -> memref<128x16xf32, #tpu.memory_space<vmem_shared>>
      %dma_wait3A_65 = arith.constant 0 : i32
      %dma_wait3A_66 = tpu.memref_slice %arg7[%add3A_15, %dma_wait3A_65] : memref<10240x16xf32, #tpu.memory_space<vmem_shared>> -> memref<128x16xf32, #tpu.memory_space<vmem_shared>>
      tpu.wait_dma2 semaphore(%run_scoped3A : memref<!tpu.dma_semaphore, #tpu.memory_space<semaphore_mem>>) src(%arg5 : memref<128x16xf32, #tpu.memory_space<vmem>>) dst(%dma_wait3A_66 : memref<128x16xf32, #tpu.memory_space<vmem_shared>>)
      tpu.yield
    }) : () -> ()
    %add3A_16 = arith.constant 384 : i32
    %add3A_17 = arith.addi %mul3A_9, %add3A_16 : i32
    "tpu.region"() ({
      %run_scoped3A = tpu.sem_alloc : memref<!tpu.dma_semaphore, #tpu.memory_space<semaphore_mem>>
      %dma_start3A = arith.constant 0 : i32
      %dma_start3A_61 = tpu.memref_slice %arg7[%add3A_17, %dma_start3A] : memref<10240x16xf32, #tpu.memory_space<vmem_shared>> -> memref<128x16xf32, #tpu.memory_space<vmem_shared>>
      %dma_start3A_62 = arith.constant 0 : i32
      %dma_start3A_63 = tpu.memref_slice %arg7[%add3A_17, %dma_start3A_62] : memref<10240x16xf32, #tpu.memory_space<vmem_shared>> -> memref<128x16xf32, #tpu.memory_space<vmem_shared>>
      tpu.enqueue_dma source(%arg5 : memref<128x16xf32, #tpu.memory_space<vmem>>) target(%dma_start3A_63 : memref<128x16xf32, #tpu.memory_space<vmem_shared>>) target_semaphore(%run_scoped3A : memref<!tpu.dma_semaphore, #tpu.memory_space<semaphore_mem>>)
      %dma_wait3A = arith.constant 0 : i32
      %dma_wait3A_64 = tpu.memref_slice %arg7[%add3A_17, %dma_wait3A] : memref<10240x16xf32, #tpu.memory_space<vmem_shared>> -> memref<128x16xf32, #tpu.memory_space<vmem_shared>>
      %dma_wait3A_65 = arith.constant 0 : i32
      %dma_wait3A_66 = tpu.memref_slice %arg7[%add3A_17, %dma_wait3A_65] : memref<10240x16xf32, #tpu.memory_space<vmem_shared>> -> memref<128x16xf32, #tpu.memory_space<vmem_shared>>
      tpu.wait_dma2 semaphore(%run_scoped3A : memref<!tpu.dma_semaphore, #tpu.memory_space<semaphore_mem>>) src(%arg5 : memref<128x16xf32, #tpu.memory_space<vmem>>) dst(%dma_wait3A_66 : memref<128x16xf32, #tpu.memory_space<vmem_shared>>)
      tpu.yield
    }) : () -> ()
    %add3A_18 = arith.constant 512 : i32
    %add3A_19 = arith.addi %mul3A_9, %add3A_18 : i32
    "tpu.region"() ({
      %run_scoped3A = tpu.sem_alloc : memref<!tpu.dma_semaphore, #tpu.memory_space<semaphore_mem>>
      %dma_start3A = arith.constant 0 : i32
      %dma_start3A_61 = tpu.memref_slice %arg7[%add3A_19, %dma_start3A] : memref<10240x16xf32, #tpu.memory_space<vmem_shared>> -> memref<128x16xf32, #tpu.memory_space<vmem_shared>>
      %dma_start3A_62 = arith.constant 0 : i32
      %dma_start3A_63 = tpu.memref_slice %arg7[%add3A_19, %dma_start3A_62] : memref<10240x16xf32, #tpu.memory_space<vmem_shared>> -> memref<128x16xf32, #tpu.memory_space<vmem_shared>>
      tpu.enqueue_dma source(%arg5 : memref<128x16xf32, #tpu.memory_space<vmem>>) target(%dma_start3A_63 : memref<128x16xf32, #tpu.memory_space<vmem_shared>>) target_semaphore(%run_scoped3A : memref<!tpu.dma_semaphore, #tpu.memory_space<semaphore_mem>>)
      %dma_wait3A = arith.constant 0 : i32
      %dma_wait3A_64 = tpu.memref_slice %arg7[%add3A_19, %dma_wait3A] : memref<10240x16xf32, #tpu.memory_space<vmem_shared>> -> memref<128x16xf32, #tpu.memory_space<vmem_shared>>
      %dma_wait3A_65 = arith.constant 0 : i32
      %dma_wait3A_66 = tpu.memref_slice %arg7[%add3A_19, %dma_wait3A_65] : memref<10240x16xf32, #tpu.memory_space<vmem_shared>> -> memref<128x16xf32, #tpu.memory_space<vmem_shared>>
      tpu.wait_dma2 semaphore(%run_scoped3A : memref<!tpu.dma_semaphore, #tpu.memory_space<semaphore_mem>>) src(%arg5 : memref<128x16xf32, #tpu.memory_space<vmem>>) dst(%dma_wait3A_66 : memref<128x16xf32, #tpu.memory_space<vmem_shared>>)
      tpu.yield
    }) : () -> ()
    %barrier3A = arith.constant 0 : index
    tpu.barrier barrier_id(%barrier3A)
    "tpu.region"() ({
      %run_scoped3A = tpu.sem_alloc : memref<!tpu.dma_semaphore, #tpu.memory_space<semaphore_mem>>
      %dma_start3A = arith.constant 0 : i32
      %dma_start3A_61 = arith.constant 0 : i32
      %dma_start3A_62 = tpu.memref_slice %arg2[%add3A, %dma_start3A, %dma_start3A_61] : memref<32x79x128xi32, #tpu.memory_space<hbm>> -> memref<1x79x128xi32, #tpu.memory_space<hbm>>
      %dma_start3A_63 = tpu.memref_squeeze %dma_start3A_62 : memref<1x79x128xi32, #tpu.memory_space<hbm>> -> memref<79x128xi32, #tpu.memory_space<hbm>>
      %dma_start3A_64 = arith.constant 0 : i32
      %dma_start3A_65 = arith.constant 0 : i32
      %dma_start3A_66 = tpu.memref_slice %arg2[%add3A, %dma_start3A_64, %dma_start3A_65] : memref<32x79x128xi32, #tpu.memory_space<hbm>> -> memref<1x79x128xi32, #tpu.memory_space<hbm>>
      %dma_start3A_67 = tpu.memref_squeeze %dma_start3A_66 : memref<1x79x128xi32, #tpu.memory_space<hbm>> -> memref<79x128xi32, #tpu.memory_space<hbm>>
      tpu.enqueue_dma source(%dma_start3A_67 : memref<79x128xi32, #tpu.memory_space<hbm>>) target(%arg4 : memref<79x128xi32, #tpu.memory_space<vmem>>) target_semaphore(%run_scoped3A : memref<!tpu.dma_semaphore, #tpu.memory_space<semaphore_mem>>)
      %dma_wait3A = arith.constant 0 : i32
      %dma_wait3A_68 = arith.constant 0 : i32
      %dma_wait3A_69 = tpu.memref_slice %arg2[%add3A, %dma_wait3A, %dma_wait3A_68] : memref<32x79x128xi32, #tpu.memory_space<hbm>> -> memref<1x79x128xi32, #tpu.memory_space<hbm>>
      %dma_wait3A_70 = tpu.memref_squeeze %dma_wait3A_69 : memref<1x79x128xi32, #tpu.memory_space<hbm>> -> memref<79x128xi32, #tpu.memory_space<hbm>>
      %dma_wait3A_71 = arith.constant 0 : i32
      %dma_wait3A_72 = arith.constant 0 : i32
      %dma_wait3A_73 = tpu.memref_slice %arg2[%add3A, %dma_wait3A_71, %dma_wait3A_72] : memref<32x79x128xi32, #tpu.memory_space<hbm>> -> memref<1x79x128xi32, #tpu.memory_space<hbm>>
      %dma_wait3A_74 = tpu.memref_squeeze %dma_wait3A_73 : memref<1x79x128xi32, #tpu.memory_space<hbm>> -> memref<79x128xi32, #tpu.memory_space<hbm>>
      tpu.wait_dma2 semaphore(%run_scoped3A : memref<!tpu.dma_semaphore, #tpu.memory_space<semaphore_mem>>) src(%dma_wait3A_74 : memref<79x128xi32, #tpu.memory_space<hbm>>) dst(%arg4 : memref<79x128xi32, #tpu.memory_space<vmem>>)
      tpu.yield
    }) : () -> ()
    %scan3A_20 = arith.constant 0 : i32
    %scan3A_21 = arith.constant 79 : i32
    %scan3A_22 = arith.addi %scan3A_20, %scan3A_21 : i32
    %scan3A_23 = arith.constant 1 : i32
    scf.for %scan3A_61 = %scan3A_20 to %scan3A_22 step %scan3A_23  : i32 {
      "tpu.region"() ({
        %run_scoped3A = tpu.sem_alloc : memref<!tpu.dma_semaphore, #tpu.memory_space<semaphore_mem>>
        %dma_start3A = arith.constant 0 : i32
        %dma_start3A_62 = tpu.memref_slice %arg4[%scan3A_61, %dma_start3A] : memref<79x128xi32, #tpu.memory_space<vmem>> -> memref<1x128xi32, #tpu.memory_space<vmem>>
        %dma_start3A_63 = tpu.memref_squeeze %dma_start3A_62 : memref<1x128xi32, #tpu.memory_space<vmem>> -> memref<128xi32, #tpu.memory_space<vmem>>
        %dma_start3A_64 = arith.constant 0 : i32
        %dma_start3A_65 = arith.constant 0 : i32
        %dma_start3A_66 = tpu.memref_slice %arg7[%dma_start3A_64, %dma_start3A_65] : memref<10240x16xf32, #tpu.memory_space<vmem_shared>> -> memref<10240x16xf32, #tpu.memory_space<vmem_shared>>
        tpu.enqueue_indirect_dma source(%arg6 : memref<128x16xf32, #tpu.memory_space<vmem>>) target(%dma_start3A_66 : memref<10240x16xf32, #tpu.memory_space<vmem_shared>>) offsets(%dma_start3A_63 : memref<128xi32, #tpu.memory_space<vmem>>) semaphore(%run_scoped3A : memref<!tpu.dma_semaphore, #tpu.memory_space<semaphore_mem>>) {add = true}
        %dma_wait3A = arith.constant 0 : i32
        %dma_wait3A_67 = tpu.memref_slice %arg4[%scan3A_61, %dma_wait3A] : memref<79x128xi32, #tpu.memory_space<vmem>> -> memref<1x128xi32, #tpu.memory_space<vmem>>
        %dma_wait3A_68 = tpu.memref_squeeze %dma_wait3A_67 : memref<1x128xi32, #tpu.memory_space<vmem>> -> memref<128xi32, #tpu.memory_space<vmem>>
        %dma_wait3A_69 = arith.constant 0 : i32
        %dma_wait3A_70 = arith.constant 0 : i32
        %dma_wait3A_71 = tpu.memref_slice %arg7[%dma_wait3A_69, %dma_wait3A_70] : memref<10240x16xf32, #tpu.memory_space<vmem_shared>> -> memref<10240x16xf32, #tpu.memory_space<vmem_shared>>
        tpu.wait_indirect_dma semaphore(%run_scoped3A : memref<!tpu.dma_semaphore, #tpu.memory_space<semaphore_mem>>) src(%arg6 : memref<128x16xf32, #tpu.memory_space<vmem>>) dst(%dma_wait3A_71 : memref<10240x16xf32, #tpu.memory_space<vmem_shared>>)
        tpu.yield
      }) : () -> ()
    }
    %scan3A_24 = arith.constant 79 : i32
    %barrier3A_25 = arith.constant 0 : index
    tpu.barrier barrier_id(%barrier3A_25)
    %add3A_26 = arith.constant 0 : i32
    %add3A_27 = arith.addi %mul3A_9, %add3A_26 : i32
    "tpu.region"() ({
      %run_scoped3A = tpu.sem_alloc : memref<!tpu.dma_semaphore, #tpu.memory_space<semaphore_mem>>
      %dma_start3A = arith.constant 0 : i32
      %dma_start3A_61 = tpu.memref_slice %arg7[%add3A_27, %dma_start3A] : memref<10240x16xf32, #tpu.memory_space<vmem_shared>> -> memref<128x16xf32, #tpu.memory_space<vmem_shared>>
      %dma_start3A_62 = arith.constant 0 : i32
      %dma_start3A_63 = tpu.memref_slice %arg7[%add3A_27, %dma_start3A_62] : memref<10240x16xf32, #tpu.memory_space<vmem_shared>> -> memref<128x16xf32, #tpu.memory_space<vmem_shared>>
      tpu.enqueue_dma source(%dma_start3A_63 : memref<128x16xf32, #tpu.memory_space<vmem_shared>>) target(%arg5 : memref<128x16xf32, #tpu.memory_space<vmem>>) target_semaphore(%run_scoped3A : memref<!tpu.dma_semaphore, #tpu.memory_space<semaphore_mem>>)
      %dma_wait3A = arith.constant 0 : i32
      %dma_wait3A_64 = tpu.memref_slice %arg7[%add3A_27, %dma_wait3A] : memref<10240x16xf32, #tpu.memory_space<vmem_shared>> -> memref<128x16xf32, #tpu.memory_space<vmem_shared>>
      %dma_wait3A_65 = arith.constant 0 : i32
      %dma_wait3A_66 = tpu.memref_slice %arg7[%add3A_27, %dma_wait3A_65] : memref<10240x16xf32, #tpu.memory_space<vmem_shared>> -> memref<128x16xf32, #tpu.memory_space<vmem_shared>>
      tpu.wait_dma2 semaphore(%run_scoped3A : memref<!tpu.dma_semaphore, #tpu.memory_space<semaphore_mem>>) src(%dma_wait3A_66 : memref<128x16xf32, #tpu.memory_space<vmem_shared>>) dst(%arg5 : memref<128x16xf32, #tpu.memory_space<vmem>>)
      tpu.yield
    }) : () -> ()
    %mul3A_28 = arith.constant 10240 : i32
    %mul3A_29 = arith.muli %arg0, %mul3A_28 : i32
    %add3A_30 = arith.addi %mul3A_29, %mul3A_9 : i32
    %add3A_31 = arith.constant 0 : i32
    %add3A_32 = arith.addi %add3A_30, %add3A_31 : i32
    "tpu.region"() ({
      %run_scoped3A = tpu.sem_alloc : memref<!tpu.dma_semaphore, #tpu.memory_space<semaphore_mem>>
      %dma_start3A = arith.constant 0 : i32
      %dma_start3A_61 = tpu.memref_slice %arg3[%add3A_32, %dma_start3A] : memref<20480x16xf32, #tpu.memory_space<hbm>> -> memref<128x16xf32, #tpu.memory_space<hbm>>
      %dma_start3A_62 = arith.constant 0 : i32
      %dma_start3A_63 = tpu.memref_slice %arg3[%add3A_32, %dma_start3A_62] : memref<20480x16xf32, #tpu.memory_space<hbm>> -> memref<128x16xf32, #tpu.memory_space<hbm>>
      tpu.enqueue_dma source(%arg5 : memref<128x16xf32, #tpu.memory_space<vmem>>) target(%dma_start3A_63 : memref<128x16xf32, #tpu.memory_space<hbm>>) target_semaphore(%run_scoped3A : memref<!tpu.dma_semaphore, #tpu.memory_space<semaphore_mem>>)
      %dma_wait3A = arith.constant 0 : i32
      %dma_wait3A_64 = tpu.memref_slice %arg3[%add3A_32, %dma_wait3A] : memref<20480x16xf32, #tpu.memory_space<hbm>> -> memref<128x16xf32, #tpu.memory_space<hbm>>
      %dma_wait3A_65 = arith.constant 0 : i32
      %dma_wait3A_66 = tpu.memref_slice %arg3[%add3A_32, %dma_wait3A_65] : memref<20480x16xf32, #tpu.memory_space<hbm>> -> memref<128x16xf32, #tpu.memory_space<hbm>>
      tpu.wait_dma2 semaphore(%run_scoped3A : memref<!tpu.dma_semaphore, #tpu.memory_space<semaphore_mem>>) src(%arg5 : memref<128x16xf32, #tpu.memory_space<vmem>>) dst(%dma_wait3A_66 : memref<128x16xf32, #tpu.memory_space<hbm>>)
      tpu.yield
    }) : () -> ()
    %add3A_33 = arith.constant 128 : i32
    %add3A_34 = arith.addi %mul3A_9, %add3A_33 : i32
    "tpu.region"() ({
      %run_scoped3A = tpu.sem_alloc : memref<!tpu.dma_semaphore, #tpu.memory_space<semaphore_mem>>
      %dma_start3A = arith.constant 0 : i32
      %dma_start3A_61 = tpu.memref_slice %arg7[%add3A_34, %dma_start3A] : memref<10240x16xf32, #tpu.memory_space<vmem_shared>> -> memref<128x16xf32, #tpu.memory_space<vmem_shared>>
      %dma_start3A_62 = arith.constant 0 : i32
      %dma_start3A_63 = tpu.memref_slice %arg7[%add3A_34, %dma_start3A_62] : memref<10240x16xf32, #tpu.memory_space<vmem_shared>> -> memref<128x16xf32, #tpu.memory_space<vmem_shared>>
      tpu.enqueue_dma source(%dma_start3A_63 : memref<128x16xf32, #tpu.memory_space<vmem_shared>>) target(%arg5 : memref<128x16xf32, #tpu.memory_space<vmem>>) target_semaphore(%run_scoped3A : memref<!tpu.dma_semaphore, #tpu.memory_space<semaphore_mem>>)
      %dma_wait3A = arith.constant 0 : i32
      %dma_wait3A_64 = tpu.memref_slice %arg7[%add3A_34, %dma_wait3A] : memref<10240x16xf32, #tpu.memory_space<vmem_shared>> -> memref<128x16xf32, #tpu.memory_space<vmem_shared>>
      %dma_wait3A_65 = arith.constant 0 : i32
      %dma_wait3A_66 = tpu.memref_slice %arg7[%add3A_34, %dma_wait3A_65] : memref<10240x16xf32, #tpu.memory_space<vmem_shared>> -> memref<128x16xf32, #tpu.memory_space<vmem_shared>>
      tpu.wait_dma2 semaphore(%run_scoped3A : memref<!tpu.dma_semaphore, #tpu.memory_space<semaphore_mem>>) src(%dma_wait3A_66 : memref<128x16xf32, #tpu.memory_space<vmem_shared>>) dst(%arg5 : memref<128x16xf32, #tpu.memory_space<vmem>>)
      tpu.yield
    }) : () -> ()
    %mul3A_35 = arith.constant 10240 : i32
    %mul3A_36 = arith.muli %arg0, %mul3A_35 : i32
    %add3A_37 = arith.addi %mul3A_36, %mul3A_9 : i32
    %add3A_38 = arith.constant 128 : i32
    %add3A_39 = arith.addi %add3A_37, %add3A_38 : i32
    "tpu.region"() ({
      %run_scoped3A = tpu.sem_alloc : memref<!tpu.dma_semaphore, #tpu.memory_space<semaphore_mem>>
      %dma_start3A = arith.constant 0 : i32
      %dma_start3A_61 = tpu.memref_slice %arg3[%add3A_39, %dma_start3A] : memref<20480x16xf32, #tpu.memory_space<hbm>> -> memref<128x16xf32, #tpu.memory_space<hbm>>
      %dma_start3A_62 = arith.constant 0 : i32
      %dma_start3A_63 = tpu.memref_slice %arg3[%add3A_39, %dma_start3A_62] : memref<20480x16xf32, #tpu.memory_space<hbm>> -> memref<128x16xf32, #tpu.memory_space<hbm>>
      tpu.enqueue_dma source(%arg5 : memref<128x16xf32, #tpu.memory_space<vmem>>) target(%dma_start3A_63 : memref<128x16xf32, #tpu.memory_space<hbm>>) target_semaphore(%run_scoped3A : memref<!tpu.dma_semaphore, #tpu.memory_space<semaphore_mem>>)
      %dma_wait3A = arith.constant 0 : i32
      %dma_wait3A_64 = tpu.memref_slice %arg3[%add3A_39, %dma_wait3A] : memref<20480x16xf32, #tpu.memory_space<hbm>> -> memref<128x16xf32, #tpu.memory_space<hbm>>
      %dma_wait3A_65 = arith.constant 0 : i32
      %dma_wait3A_66 = tpu.memref_slice %arg3[%add3A_39, %dma_wait3A_65] : memref<20480x16xf32, #tpu.memory_space<hbm>> -> memref<128x16xf32, #tpu.memory_space<hbm>>
      tpu.wait_dma2 semaphore(%run_scoped3A : memref<!tpu.dma_semaphore, #tpu.memory_space<semaphore_mem>>) src(%arg5 : memref<128x16xf32, #tpu.memory_space<vmem>>) dst(%dma_wait3A_66 : memref<128x16xf32, #tpu.memory_space<hbm>>)
      tpu.yield
    }) : () -> ()
    %add3A_40 = arith.constant 256 : i32
    %add3A_41 = arith.addi %mul3A_9, %add3A_40 : i32
    "tpu.region"() ({
      %run_scoped3A = tpu.sem_alloc : memref<!tpu.dma_semaphore, #tpu.memory_space<semaphore_mem>>
      %dma_start3A = arith.constant 0 : i32
      %dma_start3A_61 = tpu.memref_slice %arg7[%add3A_41, %dma_start3A] : memref<10240x16xf32, #tpu.memory_space<vmem_shared>> -> memref<128x16xf32, #tpu.memory_space<vmem_shared>>
      %dma_start3A_62 = arith.constant 0 : i32
      %dma_start3A_63 = tpu.memref_slice %arg7[%add3A_41, %dma_start3A_62] : memref<10240x16xf32, #tpu.memory_space<vmem_shared>> -> memref<128x16xf32, #tpu.memory_space<vmem_shared>>
      tpu.enqueue_dma source(%dma_start3A_63 : memref<128x16xf32, #tpu.memory_space<vmem_shared>>) target(%arg5 : memref<128x16xf32, #tpu.memory_space<vmem>>) target_semaphore(%run_scoped3A : memref<!tpu.dma_semaphore, #tpu.memory_space<semaphore_mem>>)
      %dma_wait3A = arith.constant 0 : i32
      %dma_wait3A_64 = tpu.memref_slice %arg7[%add3A_41, %dma_wait3A] : memref<10240x16xf32, #tpu.memory_space<vmem_shared>> -> memref<128x16xf32, #tpu.memory_space<vmem_shared>>
      %dma_wait3A_65 = arith.constant 0 : i32
      %dma_wait3A_66 = tpu.memref_slice %arg7[%add3A_41, %dma_wait3A_65] : memref<10240x16xf32, #tpu.memory_space<vmem_shared>> -> memref<128x16xf32, #tpu.memory_space<vmem_shared>>
      tpu.wait_dma2 semaphore(%run_scoped3A : memref<!tpu.dma_semaphore, #tpu.memory_space<semaphore_mem>>) src(%dma_wait3A_66 : memref<128x16xf32, #tpu.memory_space<vmem_shared>>) dst(%arg5 : memref<128x16xf32, #tpu.memory_space<vmem>>)
      tpu.yield
    }) : () -> ()
    %mul3A_42 = arith.constant 10240 : i32
    %mul3A_43 = arith.muli %arg0, %mul3A_42 : i32
    %add3A_44 = arith.addi %mul3A_43, %mul3A_9 : i32
    %add3A_45 = arith.constant 256 : i32
    %add3A_46 = arith.addi %add3A_44, %add3A_45 : i32
    "tpu.region"() ({
      %run_scoped3A = tpu.sem_alloc : memref<!tpu.dma_semaphore, #tpu.memory_space<semaphore_mem>>
      %dma_start3A = arith.constant 0 : i32
      %dma_start3A_61 = tpu.memref_slice %arg3[%add3A_46, %dma_start3A] : memref<20480x16xf32, #tpu.memory_space<hbm>> -> memref<128x16xf32, #tpu.memory_space<hbm>>
      %dma_start3A_62 = arith.constant 0 : i32
      %dma_start3A_63 = tpu.memref_slice %arg3[%add3A_46, %dma_start3A_62] : memref<20480x16xf32, #tpu.memory_space<hbm>> -> memref<128x16xf32, #tpu.memory_space<hbm>>
      tpu.enqueue_dma source(%arg5 : memref<128x16xf32, #tpu.memory_space<vmem>>) target(%dma_start3A_63 : memref<128x16xf32, #tpu.memory_space<hbm>>) target_semaphore(%run_scoped3A : memref<!tpu.dma_semaphore, #tpu.memory_space<semaphore_mem>>)
      %dma_wait3A = arith.constant 0 : i32
      %dma_wait3A_64 = tpu.memref_slice %arg3[%add3A_46, %dma_wait3A] : memref<20480x16xf32, #tpu.memory_space<hbm>> -> memref<128x16xf32, #tpu.memory_space<hbm>>
      %dma_wait3A_65 = arith.constant 0 : i32
      %dma_wait3A_66 = tpu.memref_slice %arg3[%add3A_46, %dma_wait3A_65] : memref<20480x16xf32, #tpu.memory_space<hbm>> -> memref<128x16xf32, #tpu.memory_space<hbm>>
      tpu.wait_dma2 semaphore(%run_scoped3A : memref<!tpu.dma_semaphore, #tpu.memory_space<semaphore_mem>>) src(%arg5 : memref<128x16xf32, #tpu.memory_space<vmem>>) dst(%dma_wait3A_66 : memref<128x16xf32, #tpu.memory_space<hbm>>)
      tpu.yield
    }) : () -> ()
    %add3A_47 = arith.constant 384 : i32
    %add3A_48 = arith.addi %mul3A_9, %add3A_47 : i32
    "tpu.region"() ({
      %run_scoped3A = tpu.sem_alloc : memref<!tpu.dma_semaphore, #tpu.memory_space<semaphore_mem>>
      %dma_start3A = arith.constant 0 : i32
      %dma_start3A_61 = tpu.memref_slice %arg7[%add3A_48, %dma_start3A] : memref<10240x16xf32, #tpu.memory_space<vmem_shared>> -> memref<128x16xf32, #tpu.memory_space<vmem_shared>>
      %dma_start3A_62 = arith.constant 0 : i32
      %dma_start3A_63 = tpu.memref_slice %arg7[%add3A_48, %dma_start3A_62] : memref<10240x16xf32, #tpu.memory_space<vmem_shared>> -> memref<128x16xf32, #tpu.memory_space<vmem_shared>>
      tpu.enqueue_dma source(%dma_start3A_63 : memref<128x16xf32, #tpu.memory_space<vmem_shared>>) target(%arg5 : memref<128x16xf32, #tpu.memory_space<vmem>>) target_semaphore(%run_scoped3A : memref<!tpu.dma_semaphore, #tpu.memory_space<semaphore_mem>>)
      %dma_wait3A = arith.constant 0 : i32
      %dma_wait3A_64 = tpu.memref_slice %arg7[%add3A_48, %dma_wait3A] : memref<10240x16xf32, #tpu.memory_space<vmem_shared>> -> memref<128x16xf32, #tpu.memory_space<vmem_shared>>
      %dma_wait3A_65 = arith.constant 0 : i32
      %dma_wait3A_66 = tpu.memref_slice %arg7[%add3A_48, %dma_wait3A_65] : memref<10240x16xf32, #tpu.memory_space<vmem_shared>> -> memref<128x16xf32, #tpu.memory_space<vmem_shared>>
      tpu.wait_dma2 semaphore(%run_scoped3A : memref<!tpu.dma_semaphore, #tpu.memory_space<semaphore_mem>>) src(%dma_wait3A_66 : memref<128x16xf32, #tpu.memory_space<vmem_shared>>) dst(%arg5 : memref<128x16xf32, #tpu.memory_space<vmem>>)
      tpu.yield
    }) : () -> ()
    %mul3A_49 = arith.constant 10240 : i32
    %mul3A_50 = arith.muli %arg0, %mul3A_49 : i32
    %add3A_51 = arith.addi %mul3A_50, %mul3A_9 : i32
    %add3A_52 = arith.constant 384 : i32
    %add3A_53 = arith.addi %add3A_51, %add3A_52 : i32
    "tpu.region"() ({
      %run_scoped3A = tpu.sem_alloc : memref<!tpu.dma_semaphore, #tpu.memory_space<semaphore_mem>>
      %dma_start3A = arith.constant 0 : i32
      %dma_start3A_61 = tpu.memref_slice %arg3[%add3A_53, %dma_start3A] : memref<20480x16xf32, #tpu.memory_space<hbm>> -> memref<128x16xf32, #tpu.memory_space<hbm>>
      %dma_start3A_62 = arith.constant 0 : i32
      %dma_start3A_63 = tpu.memref_slice %arg3[%add3A_53, %dma_start3A_62] : memref<20480x16xf32, #tpu.memory_space<hbm>> -> memref<128x16xf32, #tpu.memory_space<hbm>>
      tpu.enqueue_dma source(%arg5 : memref<128x16xf32, #tpu.memory_space<vmem>>) target(%dma_start3A_63 : memref<128x16xf32, #tpu.memory_space<hbm>>) target_semaphore(%run_scoped3A : memref<!tpu.dma_semaphore, #tpu.memory_space<semaphore_mem>>)
      %dma_wait3A = arith.constant 0 : i32
      %dma_wait3A_64 = tpu.memref_slice %arg3[%add3A_53, %dma_wait3A] : memref<20480x16xf32, #tpu.memory_space<hbm>> -> memref<128x16xf32, #tpu.memory_space<hbm>>
      %dma_wait3A_65 = arith.constant 0 : i32
      %dma_wait3A_66 = tpu.memref_slice %arg3[%add3A_53, %dma_wait3A_65] : memref<20480x16xf32, #tpu.memory_space<hbm>> -> memref<128x16xf32, #tpu.memory_space<hbm>>
      tpu.wait_dma2 semaphore(%run_scoped3A : memref<!tpu.dma_semaphore, #tpu.memory_space<semaphore_mem>>) src(%arg5 : memref<128x16xf32, #tpu.memory_space<vmem>>) dst(%dma_wait3A_66 : memref<128x16xf32, #tpu.memory_space<hbm>>)
      tpu.yield
    }) : () -> ()
    %add3A_54 = arith.constant 512 : i32
    %add3A_55 = arith.addi %mul3A_9, %add3A_54 : i32
    "tpu.region"() ({
      %run_scoped3A = tpu.sem_alloc : memref<!tpu.dma_semaphore, #tpu.memory_space<semaphore_mem>>
      %dma_start3A = arith.constant 0 : i32
      %dma_start3A_61 = tpu.memref_slice %arg7[%add3A_55, %dma_start3A] : memref<10240x16xf32, #tpu.memory_space<vmem_shared>> -> memref<128x16xf32, #tpu.memory_space<vmem_shared>>
      %dma_start3A_62 = arith.constant 0 : i32
      %dma_start3A_63 = tpu.memref_slice %arg7[%add3A_55, %dma_start3A_62] : memref<10240x16xf32, #tpu.memory_space<vmem_shared>> -> memref<128x16xf32, #tpu.memory_space<vmem_shared>>
      tpu.enqueue_dma source(%dma_start3A_63 : memref<128x16xf32, #tpu.memory_space<vmem_shared>>) target(%arg5 : memref<128x16xf32, #tpu.memory_space<vmem>>) target_semaphore(%run_scoped3A : memref<!tpu.dma_semaphore, #tpu.memory_space<semaphore_mem>>)
      %dma_wait3A = arith.constant 0 : i32
      %dma_wait3A_64 = tpu.memref_slice %arg7[%add3A_55, %dma_wait3A] : memref<10240x16xf32, #tpu.memory_space<vmem_shared>> -> memref<128x16xf32, #tpu.memory_space<vmem_shared>>
      %dma_wait3A_65 = arith.constant 0 : i32
      %dma_wait3A_66 = tpu.memref_slice %arg7[%add3A_55, %dma_wait3A_65] : memref<10240x16xf32, #tpu.memory_space<vmem_shared>> -> memref<128x16xf32, #tpu.memory_space<vmem_shared>>
      tpu.wait_dma2 semaphore(%run_scoped3A : memref<!tpu.dma_semaphore, #tpu.memory_space<semaphore_mem>>) src(%dma_wait3A_66 : memref<128x16xf32, #tpu.memory_space<vmem_shared>>) dst(%arg5 : memref<128x16xf32, #tpu.memory_space<vmem>>)
      tpu.yield
    }) : () -> ()
    %mul3A_56 = arith.constant 10240 : i32
    %mul3A_57 = arith.muli %arg0, %mul3A_56 : i32
    %add3A_58 = arith.addi %mul3A_57, %mul3A_9 : i32
    %add3A_59 = arith.constant 512 : i32
    %add3A_60 = arith.addi %add3A_58, %add3A_59 : i32
    "tpu.region"() ({
      %run_scoped3A = tpu.sem_alloc : memref<!tpu.dma_semaphore, #tpu.memory_space<semaphore_mem>>
      %dma_start3A = arith.constant 0 : i32
      %dma_start3A_61 = tpu.memref_slice %arg3[%add3A_60, %dma_start3A] : memref<20480x16xf32, #tpu.memory_space<hbm>> -> memref<128x16xf32, #tpu.memory_space<hbm>>
      %dma_start3A_62 = arith.constant 0 : i32
      %dma_start3A_63 = tpu.memref_slice %arg3[%add3A_60, %dma_start3A_62] : memref<20480x16xf32, #tpu.memory_space<hbm>> -> memref<128x16xf32, #tpu.memory_space<hbm>>
      tpu.enqueue_dma source(%arg5 : memref<128x16xf32, #tpu.memory_space<vmem>>) target(%dma_start3A_63 : memref<128x16xf32, #tpu.memory_space<hbm>>) target_semaphore(%run_scoped3A : memref<!tpu.dma_semaphore, #tpu.memory_space<semaphore_mem>>)
      %dma_wait3A = arith.constant 0 : i32
      %dma_wait3A_64 = tpu.memref_slice %arg3[%add3A_60, %dma_wait3A] : memref<20480x16xf32, #tpu.memory_space<hbm>> -> memref<128x16xf32, #tpu.memory_space<hbm>>
      %dma_wait3A_65 = arith.constant 0 : i32
      %dma_wait3A_66 = tpu.memref_slice %arg3[%add3A_60, %dma_wait3A_65] : memref<20480x16xf32, #tpu.memory_space<hbm>> -> memref<128x16xf32, #tpu.memory_space<hbm>>
      tpu.wait_dma2 semaphore(%run_scoped3A : memref<!tpu.dma_semaphore, #tpu.memory_space<semaphore_mem>>) src(%arg5 : memref<128x16xf32, #tpu.memory_space<vmem>>) dst(%dma_wait3A_66 : memref<128x16xf32, #tpu.memory_space<hbm>>)
      tpu.yield
    }) : () -> ()
    return
  }
}

#map = affine_map<(d0, d1) -> (0, 0)>
#map1 = affine_map<(d0, d1) -> (0, 0, 0)>
module attributes {stable_mosaic.version = 14 : i64} {
  func.func @k(%arg0: i32, %arg1: i32, %arg2: memref<20480x64xf32, #tpu.memory_space<hbm>>, %arg3: memref<32x160x128xi32, #tpu.memory_space<hbm>>, %arg4: memref<32x160x128xi32, #tpu.memory_space<hbm>>, %arg5: memref<20480x64xf32, #tpu.memory_space<hbm>>, %arg6: memref<160x128xi32, #tpu.memory_space<vmem>>, %arg7: memref<160x128xi32, #tpu.memory_space<vmem>>, %arg8: memref<128x64xf32, #tpu.memory_space<vmem>>, %arg9: memref<128x64xf32, #tpu.memory_space<vmem>>, %arg10: memref<10240x64xf32, #tpu.memory_space<vmem_shared>>, %arg11: memref<!tpu.dma_semaphore, #tpu.memory_space<semaphore_mem>>, %arg12: memref<!tpu.dma_semaphore, #tpu.memory_space<semaphore_mem>>) attributes {dimension_semantics = [#tpu.dimension_semantics<core_parallel>, #tpu.dimension_semantics<subcore_parallel>], iteration_bounds = array<i64: 2, 16>, scalar_prefetch = 0 : i64, scratch_operands = 7 : i64, tpu.core_type = #tpu.core_type<sc_vector_subcore>, window_params = [{transform_indices = #map}, {transform_indices = #map1}, {transform_indices = #map1}, {transform_indices = #map}]} {
    %mul3A = arith.constant 16 : i32
    %mul3A_0 = arith.muli %arg0, %mul3A : i32
    %add3A = arith.addi %mul3A_0, %arg1 : i32
    %broadcast_in_dim3A = arith.constant 0.000000e+00 : f32
    %broadcast_in_dim3A_1 = vector.broadcast %broadcast_in_dim3A : f32 to vector<16xf32>
    %scan3A = arith.constant 0 : i32
    %scan3A_2 = arith.constant 128 : i32
    %scan3A_3 = arith.addi %scan3A, %scan3A_2 : i32
    %scan3A_4 = arith.constant 1 : i32
    scf.for %scan3A_85 = %scan3A to %scan3A_3 step %scan3A_4  : i32 {
      %swap3A = arith.index_cast %scan3A_85 : i32 to index
      %swap3A_86 = arith.constant 0 : index
      %swap3A_87 = tpu.vector_load %arg8[%swap3A, %swap3A_86] {strides = array<i32>} : memref<128x64xf32, #tpu.memory_space<vmem>>, vector<1x16xf32>,
      %swap3A_88 = vector.shape_cast %swap3A_87 : vector<1x16xf32> to vector<16xf32>
      %swap3A_89 = vector.shape_cast %broadcast_in_dim3A_1 : vector<16xf32> to vector<1x16xf32>
      tpu.vector_store %arg8[%swap3A, %swap3A_86], %swap3A_89 {strides = array<i32>} : memref<128x64xf32, #tpu.memory_space<vmem>>, vector<1x16xf32>,
      %swap3A_90 = arith.index_cast %scan3A_85 : i32 to index
      %swap3A_91 = arith.constant 16 : index
      %swap3A_92 = tpu.vector_load %arg8[%swap3A_90, %swap3A_91] {strides = array<i32>} : memref<128x64xf32, #tpu.memory_space<vmem>>, vector<1x16xf32>,
      %swap3A_93 = vector.shape_cast %swap3A_92 : vector<1x16xf32> to vector<16xf32>
      %swap3A_94 = vector.shape_cast %broadcast_in_dim3A_1 : vector<16xf32> to vector<1x16xf32>
      tpu.vector_store %arg8[%swap3A_90, %swap3A_91], %swap3A_94 {strides = array<i32>} : memref<128x64xf32, #tpu.memory_space<vmem>>, vector<1x16xf32>,
      %swap3A_95 = arith.index_cast %scan3A_85 : i32 to index
      %swap3A_96 = arith.constant 32 : index
      %swap3A_97 = tpu.vector_load %arg8[%swap3A_95, %swap3A_96] {strides = array<i32>} : memref<128x64xf32, #tpu.memory_space<vmem>>, vector<1x16xf32>,
      %swap3A_98 = vector.shape_cast %swap3A_97 : vector<1x16xf32> to vector<16xf32>
      %swap3A_99 = vector.shape_cast %broadcast_in_dim3A_1 : vector<16xf32> to vector<1x16xf32>
      tpu.vector_store %arg8[%swap3A_95, %swap3A_96], %swap3A_99 {strides = array<i32>} : memref<128x64xf32, #tpu.memory_space<vmem>>, vector<1x16xf32>,
      %swap3A_100 = arith.index_cast %scan3A_85 : i32 to index
      %swap3A_101 = arith.constant 48 : index
      %swap3A_102 = tpu.vector_load %arg8[%swap3A_100, %swap3A_101] {strides = array<i32>} : memref<128x64xf32, #tpu.memory_space<vmem>>, vector<1x16xf32>,
      %swap3A_103 = vector.shape_cast %swap3A_102 : vector<1x16xf32> to vector<16xf32>
      %swap3A_104 = vector.shape_cast %broadcast_in_dim3A_1 : vector<16xf32> to vector<1x16xf32>
      tpu.vector_store %arg8[%swap3A_100, %swap3A_101], %swap3A_104 {strides = array<i32>} : memref<128x64xf32, #tpu.memory_space<vmem>>, vector<1x16xf32>,
    }
    %scan3A_5 = arith.constant 128 : i32
    %mul3A_6 = arith.constant 640 : i32
    %mul3A_7 = arith.muli %arg1, %mul3A_6 : i32
    %add3A_8 = arith.constant 0 : i32
    %add3A_9 = arith.addi %mul3A_7, %add3A_8 : i32
    "tpu.region"() ({
      %run_scoped3A = tpu.sem_alloc : memref<!tpu.dma_semaphore, #tpu.memory_space<semaphore_mem>>
      %dma_start3A_85 = arith.constant 0 : i32
      %dma_start3A_86 = tpu.memref_slice %arg10[%add3A_9, %dma_start3A_85] : memref<10240x64xf32, #tpu.memory_space<vmem_shared>> -> memref<128x64xf32, #tpu.memory_space<vmem_shared>>
      %dma_start3A_87 = arith.constant 0 : i32
      %dma_start3A_88 = tpu.memref_slice %arg10[%add3A_9, %dma_start3A_87] : memref<10240x64xf32, #tpu.memory_space<vmem_shared>> -> memref<128x64xf32, #tpu.memory_space<vmem_shared>>
      tpu.enqueue_dma source(%arg8 : memref<128x64xf32, #tpu.memory_space<vmem>>) target(%dma_start3A_88 : memref<128x64xf32, #tpu.memory_space<vmem_shared>>) target_semaphore(%run_scoped3A : memref<!tpu.dma_semaphore, #tpu.memory_space<semaphore_mem>>)
      %dma_wait3A_89 = arith.constant 0 : i32
      %dma_wait3A_90 = tpu.memref_slice %arg10[%add3A_9, %dma_wait3A_89] : memref<10240x64xf32, #tpu.memory_space<vmem_shared>> -> memref<128x64xf32, #tpu.memory_space<vmem_shared>>
      %dma_wait3A_91 = arith.constant 0 : i32
      %dma_wait3A_92 = tpu.memref_slice %arg10[%add3A_9, %dma_wait3A_91] : memref<10240x64xf32, #tpu.memory_space<vmem_shared>> -> memref<128x64xf32, #tpu.memory_space<vmem_shared>>
      tpu.wait_dma2 semaphore(%run_scoped3A : memref<!tpu.dma_semaphore, #tpu.memory_space<semaphore_mem>>) src(%arg8 : memref<128x64xf32, #tpu.memory_space<vmem>>) dst(%dma_wait3A_92 : memref<128x64xf32, #tpu.memory_space<vmem_shared>>)
      tpu.yield
    }) : () -> ()
    %add3A_10 = arith.constant 128 : i32
    %add3A_11 = arith.addi %mul3A_7, %add3A_10 : i32
    "tpu.region"() ({
      %run_scoped3A = tpu.sem_alloc : memref<!tpu.dma_semaphore, #tpu.memory_space<semaphore_mem>>
      %dma_start3A_85 = arith.constant 0 : i32
      %dma_start3A_86 = tpu.memref_slice %arg10[%add3A_11, %dma_start3A_85] : memref<10240x64xf32, #tpu.memory_space<vmem_shared>> -> memref<128x64xf32, #tpu.memory_space<vmem_shared>>
      %dma_start3A_87 = arith.constant 0 : i32
      %dma_start3A_88 = tpu.memref_slice %arg10[%add3A_11, %dma_start3A_87] : memref<10240x64xf32, #tpu.memory_space<vmem_shared>> -> memref<128x64xf32, #tpu.memory_space<vmem_shared>>
      tpu.enqueue_dma source(%arg8 : memref<128x64xf32, #tpu.memory_space<vmem>>) target(%dma_start3A_88 : memref<128x64xf32, #tpu.memory_space<vmem_shared>>) target_semaphore(%run_scoped3A : memref<!tpu.dma_semaphore, #tpu.memory_space<semaphore_mem>>)
      %dma_wait3A_89 = arith.constant 0 : i32
      %dma_wait3A_90 = tpu.memref_slice %arg10[%add3A_11, %dma_wait3A_89] : memref<10240x64xf32, #tpu.memory_space<vmem_shared>> -> memref<128x64xf32, #tpu.memory_space<vmem_shared>>
      %dma_wait3A_91 = arith.constant 0 : i32
      %dma_wait3A_92 = tpu.memref_slice %arg10[%add3A_11, %dma_wait3A_91] : memref<10240x64xf32, #tpu.memory_space<vmem_shared>> -> memref<128x64xf32, #tpu.memory_space<vmem_shared>>
      tpu.wait_dma2 semaphore(%run_scoped3A : memref<!tpu.dma_semaphore, #tpu.memory_space<semaphore_mem>>) src(%arg8 : memref<128x64xf32, #tpu.memory_space<vmem>>) dst(%dma_wait3A_92 : memref<128x64xf32, #tpu.memory_space<vmem_shared>>)
      tpu.yield
    }) : () -> ()
    %add3A_12 = arith.constant 256 : i32
    %add3A_13 = arith.addi %mul3A_7, %add3A_12 : i32
    "tpu.region"() ({
      %run_scoped3A = tpu.sem_alloc : memref<!tpu.dma_semaphore, #tpu.memory_space<semaphore_mem>>
      %dma_start3A_85 = arith.constant 0 : i32
      %dma_start3A_86 = tpu.memref_slice %arg10[%add3A_13, %dma_start3A_85] : memref<10240x64xf32, #tpu.memory_space<vmem_shared>> -> memref<128x64xf32, #tpu.memory_space<vmem_shared>>
      %dma_start3A_87 = arith.constant 0 : i32
      %dma_start3A_88 = tpu.memref_slice %arg10[%add3A_13, %dma_start3A_87] : memref<10240x64xf32, #tpu.memory_space<vmem_shared>> -> memref<128x64xf32, #tpu.memory_space<vmem_shared>>
      tpu.enqueue_dma source(%arg8 : memref<128x64xf32, #tpu.memory_space<vmem>>) target(%dma_start3A_88 : memref<128x64xf32, #tpu.memory_space<vmem_shared>>) target_semaphore(%run_scoped3A : memref<!tpu.dma_semaphore, #tpu.memory_space<semaphore_mem>>)
      %dma_wait3A_89 = arith.constant 0 : i32
      %dma_wait3A_90 = tpu.memref_slice %arg10[%add3A_13, %dma_wait3A_89] : memref<10240x64xf32, #tpu.memory_space<vmem_shared>> -> memref<128x64xf32, #tpu.memory_space<vmem_shared>>
      %dma_wait3A_91 = arith.constant 0 : i32
      %dma_wait3A_92 = tpu.memref_slice %arg10[%add3A_13, %dma_wait3A_91] : memref<10240x64xf32, #tpu.memory_space<vmem_shared>> -> memref<128x64xf32, #tpu.memory_space<vmem_shared>>
      tpu.wait_dma2 semaphore(%run_scoped3A : memref<!tpu.dma_semaphore, #tpu.memory_space<semaphore_mem>>) src(%arg8 : memref<128x64xf32, #tpu.memory_space<vmem>>) dst(%dma_wait3A_92 : memref<128x64xf32, #tpu.memory_space<vmem_shared>>)
      tpu.yield
    }) : () -> ()
    %add3A_14 = arith.constant 384 : i32
    %add3A_15 = arith.addi %mul3A_7, %add3A_14 : i32
    "tpu.region"() ({
      %run_scoped3A = tpu.sem_alloc : memref<!tpu.dma_semaphore, #tpu.memory_space<semaphore_mem>>
      %dma_start3A_85 = arith.constant 0 : i32
      %dma_start3A_86 = tpu.memref_slice %arg10[%add3A_15, %dma_start3A_85] : memref<10240x64xf32, #tpu.memory_space<vmem_shared>> -> memref<128x64xf32, #tpu.memory_space<vmem_shared>>
      %dma_start3A_87 = arith.constant 0 : i32
      %dma_start3A_88 = tpu.memref_slice %arg10[%add3A_15, %dma_start3A_87] : memref<10240x64xf32, #tpu.memory_space<vmem_shared>> -> memref<128x64xf32, #tpu.memory_space<vmem_shared>>
      tpu.enqueue_dma source(%arg8 : memref<128x64xf32, #tpu.memory_space<vmem>>) target(%dma_start3A_88 : memref<128x64xf32, #tpu.memory_space<vmem_shared>>) target_semaphore(%run_scoped3A : memref<!tpu.dma_semaphore, #tpu.memory_space<semaphore_mem>>)
      %dma_wait3A_89 = arith.constant 0 : i32
      %dma_wait3A_90 = tpu.memref_slice %arg10[%add3A_15, %dma_wait3A_89] : memref<10240x64xf32, #tpu.memory_space<vmem_shared>> -> memref<128x64xf32, #tpu.memory_space<vmem_shared>>
      %dma_wait3A_91 = arith.constant 0 : i32
      %dma_wait3A_92 = tpu.memref_slice %arg10[%add3A_15, %dma_wait3A_91] : memref<10240x64xf32, #tpu.memory_space<vmem_shared>> -> memref<128x64xf32, #tpu.memory_space<vmem_shared>>
      tpu.wait_dma2 semaphore(%run_scoped3A : memref<!tpu.dma_semaphore, #tpu.memory_space<semaphore_mem>>) src(%arg8 : memref<128x64xf32, #tpu.memory_space<vmem>>) dst(%dma_wait3A_92 : memref<128x64xf32, #tpu.memory_space<vmem_shared>>)
      tpu.yield
    }) : () -> ()
    %add3A_16 = arith.constant 512 : i32
    %add3A_17 = arith.addi %mul3A_7, %add3A_16 : i32
    "tpu.region"() ({
      %run_scoped3A = tpu.sem_alloc : memref<!tpu.dma_semaphore, #tpu.memory_space<semaphore_mem>>
      %dma_start3A_85 = arith.constant 0 : i32
      %dma_start3A_86 = tpu.memref_slice %arg10[%add3A_17, %dma_start3A_85] : memref<10240x64xf32, #tpu.memory_space<vmem_shared>> -> memref<128x64xf32, #tpu.memory_space<vmem_shared>>
      %dma_start3A_87 = arith.constant 0 : i32
      %dma_start3A_88 = tpu.memref_slice %arg10[%add3A_17, %dma_start3A_87] : memref<10240x64xf32, #tpu.memory_space<vmem_shared>> -> memref<128x64xf32, #tpu.memory_space<vmem_shared>>
      tpu.enqueue_dma source(%arg8 : memref<128x64xf32, #tpu.memory_space<vmem>>) target(%dma_start3A_88 : memref<128x64xf32, #tpu.memory_space<vmem_shared>>) target_semaphore(%run_scoped3A : memref<!tpu.dma_semaphore, #tpu.memory_space<semaphore_mem>>)
      %dma_wait3A_89 = arith.constant 0 : i32
      %dma_wait3A_90 = tpu.memref_slice %arg10[%add3A_17, %dma_wait3A_89] : memref<10240x64xf32, #tpu.memory_space<vmem_shared>> -> memref<128x64xf32, #tpu.memory_space<vmem_shared>>
      %dma_wait3A_91 = arith.constant 0 : i32
      %dma_wait3A_92 = tpu.memref_slice %arg10[%add3A_17, %dma_wait3A_91] : memref<10240x64xf32, #tpu.memory_space<vmem_shared>> -> memref<128x64xf32, #tpu.memory_space<vmem_shared>>
      tpu.wait_dma2 semaphore(%run_scoped3A : memref<!tpu.dma_semaphore, #tpu.memory_space<semaphore_mem>>) src(%arg8 : memref<128x64xf32, #tpu.memory_space<vmem>>) dst(%dma_wait3A_92 : memref<128x64xf32, #tpu.memory_space<vmem_shared>>)
      tpu.yield
    }) : () -> ()
    %barrier3A = arith.constant 0 : index
    tpu.barrier barrier_id(%barrier3A)
    "tpu.region"() ({
      %run_scoped3A = tpu.sem_alloc : memref<!tpu.dma_semaphore, #tpu.memory_space<semaphore_mem>>
      %dma_start3A_85 = arith.constant 0 : i32
      %dma_start3A_86 = arith.constant 0 : i32
      %dma_start3A_87 = tpu.memref_slice %arg3[%add3A, %dma_start3A_85, %dma_start3A_86] : memref<32x160x128xi32, #tpu.memory_space<hbm>> -> memref<1x160x128xi32, #tpu.memory_space<hbm>>
      %dma_start3A_88 = tpu.memref_squeeze %dma_start3A_87 : memref<1x160x128xi32, #tpu.memory_space<hbm>> -> memref<160x128xi32, #tpu.memory_space<hbm>>
      %dma_start3A_89 = arith.constant 0 : i32
      %dma_start3A_90 = arith.constant 0 : i32
      %dma_start3A_91 = tpu.memref_slice %arg3[%add3A, %dma_start3A_89, %dma_start3A_90] : memref<32x160x128xi32, #tpu.memory_space<hbm>> -> memref<1x160x128xi32, #tpu.memory_space<hbm>>
      %dma_start3A_92 = tpu.memref_squeeze %dma_start3A_91 : memref<1x160x128xi32, #tpu.memory_space<hbm>> -> memref<160x128xi32, #tpu.memory_space<hbm>>
      tpu.enqueue_dma source(%dma_start3A_92 : memref<160x128xi32, #tpu.memory_space<hbm>>) target(%arg6 : memref<160x128xi32, #tpu.memory_space<vmem>>) target_semaphore(%run_scoped3A : memref<!tpu.dma_semaphore, #tpu.memory_space<semaphore_mem>>)
      %dma_wait3A_93 = arith.constant 0 : i32
      %dma_wait3A_94 = arith.constant 0 : i32
      %dma_wait3A_95 = tpu.memref_slice %arg3[%add3A, %dma_wait3A_93, %dma_wait3A_94] : memref<32x160x128xi32, #tpu.memory_space<hbm>> -> memref<1x160x128xi32, #tpu.memory_space<hbm>>
      %dma_wait3A_96 = tpu.memref_squeeze %dma_wait3A_95 : memref<1x160x128xi32, #tpu.memory_space<hbm>> -> memref<160x128xi32, #tpu.memory_space<hbm>>
      %dma_wait3A_97 = arith.constant 0 : i32
      %dma_wait3A_98 = arith.constant 0 : i32
      %dma_wait3A_99 = tpu.memref_slice %arg3[%add3A, %dma_wait3A_97, %dma_wait3A_98] : memref<32x160x128xi32, #tpu.memory_space<hbm>> -> memref<1x160x128xi32, #tpu.memory_space<hbm>>
      %dma_wait3A_100 = tpu.memref_squeeze %dma_wait3A_99 : memref<1x160x128xi32, #tpu.memory_space<hbm>> -> memref<160x128xi32, #tpu.memory_space<hbm>>
      tpu.wait_dma2 semaphore(%run_scoped3A : memref<!tpu.dma_semaphore, #tpu.memory_space<semaphore_mem>>) src(%dma_wait3A_100 : memref<160x128xi32, #tpu.memory_space<hbm>>) dst(%arg6 : memref<160x128xi32, #tpu.memory_space<vmem>>)
      tpu.yield
    }) : () -> ()
    "tpu.region"() ({
      %run_scoped3A = tpu.sem_alloc : memref<!tpu.dma_semaphore, #tpu.memory_space<semaphore_mem>>
      %dma_start3A_85 = arith.constant 0 : i32
      %dma_start3A_86 = arith.constant 0 : i32
      %dma_start3A_87 = tpu.memref_slice %arg4[%add3A, %dma_start3A_85, %dma_start3A_86] : memref<32x160x128xi32, #tpu.memory_space<hbm>> -> memref<1x160x128xi32, #tpu.memory_space<hbm>>
      %dma_start3A_88 = tpu.memref_squeeze %dma_start3A_87 : memref<1x160x128xi32, #tpu.memory_space<hbm>> -> memref<160x128xi32, #tpu.memory_space<hbm>>
      %dma_start3A_89 = arith.constant 0 : i32
      %dma_start3A_90 = arith.constant 0 : i32
      %dma_start3A_91 = tpu.memref_slice %arg4[%add3A, %dma_start3A_89, %dma_start3A_90] : memref<32x160x128xi32, #tpu.memory_space<hbm>> -> memref<1x160x128xi32, #tpu.memory_space<hbm>>
      %dma_start3A_92 = tpu.memref_squeeze %dma_start3A_91 : memref<1x160x128xi32, #tpu.memory_space<hbm>> -> memref<160x128xi32, #tpu.memory_space<hbm>>
      tpu.enqueue_dma source(%dma_start3A_92 : memref<160x128xi32, #tpu.memory_space<hbm>>) target(%arg7 : memref<160x128xi32, #tpu.memory_space<vmem>>) target_semaphore(%run_scoped3A : memref<!tpu.dma_semaphore, #tpu.memory_space<semaphore_mem>>)
      %dma_wait3A_93 = arith.constant 0 : i32
      %dma_wait3A_94 = arith.constant 0 : i32
      %dma_wait3A_95 = tpu.memref_slice %arg4[%add3A, %dma_wait3A_93, %dma_wait3A_94] : memref<32x160x128xi32, #tpu.memory_space<hbm>> -> memref<1x160x128xi32, #tpu.memory_space<hbm>>
      %dma_wait3A_96 = tpu.memref_squeeze %dma_wait3A_95 : memref<1x160x128xi32, #tpu.memory_space<hbm>> -> memref<160x128xi32, #tpu.memory_space<hbm>>
      %dma_wait3A_97 = arith.constant 0 : i32
      %dma_wait3A_98 = arith.constant 0 : i32
      %dma_wait3A_99 = tpu.memref_slice %arg4[%add3A, %dma_wait3A_97, %dma_wait3A_98] : memref<32x160x128xi32, #tpu.memory_space<hbm>> -> memref<1x160x128xi32, #tpu.memory_space<hbm>>
      %dma_wait3A_100 = tpu.memref_squeeze %dma_wait3A_99 : memref<1x160x128xi32, #tpu.memory_space<hbm>> -> memref<160x128xi32, #tpu.memory_space<hbm>>
      tpu.wait_dma2 semaphore(%run_scoped3A : memref<!tpu.dma_semaphore, #tpu.memory_space<semaphore_mem>>) src(%dma_wait3A_100 : memref<160x128xi32, #tpu.memory_space<hbm>>) dst(%arg7 : memref<160x128xi32, #tpu.memory_space<vmem>>)
      tpu.yield
    }) : () -> ()
    %dma_start3A = arith.constant 0 : i32
    %dma_start3A_18 = arith.constant 0 : i32
    %dma_start3A_19 = tpu.memref_slice %arg6[%dma_start3A, %dma_start3A_18] : memref<160x128xi32, #tpu.memory_space<vmem>> -> memref<1x128xi32, #tpu.memory_space<vmem>>
    %dma_start3A_20 = tpu.memref_squeeze %dma_start3A_19 : memref<1x128xi32, #tpu.memory_space<vmem>> -> memref<128xi32, #tpu.memory_space<vmem>>
    %dma_start3A_21 = arith.constant 0 : i32
    %dma_start3A_22 = arith.constant 0 : i32
    %dma_start3A_23 = tpu.memref_slice %arg2[%dma_start3A_21, %dma_start3A_22] : memref<20480x64xf32, #tpu.memory_space<hbm>> -> memref<20480x64xf32, #tpu.memory_space<hbm>>
    tpu.enqueue_indirect_dma source(%dma_start3A_23 : memref<20480x64xf32, #tpu.memory_space<hbm>>) target(%arg8 : memref<128x64xf32, #tpu.memory_space<vmem>>) offsets(%dma_start3A_20 : memref<128xi32, #tpu.memory_space<vmem>>) semaphore(%arg11 : memref<!tpu.dma_semaphore, #tpu.memory_space<semaphore_mem>>)
    %dma_start3A_24 = arith.constant 1 : i32
    %dma_start3A_25 = arith.constant 0 : i32
    %dma_start3A_26 = tpu.memref_slice %arg6[%dma_start3A_24, %dma_start3A_25] : memref<160x128xi32, #tpu.memory_space<vmem>> -> memref<1x128xi32, #tpu.memory_space<vmem>>
    %dma_start3A_27 = tpu.memref_squeeze %dma_start3A_26 : memref<1x128xi32, #tpu.memory_space<vmem>> -> memref<128xi32, #tpu.memory_space<vmem>>
    %dma_start3A_28 = arith.constant 0 : i32
    %dma_start3A_29 = arith.constant 0 : i32
    %dma_start3A_30 = tpu.memref_slice %arg2[%dma_start3A_28, %dma_start3A_29] : memref<20480x64xf32, #tpu.memory_space<hbm>> -> memref<20480x64xf32, #tpu.memory_space<hbm>>
    tpu.enqueue_indirect_dma source(%dma_start3A_30 : memref<20480x64xf32, #tpu.memory_space<hbm>>) target(%arg9 : memref<128x64xf32, #tpu.memory_space<vmem>>) offsets(%dma_start3A_27 : memref<128xi32, #tpu.memory_space<vmem>>) semaphore(%arg12 : memref<!tpu.dma_semaphore, #tpu.memory_space<semaphore_mem>>)
    %scan3A_31 = arith.constant 0 : i32
    %scan3A_32 = arith.constant 79 : i32
    %scan3A_33 = arith.addi %scan3A_31, %scan3A_32 : i32
    %scan3A_34 = arith.constant 1 : i32
    scf.for %scan3A_85 = %scan3A_31 to %scan3A_33 step %scan3A_34  : i32 {
      %mul3A_86 = arith.constant 2 : i32
      %mul3A_87 = arith.muli %mul3A_86, %scan3A_85 : i32
      %mul3A_88 = arith.constant 2 : i32
      %mul3A_89 = arith.muli %mul3A_88, %scan3A_85 : i32
      %add3A_90 = arith.constant 1 : i32
      %add3A_91 = arith.addi %mul3A_89, %add3A_90 : i32
      %dma_wait3A_92 = arith.constant 0 : i32
      %dma_wait3A_93 = tpu.memref_slice %arg6[%mul3A_87, %dma_wait3A_92] : memref<160x128xi32, #tpu.memory_space<vmem>> -> memref<1x128xi32, #tpu.memory_space<vmem>>
      %dma_wait3A_94 = tpu.memref_squeeze %dma_wait3A_93 : memref<1x128xi32, #tpu.memory_space<vmem>> -> memref<128xi32, #tpu.memory_space<vmem>>
      %dma_wait3A_95 = arith.constant 0 : i32
      %dma_wait3A_96 = arith.constant 0 : i32
      %dma_wait3A_97 = tpu.memref_slice %arg2[%dma_wait3A_95, %dma_wait3A_96] : memref<20480x64xf32, #tpu.memory_space<hbm>> -> memref<20480x64xf32, #tpu.memory_space<hbm>>
      tpu.wait_indirect_dma semaphore(%arg11 : memref<!tpu.dma_semaphore, #tpu.memory_space<semaphore_mem>>) src(%dma_wait3A_97 : memref<20480x64xf32, #tpu.memory_space<hbm>>) dst(%arg8 : memref<128x64xf32, #tpu.memory_space<vmem>>)
      "tpu.region"() ({
        %run_scoped3A = tpu.sem_alloc : memref<!tpu.dma_semaphore, #tpu.memory_space<semaphore_mem>>
        %dma_start3A_120 = arith.constant 0 : i32
        %dma_start3A_121 = tpu.memref_slice %arg7[%mul3A_87, %dma_start3A_120] : memref<160x128xi32, #tpu.memory_space<vmem>> -> memref<1x128xi32, #tpu.memory_space<vmem>>
        %dma_start3A_122 = tpu.memref_squeeze %dma_start3A_121 : memref<1x128xi32, #tpu.memory_space<vmem>> -> memref<128xi32, #tpu.memory_space<vmem>>
        %dma_start3A_123 = arith.constant 0 : i32
        %dma_start3A_124 = arith.constant 0 : i32
        %dma_start3A_125 = tpu.memref_slice %arg10[%dma_start3A_123, %dma_start3A_124] : memref<10240x64xf32, #tpu.memory_space<vmem_shared>> -> memref<10240x64xf32, #tpu.memory_space<vmem_shared>>
        tpu.enqueue_indirect_dma source(%arg8 : memref<128x64xf32, #tpu.memory_space<vmem>>) target(%dma_start3A_125 : memref<10240x64xf32, #tpu.memory_space<vmem_shared>>) offsets(%dma_start3A_122 : memref<128xi32, #tpu.memory_space<vmem>>) semaphore(%run_scoped3A : memref<!tpu.dma_semaphore, #tpu.memory_space<semaphore_mem>>) {add = true}
        %dma_wait3A_126 = arith.constant 0 : i32
        %dma_wait3A_127 = tpu.memref_slice %arg7[%mul3A_87, %dma_wait3A_126] : memref<160x128xi32, #tpu.memory_space<vmem>> -> memref<1x128xi32, #tpu.memory_space<vmem>>
        %dma_wait3A_128 = tpu.memref_squeeze %dma_wait3A_127 : memref<1x128xi32, #tpu.memory_space<vmem>> -> memref<128xi32, #tpu.memory_space<vmem>>
        %dma_wait3A_129 = arith.constant 0 : i32
        %dma_wait3A_130 = arith.constant 0 : i32
        %dma_wait3A_131 = tpu.memref_slice %arg10[%dma_wait3A_129, %dma_wait3A_130] : memref<10240x64xf32, #tpu.memory_space<vmem_shared>> -> memref<10240x64xf32, #tpu.memory_space<vmem_shared>>
        tpu.wait_indirect_dma semaphore(%run_scoped3A : memref<!tpu.dma_semaphore, #tpu.memory_space<semaphore_mem>>) src(%arg8 : memref<128x64xf32, #tpu.memory_space<vmem>>) dst(%dma_wait3A_131 : memref<10240x64xf32, #tpu.memory_space<vmem_shared>>)
        tpu.yield
      }) : () -> ()
      %add3A_98 = arith.constant 2 : i32
      %add3A_99 = arith.addi %mul3A_87, %add3A_98 : i32
      %dma_start3A_100 = arith.constant 0 : i32
      %dma_start3A_101 = tpu.memref_slice %arg6[%add3A_99, %dma_start3A_100] : memref<160x128xi32, #tpu.memory_space<vmem>> -> memref<1x128xi32, #tpu.memory_space<vmem>>
      %dma_start3A_102 = tpu.memref_squeeze %dma_start3A_101 : memref<1x128xi32, #tpu.memory_space<vmem>> -> memref<128xi32, #tpu.memory_space<vmem>>
      %dma_start3A_103 = arith.constant 0 : i32
      %dma_start3A_104 = arith.constant 0 : i32
      %dma_start3A_105 = tpu.memref_slice %arg2[%dma_start3A_103, %dma_start3A_104] : memref<20480x64xf32, #tpu.memory_space<hbm>> -> memref<20480x64xf32, #tpu.memory_space<hbm>>
      tpu.enqueue_indirect_dma source(%dma_start3A_105 : memref<20480x64xf32, #tpu.memory_space<hbm>>) target(%arg8 : memref<128x64xf32, #tpu.memory_space<vmem>>) offsets(%dma_start3A_102 : memref<128xi32, #tpu.memory_space<vmem>>) semaphore(%arg11 : memref<!tpu.dma_semaphore, #tpu.memory_space<semaphore_mem>>)
      %dma_wait3A_106 = arith.constant 0 : i32
      %dma_wait3A_107 = tpu.memref_slice %arg6[%add3A_91, %dma_wait3A_106] : memref<160x128xi32, #tpu.memory_space<vmem>> -> memref<1x128xi32, #tpu.memory_space<vmem>>
      %dma_wait3A_108 = tpu.memref_squeeze %dma_wait3A_107 : memref<1x128xi32, #tpu.memory_space<vmem>> -> memref<128xi32, #tpu.memory_space<vmem>>
      %dma_wait3A_109 = arith.constant 0 : i32
      %dma_wait3A_110 = arith.constant 0 : i32
      %dma_wait3A_111 = tpu.memref_slice %arg2[%dma_wait3A_109, %dma_wait3A_110] : memref<20480x64xf32, #tpu.memory_space<hbm>> -> memref<20480x64xf32, #tpu.memory_space<hbm>>
      tpu.wait_indirect_dma semaphore(%arg12 : memref<!tpu.dma_semaphore, #tpu.memory_space<semaphore_mem>>) src(%dma_wait3A_111 : memref<20480x64xf32, #tpu.memory_space<hbm>>) dst(%arg9 : memref<128x64xf32, #tpu.memory_space<vmem>>)
      "tpu.region"() ({
        %run_scoped3A = tpu.sem_alloc : memref<!tpu.dma_semaphore, #tpu.memory_space<semaphore_mem>>
        %dma_start3A_120 = arith.constant 0 : i32
        %dma_start3A_121 = tpu.memref_slice %arg7[%add3A_91, %dma_start3A_120] : memref<160x128xi32, #tpu.memory_space<vmem>> -> memref<1x128xi32, #tpu.memory_space<vmem>>
        %dma_start3A_122 = tpu.memref_squeeze %dma_start3A_121 : memref<1x128xi32, #tpu.memory_space<vmem>> -> memref<128xi32, #tpu.memory_space<vmem>>
        %dma_start3A_123 = arith.constant 0 : i32
        %dma_start3A_124 = arith.constant 0 : i32
        %dma_start3A_125 = tpu.memref_slice %arg10[%dma_start3A_123, %dma_start3A_124] : memref<10240x64xf32, #tpu.memory_space<vmem_shared>> -> memref<10240x64xf32, #tpu.memory_space<vmem_shared>>
        tpu.enqueue_indirect_dma source(%arg9 : memref<128x64xf32, #tpu.memory_space<vmem>>) target(%dma_start3A_125 : memref<10240x64xf32, #tpu.memory_space<vmem_shared>>) offsets(%dma_start3A_122 : memref<128xi32, #tpu.memory_space<vmem>>) semaphore(%run_scoped3A : memref<!tpu.dma_semaphore, #tpu.memory_space<semaphore_mem>>) {add = true}
        %dma_wait3A_126 = arith.constant 0 : i32
        %dma_wait3A_127 = tpu.memref_slice %arg7[%add3A_91, %dma_wait3A_126] : memref<160x128xi32, #tpu.memory_space<vmem>> -> memref<1x128xi32, #tpu.memory_space<vmem>>
        %dma_wait3A_128 = tpu.memref_squeeze %dma_wait3A_127 : memref<1x128xi32, #tpu.memory_space<vmem>> -> memref<128xi32, #tpu.memory_space<vmem>>
        %dma_wait3A_129 = arith.constant 0 : i32
        %dma_wait3A_130 = arith.constant 0 : i32
        %dma_wait3A_131 = tpu.memref_slice %arg10[%dma_wait3A_129, %dma_wait3A_130] : memref<10240x64xf32, #tpu.memory_space<vmem_shared>> -> memref<10240x64xf32, #tpu.memory_space<vmem_shared>>
        tpu.wait_indirect_dma semaphore(%run_scoped3A : memref<!tpu.dma_semaphore, #tpu.memory_space<semaphore_mem>>) src(%arg9 : memref<128x64xf32, #tpu.memory_space<vmem>>) dst(%dma_wait3A_131 : memref<10240x64xf32, #tpu.memory_space<vmem_shared>>)
        tpu.yield
      }) : () -> ()
      %add3A_112 = arith.constant 2 : i32
      %add3A_113 = arith.addi %add3A_91, %add3A_112 : i32
      %dma_start3A_114 = arith.constant 0 : i32
      %dma_start3A_115 = tpu.memref_slice %arg6[%add3A_113, %dma_start3A_114] : memref<160x128xi32, #tpu.memory_space<vmem>> -> memref<1x128xi32, #tpu.memory_space<vmem>>
      %dma_start3A_116 = tpu.memref_squeeze %dma_start3A_115 : memref<1x128xi32, #tpu.memory_space<vmem>> -> memref<128xi32, #tpu.memory_space<vmem>>
      %dma_start3A_117 = arith.constant 0 : i32
      %dma_start3A_118 = arith.constant 0 : i32
      %dma_start3A_119 = tpu.memref_slice %arg2[%dma_start3A_117, %dma_start3A_118] : memref<20480x64xf32, #tpu.memory_space<hbm>> -> memref<20480x64xf32, #tpu.memory_space<hbm>>
      tpu.enqueue_indirect_dma source(%dma_start3A_119 : memref<20480x64xf32, #tpu.memory_space<hbm>>) target(%arg9 : memref<128x64xf32, #tpu.memory_space<vmem>>) offsets(%dma_start3A_116 : memref<128xi32, #tpu.memory_space<vmem>>) semaphore(%arg12 : memref<!tpu.dma_semaphore, #tpu.memory_space<semaphore_mem>>)
    }
    %scan3A_35 = arith.constant 79 : i32
    %dma_wait3A = arith.constant 158 : i32
    %dma_wait3A_36 = arith.constant 0 : i32
    %dma_wait3A_37 = tpu.memref_slice %arg6[%dma_wait3A, %dma_wait3A_36] : memref<160x128xi32, #tpu.memory_space<vmem>> -> memref<1x128xi32, #tpu.memory_space<vmem>>
    %dma_wait3A_38 = tpu.memref_squeeze %dma_wait3A_37 : memref<1x128xi32, #tpu.memory_space<vmem>> -> memref<128xi32, #tpu.memory_space<vmem>>
    %dma_wait3A_39 = arith.constant 0 : i32
    %dma_wait3A_40 = arith.constant 0 : i32
    %dma_wait3A_41 = tpu.memref_slice %arg2[%dma_wait3A_39, %dma_wait3A_40] : memref<20480x64xf32, #tpu.memory_space<hbm>> -> memref<20480x64xf32, #tpu.memory_space<hbm>>
    tpu.wait_indirect_dma semaphore(%arg11 : memref<!tpu.dma_semaphore, #tpu.memory_space<semaphore_mem>>) src(%dma_wait3A_41 : memref<20480x64xf32, #tpu.memory_space<hbm>>) dst(%arg8 : memref<128x64xf32, #tpu.memory_space<vmem>>)
    %dma_wait3A_42 = arith.constant 159 : i32
    %dma_wait3A_43 = arith.constant 0 : i32
    %dma_wait3A_44 = tpu.memref_slice %arg6[%dma_wait3A_42, %dma_wait3A_43] : memref<160x128xi32, #tpu.memory_space<vmem>> -> memref<1x128xi32, #tpu.memory_space<vmem>>
    %dma_wait3A_45 = tpu.memref_squeeze %dma_wait3A_44 : memref<1x128xi32, #tpu.memory_space<vmem>> -> memref<128xi32, #tpu.memory_space<vmem>>
    %dma_wait3A_46 = arith.constant 0 : i32
    %dma_wait3A_47 = arith.constant 0 : i32
    %dma_wait3A_48 = tpu.memref_slice %arg2[%dma_wait3A_46, %dma_wait3A_47] : memref<20480x64xf32, #tpu.memory_space<hbm>> -> memref<20480x64xf32, #tpu.memory_space<hbm>>
    tpu.wait_indirect_dma semaphore(%arg12 : memref<!tpu.dma_semaphore, #tpu.memory_space<semaphore_mem>>) src(%dma_wait3A_48 : memref<20480x64xf32, #tpu.memory_space<hbm>>) dst(%arg9 : memref<128x64xf32, #tpu.memory_space<vmem>>)
    %barrier3A_49 = arith.constant 0 : index
    tpu.barrier barrier_id(%barrier3A_49)
    %add3A_50 = arith.constant 0 : i32
    %add3A_51 = arith.addi %mul3A_7, %add3A_50 : i32
    "tpu.region"() ({
      %run_scoped3A = tpu.sem_alloc : memref<!tpu.dma_semaphore, #tpu.memory_space<semaphore_mem>>
      %dma_start3A_85 = arith.constant 0 : i32
      %dma_start3A_86 = tpu.memref_slice %arg10[%add3A_51, %dma_start3A_85] : memref<10240x64xf32, #tpu.memory_space<vmem_shared>> -> memref<128x64xf32, #tpu.memory_space<vmem_shared>>
      %dma_start3A_87 = arith.constant 0 : i32
      %dma_start3A_88 = tpu.memref_slice %arg10[%add3A_51, %dma_start3A_87] : memref<10240x64xf32, #tpu.memory_space<vmem_shared>> -> memref<128x64xf32, #tpu.memory_space<vmem_shared>>
      tpu.enqueue_dma source(%dma_start3A_88 : memref<128x64xf32, #tpu.memory_space<vmem_shared>>) target(%arg8 : memref<128x64xf32, #tpu.memory_space<vmem>>) target_semaphore(%run_scoped3A : memref<!tpu.dma_semaphore, #tpu.memory_space<semaphore_mem>>)
      %dma_wait3A_89 = arith.constant 0 : i32
      %dma_wait3A_90 = tpu.memref_slice %arg10[%add3A_51, %dma_wait3A_89] : memref<10240x64xf32, #tpu.memory_space<vmem_shared>> -> memref<128x64xf32, #tpu.memory_space<vmem_shared>>
      %dma_wait3A_91 = arith.constant 0 : i32
      %dma_wait3A_92 = tpu.memref_slice %arg10[%add3A_51, %dma_wait3A_91] : memref<10240x64xf32, #tpu.memory_space<vmem_shared>> -> memref<128x64xf32, #tpu.memory_space<vmem_shared>>
      tpu.wait_dma2 semaphore(%run_scoped3A : memref<!tpu.dma_semaphore, #tpu.memory_space<semaphore_mem>>) src(%dma_wait3A_92 : memref<128x64xf32, #tpu.memory_space<vmem_shared>>) dst(%arg8 : memref<128x64xf32, #tpu.memory_space<vmem>>)
      tpu.yield
    }) : () -> ()
    %mul3A_52 = arith.constant 10240 : i32
    %mul3A_53 = arith.muli %arg0, %mul3A_52 : i32
    %add3A_54 = arith.addi %mul3A_53, %mul3A_7 : i32
    %add3A_55 = arith.constant 0 : i32
    %add3A_56 = arith.addi %add3A_54, %add3A_55 : i32
    "tpu.region"() ({
      %run_scoped3A = tpu.sem_alloc : memref<!tpu.dma_semaphore, #tpu.memory_space<semaphore_mem>>
      %dma_start3A_85 = arith.constant 0 : i32
      %dma_start3A_86 = tpu.memref_slice %arg5[%add3A_56, %dma_start3A_85] : memref<20480x64xf32, #tpu.memory_space<hbm>> -> memref<128x64xf32, #tpu.memory_space<hbm>>
      %dma_start3A_87 = arith.constant 0 : i32
      %dma_start3A_88 = tpu.memref_slice %arg5[%add3A_56, %dma_start3A_87] : memref<20480x64xf32, #tpu.memory_space<hbm>> -> memref<128x64xf32, #tpu.memory_space<hbm>>
      tpu.enqueue_dma source(%arg8 : memref<128x64xf32, #tpu.memory_space<vmem>>) target(%dma_start3A_88 : memref<128x64xf32, #tpu.memory_space<hbm>>) target_semaphore(%run_scoped3A : memref<!tpu.dma_semaphore, #tpu.memory_space<semaphore_mem>>)
      %dma_wait3A_89 = arith.constant 0 : i32
      %dma_wait3A_90 = tpu.memref_slice %arg5[%add3A_56, %dma_wait3A_89] : memref<20480x64xf32, #tpu.memory_space<hbm>> -> memref<128x64xf32, #tpu.memory_space<hbm>>
      %dma_wait3A_91 = arith.constant 0 : i32
      %dma_wait3A_92 = tpu.memref_slice %arg5[%add3A_56, %dma_wait3A_91] : memref<20480x64xf32, #tpu.memory_space<hbm>> -> memref<128x64xf32, #tpu.memory_space<hbm>>
      tpu.wait_dma2 semaphore(%run_scoped3A : memref<!tpu.dma_semaphore, #tpu.memory_space<semaphore_mem>>) src(%arg8 : memref<128x64xf32, #tpu.memory_space<vmem>>) dst(%dma_wait3A_92 : memref<128x64xf32, #tpu.memory_space<hbm>>)
      tpu.yield
    }) : () -> ()
    %add3A_57 = arith.constant 128 : i32
    %add3A_58 = arith.addi %mul3A_7, %add3A_57 : i32
    "tpu.region"() ({
      %run_scoped3A = tpu.sem_alloc : memref<!tpu.dma_semaphore, #tpu.memory_space<semaphore_mem>>
      %dma_start3A_85 = arith.constant 0 : i32
      %dma_start3A_86 = tpu.memref_slice %arg10[%add3A_58, %dma_start3A_85] : memref<10240x64xf32, #tpu.memory_space<vmem_shared>> -> memref<128x64xf32, #tpu.memory_space<vmem_shared>>
      %dma_start3A_87 = arith.constant 0 : i32
      %dma_start3A_88 = tpu.memref_slice %arg10[%add3A_58, %dma_start3A_87] : memref<10240x64xf32, #tpu.memory_space<vmem_shared>> -> memref<128x64xf32, #tpu.memory_space<vmem_shared>>
      tpu.enqueue_dma source(%dma_start3A_88 : memref<128x64xf32, #tpu.memory_space<vmem_shared>>) target(%arg8 : memref<128x64xf32, #tpu.memory_space<vmem>>) target_semaphore(%run_scoped3A : memref<!tpu.dma_semaphore, #tpu.memory_space<semaphore_mem>>)
      %dma_wait3A_89 = arith.constant 0 : i32
      %dma_wait3A_90 = tpu.memref_slice %arg10[%add3A_58, %dma_wait3A_89] : memref<10240x64xf32, #tpu.memory_space<vmem_shared>> -> memref<128x64xf32, #tpu.memory_space<vmem_shared>>
      %dma_wait3A_91 = arith.constant 0 : i32
      %dma_wait3A_92 = tpu.memref_slice %arg10[%add3A_58, %dma_wait3A_91] : memref<10240x64xf32, #tpu.memory_space<vmem_shared>> -> memref<128x64xf32, #tpu.memory_space<vmem_shared>>
      tpu.wait_dma2 semaphore(%run_scoped3A : memref<!tpu.dma_semaphore, #tpu.memory_space<semaphore_mem>>) src(%dma_wait3A_92 : memref<128x64xf32, #tpu.memory_space<vmem_shared>>) dst(%arg8 : memref<128x64xf32, #tpu.memory_space<vmem>>)
      tpu.yield
    }) : () -> ()
    %mul3A_59 = arith.constant 10240 : i32
    %mul3A_60 = arith.muli %arg0, %mul3A_59 : i32
    %add3A_61 = arith.addi %mul3A_60, %mul3A_7 : i32
    %add3A_62 = arith.constant 128 : i32
    %add3A_63 = arith.addi %add3A_61, %add3A_62 : i32
    "tpu.region"() ({
      %run_scoped3A = tpu.sem_alloc : memref<!tpu.dma_semaphore, #tpu.memory_space<semaphore_mem>>
      %dma_start3A_85 = arith.constant 0 : i32
      %dma_start3A_86 = tpu.memref_slice %arg5[%add3A_63, %dma_start3A_85] : memref<20480x64xf32, #tpu.memory_space<hbm>> -> memref<128x64xf32, #tpu.memory_space<hbm>>
      %dma_start3A_87 = arith.constant 0 : i32
      %dma_start3A_88 = tpu.memref_slice %arg5[%add3A_63, %dma_start3A_87] : memref<20480x64xf32, #tpu.memory_space<hbm>> -> memref<128x64xf32, #tpu.memory_space<hbm>>
      tpu.enqueue_dma source(%arg8 : memref<128x64xf32, #tpu.memory_space<vmem>>) target(%dma_start3A_88 : memref<128x64xf32, #tpu.memory_space<hbm>>) target_semaphore(%run_scoped3A : memref<!tpu.dma_semaphore, #tpu.memory_space<semaphore_mem>>)
      %dma_wait3A_89 = arith.constant 0 : i32
      %dma_wait3A_90 = tpu.memref_slice %arg5[%add3A_63, %dma_wait3A_89] : memref<20480x64xf32, #tpu.memory_space<hbm>> -> memref<128x64xf32, #tpu.memory_space<hbm>>
      %dma_wait3A_91 = arith.constant 0 : i32
      %dma_wait3A_92 = tpu.memref_slice %arg5[%add3A_63, %dma_wait3A_91] : memref<20480x64xf32, #tpu.memory_space<hbm>> -> memref<128x64xf32, #tpu.memory_space<hbm>>
      tpu.wait_dma2 semaphore(%run_scoped3A : memref<!tpu.dma_semaphore, #tpu.memory_space<semaphore_mem>>) src(%arg8 : memref<128x64xf32, #tpu.memory_space<vmem>>) dst(%dma_wait3A_92 : memref<128x64xf32, #tpu.memory_space<hbm>>)
      tpu.yield
    }) : () -> ()
    %add3A_64 = arith.constant 256 : i32
    %add3A_65 = arith.addi %mul3A_7, %add3A_64 : i32
    "tpu.region"() ({
      %run_scoped3A = tpu.sem_alloc : memref<!tpu.dma_semaphore, #tpu.memory_space<semaphore_mem>>
      %dma_start3A_85 = arith.constant 0 : i32
      %dma_start3A_86 = tpu.memref_slice %arg10[%add3A_65, %dma_start3A_85] : memref<10240x64xf32, #tpu.memory_space<vmem_shared>> -> memref<128x64xf32, #tpu.memory_space<vmem_shared>>
      %dma_start3A_87 = arith.constant 0 : i32
      %dma_start3A_88 = tpu.memref_slice %arg10[%add3A_65, %dma_start3A_87] : memref<10240x64xf32, #tpu.memory_space<vmem_shared>> -> memref<128x64xf32, #tpu.memory_space<vmem_shared>>
      tpu.enqueue_dma source(%dma_start3A_88 : memref<128x64xf32, #tpu.memory_space<vmem_shared>>) target(%arg8 : memref<128x64xf32, #tpu.memory_space<vmem>>) target_semaphore(%run_scoped3A : memref<!tpu.dma_semaphore, #tpu.memory_space<semaphore_mem>>)
      %dma_wait3A_89 = arith.constant 0 : i32
      %dma_wait3A_90 = tpu.memref_slice %arg10[%add3A_65, %dma_wait3A_89] : memref<10240x64xf32, #tpu.memory_space<vmem_shared>> -> memref<128x64xf32, #tpu.memory_space<vmem_shared>>
      %dma_wait3A_91 = arith.constant 0 : i32
      %dma_wait3A_92 = tpu.memref_slice %arg10[%add3A_65, %dma_wait3A_91] : memref<10240x64xf32, #tpu.memory_space<vmem_shared>> -> memref<128x64xf32, #tpu.memory_space<vmem_shared>>
      tpu.wait_dma2 semaphore(%run_scoped3A : memref<!tpu.dma_semaphore, #tpu.memory_space<semaphore_mem>>) src(%dma_wait3A_92 : memref<128x64xf32, #tpu.memory_space<vmem_shared>>) dst(%arg8 : memref<128x64xf32, #tpu.memory_space<vmem>>)
      tpu.yield
    }) : () -> ()
    %mul3A_66 = arith.constant 10240 : i32
    %mul3A_67 = arith.muli %arg0, %mul3A_66 : i32
    %add3A_68 = arith.addi %mul3A_67, %mul3A_7 : i32
    %add3A_69 = arith.constant 256 : i32
    %add3A_70 = arith.addi %add3A_68, %add3A_69 : i32
    "tpu.region"() ({
      %run_scoped3A = tpu.sem_alloc : memref<!tpu.dma_semaphore, #tpu.memory_space<semaphore_mem>>
      %dma_start3A_85 = arith.constant 0 : i32
      %dma_start3A_86 = tpu.memref_slice %arg5[%add3A_70, %dma_start3A_85] : memref<20480x64xf32, #tpu.memory_space<hbm>> -> memref<128x64xf32, #tpu.memory_space<hbm>>
      %dma_start3A_87 = arith.constant 0 : i32
      %dma_start3A_88 = tpu.memref_slice %arg5[%add3A_70, %dma_start3A_87] : memref<20480x64xf32, #tpu.memory_space<hbm>> -> memref<128x64xf32, #tpu.memory_space<hbm>>
      tpu.enqueue_dma source(%arg8 : memref<128x64xf32, #tpu.memory_space<vmem>>) target(%dma_start3A_88 : memref<128x64xf32, #tpu.memory_space<hbm>>) target_semaphore(%run_scoped3A : memref<!tpu.dma_semaphore, #tpu.memory_space<semaphore_mem>>)
      %dma_wait3A_89 = arith.constant 0 : i32
      %dma_wait3A_90 = tpu.memref_slice %arg5[%add3A_70, %dma_wait3A_89] : memref<20480x64xf32, #tpu.memory_space<hbm>> -> memref<128x64xf32, #tpu.memory_space<hbm>>
      %dma_wait3A_91 = arith.constant 0 : i32
      %dma_wait3A_92 = tpu.memref_slice %arg5[%add3A_70, %dma_wait3A_91] : memref<20480x64xf32, #tpu.memory_space<hbm>> -> memref<128x64xf32, #tpu.memory_space<hbm>>
      tpu.wait_dma2 semaphore(%run_scoped3A : memref<!tpu.dma_semaphore, #tpu.memory_space<semaphore_mem>>) src(%arg8 : memref<128x64xf32, #tpu.memory_space<vmem>>) dst(%dma_wait3A_92 : memref<128x64xf32, #tpu.memory_space<hbm>>)
      tpu.yield
    }) : () -> ()
    %add3A_71 = arith.constant 384 : i32
    %add3A_72 = arith.addi %mul3A_7, %add3A_71 : i32
    "tpu.region"() ({
      %run_scoped3A = tpu.sem_alloc : memref<!tpu.dma_semaphore, #tpu.memory_space<semaphore_mem>>
      %dma_start3A_85 = arith.constant 0 : i32
      %dma_start3A_86 = tpu.memref_slice %arg10[%add3A_72, %dma_start3A_85] : memref<10240x64xf32, #tpu.memory_space<vmem_shared>> -> memref<128x64xf32, #tpu.memory_space<vmem_shared>>
      %dma_start3A_87 = arith.constant 0 : i32
      %dma_start3A_88 = tpu.memref_slice %arg10[%add3A_72, %dma_start3A_87] : memref<10240x64xf32, #tpu.memory_space<vmem_shared>> -> memref<128x64xf32, #tpu.memory_space<vmem_shared>>
      tpu.enqueue_dma source(%dma_start3A_88 : memref<128x64xf32, #tpu.memory_space<vmem_shared>>) target(%arg8 : memref<128x64xf32, #tpu.memory_space<vmem>>) target_semaphore(%run_scoped3A : memref<!tpu.dma_semaphore, #tpu.memory_space<semaphore_mem>>)
      %dma_wait3A_89 = arith.constant 0 : i32
      %dma_wait3A_90 = tpu.memref_slice %arg10[%add3A_72, %dma_wait3A_89] : memref<10240x64xf32, #tpu.memory_space<vmem_shared>> -> memref<128x64xf32, #tpu.memory_space<vmem_shared>>
      %dma_wait3A_91 = arith.constant 0 : i32
      %dma_wait3A_92 = tpu.memref_slice %arg10[%add3A_72, %dma_wait3A_91] : memref<10240x64xf32, #tpu.memory_space<vmem_shared>> -> memref<128x64xf32, #tpu.memory_space<vmem_shared>>
      tpu.wait_dma2 semaphore(%run_scoped3A : memref<!tpu.dma_semaphore, #tpu.memory_space<semaphore_mem>>) src(%dma_wait3A_92 : memref<128x64xf32, #tpu.memory_space<vmem_shared>>) dst(%arg8 : memref<128x64xf32, #tpu.memory_space<vmem>>)
      tpu.yield
    }) : () -> ()
    %mul3A_73 = arith.constant 10240 : i32
    %mul3A_74 = arith.muli %arg0, %mul3A_73 : i32
    %add3A_75 = arith.addi %mul3A_74, %mul3A_7 : i32
    %add3A_76 = arith.constant 384 : i32
    %add3A_77 = arith.addi %add3A_75, %add3A_76 : i32
    "tpu.region"() ({
      %run_scoped3A = tpu.sem_alloc : memref<!tpu.dma_semaphore, #tpu.memory_space<semaphore_mem>>
      %dma_start3A_85 = arith.constant 0 : i32
      %dma_start3A_86 = tpu.memref_slice %arg5[%add3A_77, %dma_start3A_85] : memref<20480x64xf32, #tpu.memory_space<hbm>> -> memref<128x64xf32, #tpu.memory_space<hbm>>
      %dma_start3A_87 = arith.constant 0 : i32
      %dma_start3A_88 = tpu.memref_slice %arg5[%add3A_77, %dma_start3A_87] : memref<20480x64xf32, #tpu.memory_space<hbm>> -> memref<128x64xf32, #tpu.memory_space<hbm>>
      tpu.enqueue_dma source(%arg8 : memref<128x64xf32, #tpu.memory_space<vmem>>) target(%dma_start3A_88 : memref<128x64xf32, #tpu.memory_space<hbm>>) target_semaphore(%run_scoped3A : memref<!tpu.dma_semaphore, #tpu.memory_space<semaphore_mem>>)
      %dma_wait3A_89 = arith.constant 0 : i32
      %dma_wait3A_90 = tpu.memref_slice %arg5[%add3A_77, %dma_wait3A_89] : memref<20480x64xf32, #tpu.memory_space<hbm>> -> memref<128x64xf32, #tpu.memory_space<hbm>>
      %dma_wait3A_91 = arith.constant 0 : i32
      %dma_wait3A_92 = tpu.memref_slice %arg5[%add3A_77, %dma_wait3A_91] : memref<20480x64xf32, #tpu.memory_space<hbm>> -> memref<128x64xf32, #tpu.memory_space<hbm>>
      tpu.wait_dma2 semaphore(%run_scoped3A : memref<!tpu.dma_semaphore, #tpu.memory_space<semaphore_mem>>) src(%arg8 : memref<128x64xf32, #tpu.memory_space<vmem>>) dst(%dma_wait3A_92 : memref<128x64xf32, #tpu.memory_space<hbm>>)
      tpu.yield
    }) : () -> ()
    %add3A_78 = arith.constant 512 : i32
    %add3A_79 = arith.addi %mul3A_7, %add3A_78 : i32
    "tpu.region"() ({
      %run_scoped3A = tpu.sem_alloc : memref<!tpu.dma_semaphore, #tpu.memory_space<semaphore_mem>>
      %dma_start3A_85 = arith.constant 0 : i32
      %dma_start3A_86 = tpu.memref_slice %arg10[%add3A_79, %dma_start3A_85] : memref<10240x64xf32, #tpu.memory_space<vmem_shared>> -> memref<128x64xf32, #tpu.memory_space<vmem_shared>>
      %dma_start3A_87 = arith.constant 0 : i32
      %dma_start3A_88 = tpu.memref_slice %arg10[%add3A_79, %dma_start3A_87] : memref<10240x64xf32, #tpu.memory_space<vmem_shared>> -> memref<128x64xf32, #tpu.memory_space<vmem_shared>>
      tpu.enqueue_dma source(%dma_start3A_88 : memref<128x64xf32, #tpu.memory_space<vmem_shared>>) target(%arg8 : memref<128x64xf32, #tpu.memory_space<vmem>>) target_semaphore(%run_scoped3A : memref<!tpu.dma_semaphore, #tpu.memory_space<semaphore_mem>>)
      %dma_wait3A_89 = arith.constant 0 : i32
      %dma_wait3A_90 = tpu.memref_slice %arg10[%add3A_79, %dma_wait3A_89] : memref<10240x64xf32, #tpu.memory_space<vmem_shared>> -> memref<128x64xf32, #tpu.memory_space<vmem_shared>>
      %dma_wait3A_91 = arith.constant 0 : i32
      %dma_wait3A_92 = tpu.memref_slice %arg10[%add3A_79, %dma_wait3A_91] : memref<10240x64xf32, #tpu.memory_space<vmem_shared>> -> memref<128x64xf32, #tpu.memory_space<vmem_shared>>
      tpu.wait_dma2 semaphore(%run_scoped3A : memref<!tpu.dma_semaphore, #tpu.memory_space<semaphore_mem>>) src(%dma_wait3A_92 : memref<128x64xf32, #tpu.memory_space<vmem_shared>>) dst(%arg8 : memref<128x64xf32, #tpu.memory_space<vmem>>)
      tpu.yield
    }) : () -> ()
    %mul3A_80 = arith.constant 10240 : i32
    %mul3A_81 = arith.muli %arg0, %mul3A_80 : i32
    %add3A_82 = arith.addi %mul3A_81, %mul3A_7 : i32
    %add3A_83 = arith.constant 512 : i32
    %add3A_84 = arith.addi %add3A_82, %add3A_83 : i32
    "tpu.region"() ({
      %run_scoped3A = tpu.sem_alloc : memref<!tpu.dma_semaphore, #tpu.memory_space<semaphore_mem>>
      %dma_start3A_85 = arith.constant 0 : i32
      %dma_start3A_86 = tpu.memref_slice %arg5[%add3A_84, %dma_start3A_85] : memref<20480x64xf32, #tpu.memory_space<hbm>> -> memref<128x64xf32, #tpu.memory_space<hbm>>
      %dma_start3A_87 = arith.constant 0 : i32
      %dma_start3A_88 = tpu.memref_slice %arg5[%add3A_84, %dma_start3A_87] : memref<20480x64xf32, #tpu.memory_space<hbm>> -> memref<128x64xf32, #tpu.memory_space<hbm>>
      tpu.enqueue_dma source(%arg8 : memref<128x64xf32, #tpu.memory_space<vmem>>) target(%dma_start3A_88 : memref<128x64xf32, #tpu.memory_space<hbm>>) target_semaphore(%run_scoped3A : memref<!tpu.dma_semaphore, #tpu.memory_space<semaphore_mem>>)
      %dma_wait3A_89 = arith.constant 0 : i32
      %dma_wait3A_90 = tpu.memref_slice %arg5[%add3A_84, %dma_wait3A_89] : memref<20480x64xf32, #tpu.memory_space<hbm>> -> memref<128x64xf32, #tpu.memory_space<hbm>>
      %dma_wait3A_91 = arith.constant 0 : i32
      %dma_wait3A_92 = tpu.memref_slice %arg5[%add3A_84, %dma_wait3A_91] : memref<20480x64xf32, #tpu.memory_space<hbm>> -> memref<128x64xf32, #tpu.memory_space<hbm>>
      tpu.wait_dma2 semaphore(%run_scoped3A : memref<!tpu.dma_semaphore, #tpu.memory_space<semaphore_mem>>) src(%arg8 : memref<128x64xf32, #tpu.memory_space<vmem>>) dst(%dma_wait3A_92 : memref<128x64xf32, #tpu.memory_space<hbm>>)
      tpu.yield
    }) : () -> ()
    return
  }
}

#map = affine_map<(d0, d1) -> (0, 0)>
#map1 = affine_map<(d0, d1) -> (0, 0, 0)>
module attributes {stable_mosaic.version = 14 : i64} {
  func.func @k(%arg0: i32, %arg1: i32, %arg2: memref<20480x64xf32, #tpu.memory_space<hbm>>, %arg3: memref<32x160x128xi32, #tpu.memory_space<hbm>>, %arg4: memref<32x160x128xi32, #tpu.memory_space<hbm>>, %arg5: memref<20480x64xf32, #tpu.memory_space<hbm>>, %arg6: memref<160x128xi32, #tpu.memory_space<vmem>>, %arg7: memref<160x128xi32, #tpu.memory_space<vmem>>, %arg8: memref<128x64xf32, #tpu.memory_space<vmem>>, %arg9: memref<128x64xf32, #tpu.memory_space<vmem>>, %arg10: memref<10240x64xf32, #tpu.memory_space<vmem_shared>>, %arg11: memref<!tpu.dma_semaphore, #tpu.memory_space<semaphore_mem>>, %arg12: memref<!tpu.dma_semaphore, #tpu.memory_space<semaphore_mem>>) attributes {dimension_semantics = [#tpu.dimension_semantics<core_parallel>, #tpu.dimension_semantics<subcore_parallel>], iteration_bounds = array<i64: 2, 16>, scalar_prefetch = 0 : i64, scratch_operands = 7 : i64, tpu.core_type = #tpu.core_type<sc_vector_subcore>, window_params = [{transform_indices = #map}, {transform_indices = #map1}, {transform_indices = #map1}, {transform_indices = #map}]} {
    %mul3A = arith.constant 16 : i32
    %mul3A_0 = arith.muli %arg0, %mul3A : i32
    %add3A = arith.addi %mul3A_0, %arg1 : i32
    %broadcast_in_dim3A = arith.constant 0.000000e+00 : f32
    %broadcast_in_dim3A_1 = vector.broadcast %broadcast_in_dim3A : f32 to vector<16xf32>
    %scan3A = arith.constant 0 : i32
    %scan3A_2 = arith.constant 128 : i32
    %scan3A_3 = arith.addi %scan3A, %scan3A_2 : i32
    %scan3A_4 = arith.constant 1 : i32
    scf.for %scan3A_85 = %scan3A to %scan3A_3 step %scan3A_4  : i32 {
      %swap3A = arith.index_cast %scan3A_85 : i32 to index
      %swap3A_86 = arith.constant 0 : index
      %swap3A_87 = tpu.vector_load %arg8[%swap3A, %swap3A_86] {strides = array<i32>} : memref<128x64xf32, #tpu.memory_space<vmem>>, vector<1x16xf32>,
      %swap3A_88 = vector.shape_cast %swap3A_87 : vector<1x16xf32> to vector<16xf32>
      %swap3A_89 = vector.shape_cast %broadcast_in_dim3A_1 : vector<16xf32> to vector<1x16xf32>
      tpu.vector_store %arg8[%swap3A, %swap3A_86], %swap3A_89 {strides = array<i32>} : memref<128x64xf32, #tpu.memory_space<vmem>>, vector<1x16xf32>,
      %swap3A_90 = arith.index_cast %scan3A_85 : i32 to index
      %swap3A_91 = arith.constant 16 : index
      %swap3A_92 = tpu.vector_load %arg8[%swap3A_90, %swap3A_91] {strides = array<i32>} : memref<128x64xf32, #tpu.memory_space<vmem>>, vector<1x16xf32>,
      %swap3A_93 = vector.shape_cast %swap3A_92 : vector<1x16xf32> to vector<16xf32>
      %swap3A_94 = vector.shape_cast %broadcast_in_dim3A_1 : vector<16xf32> to vector<1x16xf32>
      tpu.vector_store %arg8[%swap3A_90, %swap3A_91], %swap3A_94 {strides = array<i32>} : memref<128x64xf32, #tpu.memory_space<vmem>>, vector<1x16xf32>,
      %swap3A_95 = arith.index_cast %scan3A_85 : i32 to index
      %swap3A_96 = arith.constant 32 : index
      %swap3A_97 = tpu.vector_load %arg8[%swap3A_95, %swap3A_96] {strides = array<i32>} : memref<128x64xf32, #tpu.memory_space<vmem>>, vector<1x16xf32>,
      %swap3A_98 = vector.shape_cast %swap3A_97 : vector<1x16xf32> to vector<16xf32>
      %swap3A_99 = vector.shape_cast %broadcast_in_dim3A_1 : vector<16xf32> to vector<1x16xf32>
      tpu.vector_store %arg8[%swap3A_95, %swap3A_96], %swap3A_99 {strides = array<i32>} : memref<128x64xf32, #tpu.memory_space<vmem>>, vector<1x16xf32>,
      %swap3A_100 = arith.index_cast %scan3A_85 : i32 to index
      %swap3A_101 = arith.constant 48 : index
      %swap3A_102 = tpu.vector_load %arg8[%swap3A_100, %swap3A_101] {strides = array<i32>} : memref<128x64xf32, #tpu.memory_space<vmem>>, vector<1x16xf32>,
      %swap3A_103 = vector.shape_cast %swap3A_102 : vector<1x16xf32> to vector<16xf32>
      %swap3A_104 = vector.shape_cast %broadcast_in_dim3A_1 : vector<16xf32> to vector<1x16xf32>
      tpu.vector_store %arg8[%swap3A_100, %swap3A_101], %swap3A_104 {strides = array<i32>} : memref<128x64xf32, #tpu.memory_space<vmem>>, vector<1x16xf32>,
    }
    %scan3A_5 = arith.constant 128 : i32
    %mul3A_6 = arith.constant 640 : i32
    %mul3A_7 = arith.muli %arg1, %mul3A_6 : i32
    %add3A_8 = arith.constant 0 : i32
    %add3A_9 = arith.addi %mul3A_7, %add3A_8 : i32
    "tpu.region"() ({
      %run_scoped3A = tpu.sem_alloc : memref<!tpu.dma_semaphore, #tpu.memory_space<semaphore_mem>>
      %dma_start3A_85 = arith.constant 0 : i32
      %dma_start3A_86 = tpu.memref_slice %arg10[%add3A_9, %dma_start3A_85] : memref<10240x64xf32, #tpu.memory_space<vmem_shared>> -> memref<128x64xf32, #tpu.memory_space<vmem_shared>>
      %dma_start3A_87 = arith.constant 0 : i32
      %dma_start3A_88 = tpu.memref_slice %arg10[%add3A_9, %dma_start3A_87] : memref<10240x64xf32, #tpu.memory_space<vmem_shared>> -> memref<128x64xf32, #tpu.memory_space<vmem_shared>>
      tpu.enqueue_dma source(%arg8 : memref<128x64xf32, #tpu.memory_space<vmem>>) target(%dma_start3A_88 : memref<128x64xf32, #tpu.memory_space<vmem_shared>>) target_semaphore(%run_scoped3A : memref<!tpu.dma_semaphore, #tpu.memory_space<semaphore_mem>>)
      %dma_wait3A_89 = arith.constant 0 : i32
      %dma_wait3A_90 = tpu.memref_slice %arg10[%add3A_9, %dma_wait3A_89] : memref<10240x64xf32, #tpu.memory_space<vmem_shared>> -> memref<128x64xf32, #tpu.memory_space<vmem_shared>>
      %dma_wait3A_91 = arith.constant 0 : i32
      %dma_wait3A_92 = tpu.memref_slice %arg10[%add3A_9, %dma_wait3A_91] : memref<10240x64xf32, #tpu.memory_space<vmem_shared>> -> memref<128x64xf32, #tpu.memory_space<vmem_shared>>
      tpu.wait_dma2 semaphore(%run_scoped3A : memref<!tpu.dma_semaphore, #tpu.memory_space<semaphore_mem>>) src(%arg8 : memref<128x64xf32, #tpu.memory_space<vmem>>) dst(%dma_wait3A_92 : memref<128x64xf32, #tpu.memory_space<vmem_shared>>)
      tpu.yield
    }) : () -> ()
    %add3A_10 = arith.constant 128 : i32
    %add3A_11 = arith.addi %mul3A_7, %add3A_10 : i32
    "tpu.region"() ({
      %run_scoped3A = tpu.sem_alloc : memref<!tpu.dma_semaphore, #tpu.memory_space<semaphore_mem>>
      %dma_start3A_85 = arith.constant 0 : i32
      %dma_start3A_86 = tpu.memref_slice %arg10[%add3A_11, %dma_start3A_85] : memref<10240x64xf32, #tpu.memory_space<vmem_shared>> -> memref<128x64xf32, #tpu.memory_space<vmem_shared>>
      %dma_start3A_87 = arith.constant 0 : i32
      %dma_start3A_88 = tpu.memref_slice %arg10[%add3A_11, %dma_start3A_87] : memref<10240x64xf32, #tpu.memory_space<vmem_shared>> -> memref<128x64xf32, #tpu.memory_space<vmem_shared>>
      tpu.enqueue_dma source(%arg8 : memref<128x64xf32, #tpu.memory_space<vmem>>) target(%dma_start3A_88 : memref<128x64xf32, #tpu.memory_space<vmem_shared>>) target_semaphore(%run_scoped3A : memref<!tpu.dma_semaphore, #tpu.memory_space<semaphore_mem>>)
      %dma_wait3A_89 = arith.constant 0 : i32
      %dma_wait3A_90 = tpu.memref_slice %arg10[%add3A_11, %dma_wait3A_89] : memref<10240x64xf32, #tpu.memory_space<vmem_shared>> -> memref<128x64xf32, #tpu.memory_space<vmem_shared>>
      %dma_wait3A_91 = arith.constant 0 : i32
      %dma_wait3A_92 = tpu.memref_slice %arg10[%add3A_11, %dma_wait3A_91] : memref<10240x64xf32, #tpu.memory_space<vmem_shared>> -> memref<128x64xf32, #tpu.memory_space<vmem_shared>>
      tpu.wait_dma2 semaphore(%run_scoped3A : memref<!tpu.dma_semaphore, #tpu.memory_space<semaphore_mem>>) src(%arg8 : memref<128x64xf32, #tpu.memory_space<vmem>>) dst(%dma_wait3A_92 : memref<128x64xf32, #tpu.memory_space<vmem_shared>>)
      tpu.yield
    }) : () -> ()
    %add3A_12 = arith.constant 256 : i32
    %add3A_13 = arith.addi %mul3A_7, %add3A_12 : i32
    "tpu.region"() ({
      %run_scoped3A = tpu.sem_alloc : memref<!tpu.dma_semaphore, #tpu.memory_space<semaphore_mem>>
      %dma_start3A_85 = arith.constant 0 : i32
      %dma_start3A_86 = tpu.memref_slice %arg10[%add3A_13, %dma_start3A_85] : memref<10240x64xf32, #tpu.memory_space<vmem_shared>> -> memref<128x64xf32, #tpu.memory_space<vmem_shared>>
      %dma_start3A_87 = arith.constant 0 : i32
      %dma_start3A_88 = tpu.memref_slice %arg10[%add3A_13, %dma_start3A_87] : memref<10240x64xf32, #tpu.memory_space<vmem_shared>> -> memref<128x64xf32, #tpu.memory_space<vmem_shared>>
      tpu.enqueue_dma source(%arg8 : memref<128x64xf32, #tpu.memory_space<vmem>>) target(%dma_start3A_88 : memref<128x64xf32, #tpu.memory_space<vmem_shared>>) target_semaphore(%run_scoped3A : memref<!tpu.dma_semaphore, #tpu.memory_space<semaphore_mem>>)
      %dma_wait3A_89 = arith.constant 0 : i32
      %dma_wait3A_90 = tpu.memref_slice %arg10[%add3A_13, %dma_wait3A_89] : memref<10240x64xf32, #tpu.memory_space<vmem_shared>> -> memref<128x64xf32, #tpu.memory_space<vmem_shared>>
      %dma_wait3A_91 = arith.constant 0 : i32
      %dma_wait3A_92 = tpu.memref_slice %arg10[%add3A_13, %dma_wait3A_91] : memref<10240x64xf32, #tpu.memory_space<vmem_shared>> -> memref<128x64xf32, #tpu.memory_space<vmem_shared>>
      tpu.wait_dma2 semaphore(%run_scoped3A : memref<!tpu.dma_semaphore, #tpu.memory_space<semaphore_mem>>) src(%arg8 : memref<128x64xf32, #tpu.memory_space<vmem>>) dst(%dma_wait3A_92 : memref<128x64xf32, #tpu.memory_space<vmem_shared>>)
      tpu.yield
    }) : () -> ()
    %add3A_14 = arith.constant 384 : i32
    %add3A_15 = arith.addi %mul3A_7, %add3A_14 : i32
    "tpu.region"() ({
      %run_scoped3A = tpu.sem_alloc : memref<!tpu.dma_semaphore, #tpu.memory_space<semaphore_mem>>
      %dma_start3A_85 = arith.constant 0 : i32
      %dma_start3A_86 = tpu.memref_slice %arg10[%add3A_15, %dma_start3A_85] : memref<10240x64xf32, #tpu.memory_space<vmem_shared>> -> memref<128x64xf32, #tpu.memory_space<vmem_shared>>
      %dma_start3A_87 = arith.constant 0 : i32
      %dma_start3A_88 = tpu.memref_slice %arg10[%add3A_15, %dma_start3A_87] : memref<10240x64xf32, #tpu.memory_space<vmem_shared>> -> memref<128x64xf32, #tpu.memory_space<vmem_shared>>
      tpu.enqueue_dma source(%arg8 : memref<128x64xf32, #tpu.memory_space<vmem>>) target(%dma_start3A_88 : memref<128x64xf32, #tpu.memory_space<vmem_shared>>) target_semaphore(%run_scoped3A : memref<!tpu.dma_semaphore, #tpu.memory_space<semaphore_mem>>)
      %dma_wait3A_89 = arith.constant 0 : i32
      %dma_wait3A_90 = tpu.memref_slice %arg10[%add3A_15, %dma_wait3A_89] : memref<10240x64xf32, #tpu.memory_space<vmem_shared>> -> memref<128x64xf32, #tpu.memory_space<vmem_shared>>
      %dma_wait3A_91 = arith.constant 0 : i32
      %dma_wait3A_92 = tpu.memref_slice %arg10[%add3A_15, %dma_wait3A_91] : memref<10240x64xf32, #tpu.memory_space<vmem_shared>> -> memref<128x64xf32, #tpu.memory_space<vmem_shared>>
      tpu.wait_dma2 semaphore(%run_scoped3A : memref<!tpu.dma_semaphore, #tpu.memory_space<semaphore_mem>>) src(%arg8 : memref<128x64xf32, #tpu.memory_space<vmem>>) dst(%dma_wait3A_92 : memref<128x64xf32, #tpu.memory_space<vmem_shared>>)
      tpu.yield
    }) : () -> ()
    %add3A_16 = arith.constant 512 : i32
    %add3A_17 = arith.addi %mul3A_7, %add3A_16 : i32
    "tpu.region"() ({
      %run_scoped3A = tpu.sem_alloc : memref<!tpu.dma_semaphore, #tpu.memory_space<semaphore_mem>>
      %dma_start3A_85 = arith.constant 0 : i32
      %dma_start3A_86 = tpu.memref_slice %arg10[%add3A_17, %dma_start3A_85] : memref<10240x64xf32, #tpu.memory_space<vmem_shared>> -> memref<128x64xf32, #tpu.memory_space<vmem_shared>>
      %dma_start3A_87 = arith.constant 0 : i32
      %dma_start3A_88 = tpu.memref_slice %arg10[%add3A_17, %dma_start3A_87] : memref<10240x64xf32, #tpu.memory_space<vmem_shared>> -> memref<128x64xf32, #tpu.memory_space<vmem_shared>>
      tpu.enqueue_dma source(%arg8 : memref<128x64xf32, #tpu.memory_space<vmem>>) target(%dma_start3A_88 : memref<128x64xf32, #tpu.memory_space<vmem_shared>>) target_semaphore(%run_scoped3A : memref<!tpu.dma_semaphore, #tpu.memory_space<semaphore_mem>>)
      %dma_wait3A_89 = arith.constant 0 : i32
      %dma_wait3A_90 = tpu.memref_slice %arg10[%add3A_17, %dma_wait3A_89] : memref<10240x64xf32, #tpu.memory_space<vmem_shared>> -> memref<128x64xf32, #tpu.memory_space<vmem_shared>>
      %dma_wait3A_91 = arith.constant 0 : i32
      %dma_wait3A_92 = tpu.memref_slice %arg10[%add3A_17, %dma_wait3A_91] : memref<10240x64xf32, #tpu.memory_space<vmem_shared>> -> memref<128x64xf32, #tpu.memory_space<vmem_shared>>
      tpu.wait_dma2 semaphore(%run_scoped3A : memref<!tpu.dma_semaphore, #tpu.memory_space<semaphore_mem>>) src(%arg8 : memref<128x64xf32, #tpu.memory_space<vmem>>) dst(%dma_wait3A_92 : memref<128x64xf32, #tpu.memory_space<vmem_shared>>)
      tpu.yield
    }) : () -> ()
    %barrier3A = arith.constant 0 : index
    tpu.barrier barrier_id(%barrier3A)
    "tpu.region"() ({
      %run_scoped3A = tpu.sem_alloc : memref<!tpu.dma_semaphore, #tpu.memory_space<semaphore_mem>>
      %dma_start3A_85 = arith.constant 0 : i32
      %dma_start3A_86 = arith.constant 0 : i32
      %dma_start3A_87 = tpu.memref_slice %arg3[%add3A, %dma_start3A_85, %dma_start3A_86] : memref<32x160x128xi32, #tpu.memory_space<hbm>> -> memref<1x160x128xi32, #tpu.memory_space<hbm>>
      %dma_start3A_88 = tpu.memref_squeeze %dma_start3A_87 : memref<1x160x128xi32, #tpu.memory_space<hbm>> -> memref<160x128xi32, #tpu.memory_space<hbm>>
      %dma_start3A_89 = arith.constant 0 : i32
      %dma_start3A_90 = arith.constant 0 : i32
      %dma_start3A_91 = tpu.memref_slice %arg3[%add3A, %dma_start3A_89, %dma_start3A_90] : memref<32x160x128xi32, #tpu.memory_space<hbm>> -> memref<1x160x128xi32, #tpu.memory_space<hbm>>
      %dma_start3A_92 = tpu.memref_squeeze %dma_start3A_91 : memref<1x160x128xi32, #tpu.memory_space<hbm>> -> memref<160x128xi32, #tpu.memory_space<hbm>>
      tpu.enqueue_dma source(%dma_start3A_92 : memref<160x128xi32, #tpu.memory_space<hbm>>) target(%arg6 : memref<160x128xi32, #tpu.memory_space<vmem>>) target_semaphore(%run_scoped3A : memref<!tpu.dma_semaphore, #tpu.memory_space<semaphore_mem>>)
      %dma_wait3A_93 = arith.constant 0 : i32
      %dma_wait3A_94 = arith.constant 0 : i32
      %dma_wait3A_95 = tpu.memref_slice %arg3[%add3A, %dma_wait3A_93, %dma_wait3A_94] : memref<32x160x128xi32, #tpu.memory_space<hbm>> -> memref<1x160x128xi32, #tpu.memory_space<hbm>>
      %dma_wait3A_96 = tpu.memref_squeeze %dma_wait3A_95 : memref<1x160x128xi32, #tpu.memory_space<hbm>> -> memref<160x128xi32, #tpu.memory_space<hbm>>
      %dma_wait3A_97 = arith.constant 0 : i32
      %dma_wait3A_98 = arith.constant 0 : i32
      %dma_wait3A_99 = tpu.memref_slice %arg3[%add3A, %dma_wait3A_97, %dma_wait3A_98] : memref<32x160x128xi32, #tpu.memory_space<hbm>> -> memref<1x160x128xi32, #tpu.memory_space<hbm>>
      %dma_wait3A_100 = tpu.memref_squeeze %dma_wait3A_99 : memref<1x160x128xi32, #tpu.memory_space<hbm>> -> memref<160x128xi32, #tpu.memory_space<hbm>>
      tpu.wait_dma2 semaphore(%run_scoped3A : memref<!tpu.dma_semaphore, #tpu.memory_space<semaphore_mem>>) src(%dma_wait3A_100 : memref<160x128xi32, #tpu.memory_space<hbm>>) dst(%arg6 : memref<160x128xi32, #tpu.memory_space<vmem>>)
      tpu.yield
    }) : () -> ()
    "tpu.region"() ({
      %run_scoped3A = tpu.sem_alloc : memref<!tpu.dma_semaphore, #tpu.memory_space<semaphore_mem>>
      %dma_start3A_85 = arith.constant 0 : i32
      %dma_start3A_86 = arith.constant 0 : i32
      %dma_start3A_87 = tpu.memref_slice %arg4[%add3A, %dma_start3A_85, %dma_start3A_86] : memref<32x160x128xi32, #tpu.memory_space<hbm>> -> memref<1x160x128xi32, #tpu.memory_space<hbm>>
      %dma_start3A_88 = tpu.memref_squeeze %dma_start3A_87 : memref<1x160x128xi32, #tpu.memory_space<hbm>> -> memref<160x128xi32, #tpu.memory_space<hbm>>
      %dma_start3A_89 = arith.constant 0 : i32
      %dma_start3A_90 = arith.constant 0 : i32
      %dma_start3A_91 = tpu.memref_slice %arg4[%add3A, %dma_start3A_89, %dma_start3A_90] : memref<32x160x128xi32, #tpu.memory_space<hbm>> -> memref<1x160x128xi32, #tpu.memory_space<hbm>>
      %dma_start3A_92 = tpu.memref_squeeze %dma_start3A_91 : memref<1x160x128xi32, #tpu.memory_space<hbm>> -> memref<160x128xi32, #tpu.memory_space<hbm>>
      tpu.enqueue_dma source(%dma_start3A_92 : memref<160x128xi32, #tpu.memory_space<hbm>>) target(%arg7 : memref<160x128xi32, #tpu.memory_space<vmem>>) target_semaphore(%run_scoped3A : memref<!tpu.dma_semaphore, #tpu.memory_space<semaphore_mem>>)
      %dma_wait3A_93 = arith.constant 0 : i32
      %dma_wait3A_94 = arith.constant 0 : i32
      %dma_wait3A_95 = tpu.memref_slice %arg4[%add3A, %dma_wait3A_93, %dma_wait3A_94] : memref<32x160x128xi32, #tpu.memory_space<hbm>> -> memref<1x160x128xi32, #tpu.memory_space<hbm>>
      %dma_wait3A_96 = tpu.memref_squeeze %dma_wait3A_95 : memref<1x160x128xi32, #tpu.memory_space<hbm>> -> memref<160x128xi32, #tpu.memory_space<hbm>>
      %dma_wait3A_97 = arith.constant 0 : i32
      %dma_wait3A_98 = arith.constant 0 : i32
      %dma_wait3A_99 = tpu.memref_slice %arg4[%add3A, %dma_wait3A_97, %dma_wait3A_98] : memref<32x160x128xi32, #tpu.memory_space<hbm>> -> memref<1x160x128xi32, #tpu.memory_space<hbm>>
      %dma_wait3A_100 = tpu.memref_squeeze %dma_wait3A_99 : memref<1x160x128xi32, #tpu.memory_space<hbm>> -> memref<160x128xi32, #tpu.memory_space<hbm>>
      tpu.wait_dma2 semaphore(%run_scoped3A : memref<!tpu.dma_semaphore, #tpu.memory_space<semaphore_mem>>) src(%dma_wait3A_100 : memref<160x128xi32, #tpu.memory_space<hbm>>) dst(%arg7 : memref<160x128xi32, #tpu.memory_space<vmem>>)
      tpu.yield
    }) : () -> ()
    %dma_start3A = arith.constant 0 : i32
    %dma_start3A_18 = arith.constant 0 : i32
    %dma_start3A_19 = tpu.memref_slice %arg6[%dma_start3A, %dma_start3A_18] : memref<160x128xi32, #tpu.memory_space<vmem>> -> memref<1x128xi32, #tpu.memory_space<vmem>>
    %dma_start3A_20 = tpu.memref_squeeze %dma_start3A_19 : memref<1x128xi32, #tpu.memory_space<vmem>> -> memref<128xi32, #tpu.memory_space<vmem>>
    %dma_start3A_21 = arith.constant 0 : i32
    %dma_start3A_22 = arith.constant 0 : i32
    %dma_start3A_23 = tpu.memref_slice %arg2[%dma_start3A_21, %dma_start3A_22] : memref<20480x64xf32, #tpu.memory_space<hbm>> -> memref<20480x64xf32, #tpu.memory_space<hbm>>
    tpu.enqueue_indirect_dma source(%dma_start3A_23 : memref<20480x64xf32, #tpu.memory_space<hbm>>) target(%arg8 : memref<128x64xf32, #tpu.memory_space<vmem>>) offsets(%dma_start3A_20 : memref<128xi32, #tpu.memory_space<vmem>>) semaphore(%arg11 : memref<!tpu.dma_semaphore, #tpu.memory_space<semaphore_mem>>)
    %dma_start3A_24 = arith.constant 1 : i32
    %dma_start3A_25 = arith.constant 0 : i32
    %dma_start3A_26 = tpu.memref_slice %arg6[%dma_start3A_24, %dma_start3A_25] : memref<160x128xi32, #tpu.memory_space<vmem>> -> memref<1x128xi32, #tpu.memory_space<vmem>>
    %dma_start3A_27 = tpu.memref_squeeze %dma_start3A_26 : memref<1x128xi32, #tpu.memory_space<vmem>> -> memref<128xi32, #tpu.memory_space<vmem>>
    %dma_start3A_28 = arith.constant 0 : i32
    %dma_start3A_29 = arith.constant 0 : i32
    %dma_start3A_30 = tpu.memref_slice %arg2[%dma_start3A_28, %dma_start3A_29] : memref<20480x64xf32, #tpu.memory_space<hbm>> -> memref<20480x64xf32, #tpu.memory_space<hbm>>
    tpu.enqueue_indirect_dma source(%dma_start3A_30 : memref<20480x64xf32, #tpu.memory_space<hbm>>) target(%arg9 : memref<128x64xf32, #tpu.memory_space<vmem>>) offsets(%dma_start3A_27 : memref<128xi32, #tpu.memory_space<vmem>>) semaphore(%arg12 : memref<!tpu.dma_semaphore, #tpu.memory_space<semaphore_mem>>)
    %scan3A_31 = arith.constant 0 : i32
    %scan3A_32 = arith.constant 79 : i32
    %scan3A_33 = arith.addi %scan3A_31, %scan3A_32 : i32
    %scan3A_34 = arith.constant 1 : i32
    scf.for %scan3A_85 = %scan3A_31 to %scan3A_33 step %scan3A_34  : i32 {
      %mul3A_86 = arith.constant 2 : i32
      %mul3A_87 = arith.muli %mul3A_86, %scan3A_85 : i32
      %mul3A_88 = arith.constant 2 : i32
      %mul3A_89 = arith.muli %mul3A_88, %scan3A_85 : i32
      %add3A_90 = arith.constant 1 : i32
      %add3A_91 = arith.addi %mul3A_89, %add3A_90 : i32
      %dma_wait3A_92 = arith.constant 0 : i32
      %dma_wait3A_93 = tpu.memref_slice %arg6[%mul3A_87, %dma_wait3A_92] : memref<160x128xi32, #tpu.memory_space<vmem>> -> memref<1x128xi32, #tpu.memory_space<vmem>>
      %dma_wait3A_94 = tpu.memref_squeeze %dma_wait3A_93 : memref<1x128xi32, #tpu.memory_space<vmem>> -> memref<128xi32, #tpu.memory_space<vmem>>
      %dma_wait3A_95 = arith.constant 0 : i32
      %dma_wait3A_96 = arith.constant 0 : i32
      %dma_wait3A_97 = tpu.memref_slice %arg2[%dma_wait3A_95, %dma_wait3A_96] : memref<20480x64xf32, #tpu.memory_space<hbm>> -> memref<20480x64xf32, #tpu.memory_space<hbm>>
      tpu.wait_indirect_dma semaphore(%arg11 : memref<!tpu.dma_semaphore, #tpu.memory_space<semaphore_mem>>) src(%dma_wait3A_97 : memref<20480x64xf32, #tpu.memory_space<hbm>>) dst(%arg8 : memref<128x64xf32, #tpu.memory_space<vmem>>)
      "tpu.region"() ({
        %run_scoped3A = tpu.sem_alloc : memref<!tpu.dma_semaphore, #tpu.memory_space<semaphore_mem>>
        %dma_start3A_120 = arith.constant 0 : i32
        %dma_start3A_121 = tpu.memref_slice %arg7[%mul3A_87, %dma_start3A_120] : memref<160x128xi32, #tpu.memory_space<vmem>> -> memref<1x128xi32, #tpu.memory_space<vmem>>
        %dma_start3A_122 = tpu.memref_squeeze %dma_start3A_121 : memref<1x128xi32, #tpu.memory_space<vmem>> -> memref<128xi32, #tpu.memory_space<vmem>>
        %dma_start3A_123 = arith.constant 0 : i32
        %dma_start3A_124 = arith.constant 0 : i32
        %dma_start3A_125 = tpu.memref_slice %arg10[%dma_start3A_123, %dma_start3A_124] : memref<10240x64xf32, #tpu.memory_space<vmem_shared>> -> memref<10240x64xf32, #tpu.memory_space<vmem_shared>>
        tpu.enqueue_indirect_dma source(%arg8 : memref<128x64xf32, #tpu.memory_space<vmem>>) target(%dma_start3A_125 : memref<10240x64xf32, #tpu.memory_space<vmem_shared>>) offsets(%dma_start3A_122 : memref<128xi32, #tpu.memory_space<vmem>>) semaphore(%run_scoped3A : memref<!tpu.dma_semaphore, #tpu.memory_space<semaphore_mem>>) {add = true}
        %dma_wait3A_126 = arith.constant 0 : i32
        %dma_wait3A_127 = tpu.memref_slice %arg7[%mul3A_87, %dma_wait3A_126] : memref<160x128xi32, #tpu.memory_space<vmem>> -> memref<1x128xi32, #tpu.memory_space<vmem>>
        %dma_wait3A_128 = tpu.memref_squeeze %dma_wait3A_127 : memref<1x128xi32, #tpu.memory_space<vmem>> -> memref<128xi32, #tpu.memory_space<vmem>>
        %dma_wait3A_129 = arith.constant 0 : i32
        %dma_wait3A_130 = arith.constant 0 : i32
        %dma_wait3A_131 = tpu.memref_slice %arg10[%dma_wait3A_129, %dma_wait3A_130] : memref<10240x64xf32, #tpu.memory_space<vmem_shared>> -> memref<10240x64xf32, #tpu.memory_space<vmem_shared>>
        tpu.wait_indirect_dma semaphore(%run_scoped3A : memref<!tpu.dma_semaphore, #tpu.memory_space<semaphore_mem>>) src(%arg8 : memref<128x64xf32, #tpu.memory_space<vmem>>) dst(%dma_wait3A_131 : memref<10240x64xf32, #tpu.memory_space<vmem_shared>>)
        tpu.yield
      }) : () -> ()
      %add3A_98 = arith.constant 2 : i32
      %add3A_99 = arith.addi %mul3A_87, %add3A_98 : i32
      %dma_start3A_100 = arith.constant 0 : i32
      %dma_start3A_101 = tpu.memref_slice %arg6[%add3A_99, %dma_start3A_100] : memref<160x128xi32, #tpu.memory_space<vmem>> -> memref<1x128xi32, #tpu.memory_space<vmem>>
      %dma_start3A_102 = tpu.memref_squeeze %dma_start3A_101 : memref<1x128xi32, #tpu.memory_space<vmem>> -> memref<128xi32, #tpu.memory_space<vmem>>
      %dma_start3A_103 = arith.constant 0 : i32
      %dma_start3A_104 = arith.constant 0 : i32
      %dma_start3A_105 = tpu.memref_slice %arg2[%dma_start3A_103, %dma_start3A_104] : memref<20480x64xf32, #tpu.memory_space<hbm>> -> memref<20480x64xf32, #tpu.memory_space<hbm>>
      tpu.enqueue_indirect_dma source(%dma_start3A_105 : memref<20480x64xf32, #tpu.memory_space<hbm>>) target(%arg8 : memref<128x64xf32, #tpu.memory_space<vmem>>) offsets(%dma_start3A_102 : memref<128xi32, #tpu.memory_space<vmem>>) semaphore(%arg11 : memref<!tpu.dma_semaphore, #tpu.memory_space<semaphore_mem>>)
      %dma_wait3A_106 = arith.constant 0 : i32
      %dma_wait3A_107 = tpu.memref_slice %arg6[%add3A_91, %dma_wait3A_106] : memref<160x128xi32, #tpu.memory_space<vmem>> -> memref<1x128xi32, #tpu.memory_space<vmem>>
      %dma_wait3A_108 = tpu.memref_squeeze %dma_wait3A_107 : memref<1x128xi32, #tpu.memory_space<vmem>> -> memref<128xi32, #tpu.memory_space<vmem>>
      %dma_wait3A_109 = arith.constant 0 : i32
      %dma_wait3A_110 = arith.constant 0 : i32
      %dma_wait3A_111 = tpu.memref_slice %arg2[%dma_wait3A_109, %dma_wait3A_110] : memref<20480x64xf32, #tpu.memory_space<hbm>> -> memref<20480x64xf32, #tpu.memory_space<hbm>>
      tpu.wait_indirect_dma semaphore(%arg12 : memref<!tpu.dma_semaphore, #tpu.memory_space<semaphore_mem>>) src(%dma_wait3A_111 : memref<20480x64xf32, #tpu.memory_space<hbm>>) dst(%arg9 : memref<128x64xf32, #tpu.memory_space<vmem>>)
      "tpu.region"() ({
        %run_scoped3A = tpu.sem_alloc : memref<!tpu.dma_semaphore, #tpu.memory_space<semaphore_mem>>
        %dma_start3A_120 = arith.constant 0 : i32
        %dma_start3A_121 = tpu.memref_slice %arg7[%add3A_91, %dma_start3A_120] : memref<160x128xi32, #tpu.memory_space<vmem>> -> memref<1x128xi32, #tpu.memory_space<vmem>>
        %dma_start3A_122 = tpu.memref_squeeze %dma_start3A_121 : memref<1x128xi32, #tpu.memory_space<vmem>> -> memref<128xi32, #tpu.memory_space<vmem>>
        %dma_start3A_123 = arith.constant 0 : i32
        %dma_start3A_124 = arith.constant 0 : i32
        %dma_start3A_125 = tpu.memref_slice %arg10[%dma_start3A_123, %dma_start3A_124] : memref<10240x64xf32, #tpu.memory_space<vmem_shared>> -> memref<10240x64xf32, #tpu.memory_space<vmem_shared>>
        tpu.enqueue_indirect_dma source(%arg9 : memref<128x64xf32, #tpu.memory_space<vmem>>) target(%dma_start3A_125 : memref<10240x64xf32, #tpu.memory_space<vmem_shared>>) offsets(%dma_start3A_122 : memref<128xi32, #tpu.memory_space<vmem>>) semaphore(%run_scoped3A : memref<!tpu.dma_semaphore, #tpu.memory_space<semaphore_mem>>) {add = true}
        %dma_wait3A_126 = arith.constant 0 : i32
        %dma_wait3A_127 = tpu.memref_slice %arg7[%add3A_91, %dma_wait3A_126] : memref<160x128xi32, #tpu.memory_space<vmem>> -> memref<1x128xi32, #tpu.memory_space<vmem>>
        %dma_wait3A_128 = tpu.memref_squeeze %dma_wait3A_127 : memref<1x128xi32, #tpu.memory_space<vmem>> -> memref<128xi32, #tpu.memory_space<vmem>>
        %dma_wait3A_129 = arith.constant 0 : i32
        %dma_wait3A_130 = arith.constant 0 : i32
        %dma_wait3A_131 = tpu.memref_slice %arg10[%dma_wait3A_129, %dma_wait3A_130] : memref<10240x64xf32, #tpu.memory_space<vmem_shared>> -> memref<10240x64xf32, #tpu.memory_space<vmem_shared>>
        tpu.wait_indirect_dma semaphore(%run_scoped3A : memref<!tpu.dma_semaphore, #tpu.memory_space<semaphore_mem>>) src(%arg9 : memref<128x64xf32, #tpu.memory_space<vmem>>) dst(%dma_wait3A_131 : memref<10240x64xf32, #tpu.memory_space<vmem_shared>>)
        tpu.yield
      }) : () -> ()
      %add3A_112 = arith.constant 2 : i32
      %add3A_113 = arith.addi %add3A_91, %add3A_112 : i32
      %dma_start3A_114 = arith.constant 0 : i32
      %dma_start3A_115 = tpu.memref_slice %arg6[%add3A_113, %dma_start3A_114] : memref<160x128xi32, #tpu.memory_space<vmem>> -> memref<1x128xi32, #tpu.memory_space<vmem>>
      %dma_start3A_116 = tpu.memref_squeeze %dma_start3A_115 : memref<1x128xi32, #tpu.memory_space<vmem>> -> memref<128xi32, #tpu.memory_space<vmem>>
      %dma_start3A_117 = arith.constant 0 : i32
      %dma_start3A_118 = arith.constant 0 : i32
      %dma_start3A_119 = tpu.memref_slice %arg2[%dma_start3A_117, %dma_start3A_118] : memref<20480x64xf32, #tpu.memory_space<hbm>> -> memref<20480x64xf32, #tpu.memory_space<hbm>>
      tpu.enqueue_indirect_dma source(%dma_start3A_119 : memref<20480x64xf32, #tpu.memory_space<hbm>>) target(%arg9 : memref<128x64xf32, #tpu.memory_space<vmem>>) offsets(%dma_start3A_116 : memref<128xi32, #tpu.memory_space<vmem>>) semaphore(%arg12 : memref<!tpu.dma_semaphore, #tpu.memory_space<semaphore_mem>>)
    }
    %scan3A_35 = arith.constant 79 : i32
    %dma_wait3A = arith.constant 158 : i32
    %dma_wait3A_36 = arith.constant 0 : i32
    %dma_wait3A_37 = tpu.memref_slice %arg6[%dma_wait3A, %dma_wait3A_36] : memref<160x128xi32, #tpu.memory_space<vmem>> -> memref<1x128xi32, #tpu.memory_space<vmem>>
    %dma_wait3A_38 = tpu.memref_squeeze %dma_wait3A_37 : memref<1x128xi32, #tpu.memory_space<vmem>> -> memref<128xi32, #tpu.memory_space<vmem>>
    %dma_wait3A_39 = arith.constant 0 : i32
    %dma_wait3A_40 = arith.constant 0 : i32
    %dma_wait3A_41 = tpu.memref_slice %arg2[%dma_wait3A_39, %dma_wait3A_40] : memref<20480x64xf32, #tpu.memory_space<hbm>> -> memref<20480x64xf32, #tpu.memory_space<hbm>>
    tpu.wait_indirect_dma semaphore(%arg11 : memref<!tpu.dma_semaphore, #tpu.memory_space<semaphore_mem>>) src(%dma_wait3A_41 : memref<20480x64xf32, #tpu.memory_space<hbm>>) dst(%arg8 : memref<128x64xf32, #tpu.memory_space<vmem>>)
    %dma_wait3A_42 = arith.constant 159 : i32
    %dma_wait3A_43 = arith.constant 0 : i32
    %dma_wait3A_44 = tpu.memref_slice %arg6[%dma_wait3A_42, %dma_wait3A_43] : memref<160x128xi32, #tpu.memory_space<vmem>> -> memref<1x128xi32, #tpu.memory_space<vmem>>
    %dma_wait3A_45 = tpu.memref_squeeze %dma_wait3A_44 : memref<1x128xi32, #tpu.memory_space<vmem>> -> memref<128xi32, #tpu.memory_space<vmem>>
    %dma_wait3A_46 = arith.constant 0 : i32
    %dma_wait3A_47 = arith.constant 0 : i32
    %dma_wait3A_48 = tpu.memref_slice %arg2[%dma_wait3A_46, %dma_wait3A_47] : memref<20480x64xf32, #tpu.memory_space<hbm>> -> memref<20480x64xf32, #tpu.memory_space<hbm>>
    tpu.wait_indirect_dma semaphore(%arg12 : memref<!tpu.dma_semaphore, #tpu.memory_space<semaphore_mem>>) src(%dma_wait3A_48 : memref<20480x64xf32, #tpu.memory_space<hbm>>) dst(%arg9 : memref<128x64xf32, #tpu.memory_space<vmem>>)
    %barrier3A_49 = arith.constant 0 : index
    tpu.barrier barrier_id(%barrier3A_49)
    %add3A_50 = arith.constant 0 : i32
    %add3A_51 = arith.addi %mul3A_7, %add3A_50 : i32
    "tpu.region"() ({
      %run_scoped3A = tpu.sem_alloc : memref<!tpu.dma_semaphore, #tpu.memory_space<semaphore_mem>>
      %dma_start3A_85 = arith.constant 0 : i32
      %dma_start3A_86 = tpu.memref_slice %arg10[%add3A_51, %dma_start3A_85] : memref<10240x64xf32, #tpu.memory_space<vmem_shared>> -> memref<128x64xf32, #tpu.memory_space<vmem_shared>>
      %dma_start3A_87 = arith.constant 0 : i32
      %dma_start3A_88 = tpu.memref_slice %arg10[%add3A_51, %dma_start3A_87] : memref<10240x64xf32, #tpu.memory_space<vmem_shared>> -> memref<128x64xf32, #tpu.memory_space<vmem_shared>>
      tpu.enqueue_dma source(%dma_start3A_88 : memref<128x64xf32, #tpu.memory_space<vmem_shared>>) target(%arg8 : memref<128x64xf32, #tpu.memory_space<vmem>>) target_semaphore(%run_scoped3A : memref<!tpu.dma_semaphore, #tpu.memory_space<semaphore_mem>>)
      %dma_wait3A_89 = arith.constant 0 : i32
      %dma_wait3A_90 = tpu.memref_slice %arg10[%add3A_51, %dma_wait3A_89] : memref<10240x64xf32, #tpu.memory_space<vmem_shared>> -> memref<128x64xf32, #tpu.memory_space<vmem_shared>>
      %dma_wait3A_91 = arith.constant 0 : i32
      %dma_wait3A_92 = tpu.memref_slice %arg10[%add3A_51, %dma_wait3A_91] : memref<10240x64xf32, #tpu.memory_space<vmem_shared>> -> memref<128x64xf32, #tpu.memory_space<vmem_shared>>
      tpu.wait_dma2 semaphore(%run_scoped3A : memref<!tpu.dma_semaphore, #tpu.memory_space<semaphore_mem>>) src(%dma_wait3A_92 : memref<128x64xf32, #tpu.memory_space<vmem_shared>>) dst(%arg8 : memref<128x64xf32, #tpu.memory_space<vmem>>)
      tpu.yield
    }) : () -> ()
    %mul3A_52 = arith.constant 10240 : i32
    %mul3A_53 = arith.muli %arg0, %mul3A_52 : i32
    %add3A_54 = arith.addi %mul3A_53, %mul3A_7 : i32
    %add3A_55 = arith.constant 0 : i32
    %add3A_56 = arith.addi %add3A_54, %add3A_55 : i32
    "tpu.region"() ({
      %run_scoped3A = tpu.sem_alloc : memref<!tpu.dma_semaphore, #tpu.memory_space<semaphore_mem>>
      %dma_start3A_85 = arith.constant 0 : i32
      %dma_start3A_86 = tpu.memref_slice %arg5[%add3A_56, %dma_start3A_85] : memref<20480x64xf32, #tpu.memory_space<hbm>> -> memref<128x64xf32, #tpu.memory_space<hbm>>
      %dma_start3A_87 = arith.constant 0 : i32
      %dma_start3A_88 = tpu.memref_slice %arg5[%add3A_56, %dma_start3A_87] : memref<20480x64xf32, #tpu.memory_space<hbm>> -> memref<128x64xf32, #tpu.memory_space<hbm>>
      tpu.enqueue_dma source(%arg8 : memref<128x64xf32, #tpu.memory_space<vmem>>) target(%dma_start3A_88 : memref<128x64xf32, #tpu.memory_space<hbm>>) target_semaphore(%run_scoped3A : memref<!tpu.dma_semaphore, #tpu.memory_space<semaphore_mem>>)
      %dma_wait3A_89 = arith.constant 0 : i32
      %dma_wait3A_90 = tpu.memref_slice %arg5[%add3A_56, %dma_wait3A_89] : memref<20480x64xf32, #tpu.memory_space<hbm>> -> memref<128x64xf32, #tpu.memory_space<hbm>>
      %dma_wait3A_91 = arith.constant 0 : i32
      %dma_wait3A_92 = tpu.memref_slice %arg5[%add3A_56, %dma_wait3A_91] : memref<20480x64xf32, #tpu.memory_space<hbm>> -> memref<128x64xf32, #tpu.memory_space<hbm>>
      tpu.wait_dma2 semaphore(%run_scoped3A : memref<!tpu.dma_semaphore, #tpu.memory_space<semaphore_mem>>) src(%arg8 : memref<128x64xf32, #tpu.memory_space<vmem>>) dst(%dma_wait3A_92 : memref<128x64xf32, #tpu.memory_space<hbm>>)
      tpu.yield
    }) : () -> ()
    %add3A_57 = arith.constant 128 : i32
    %add3A_58 = arith.addi %mul3A_7, %add3A_57 : i32
    "tpu.region"() ({
      %run_scoped3A = tpu.sem_alloc : memref<!tpu.dma_semaphore, #tpu.memory_space<semaphore_mem>>
      %dma_start3A_85 = arith.constant 0 : i32
      %dma_start3A_86 = tpu.memref_slice %arg10[%add3A_58, %dma_start3A_85] : memref<10240x64xf32, #tpu.memory_space<vmem_shared>> -> memref<128x64xf32, #tpu.memory_space<vmem_shared>>
      %dma_start3A_87 = arith.constant 0 : i32
      %dma_start3A_88 = tpu.memref_slice %arg10[%add3A_58, %dma_start3A_87] : memref<10240x64xf32, #tpu.memory_space<vmem_shared>> -> memref<128x64xf32, #tpu.memory_space<vmem_shared>>
      tpu.enqueue_dma source(%dma_start3A_88 : memref<128x64xf32, #tpu.memory_space<vmem_shared>>) target(%arg8 : memref<128x64xf32, #tpu.memory_space<vmem>>) target_semaphore(%run_scoped3A : memref<!tpu.dma_semaphore, #tpu.memory_space<semaphore_mem>>)
      %dma_wait3A_89 = arith.constant 0 : i32
      %dma_wait3A_90 = tpu.memref_slice %arg10[%add3A_58, %dma_wait3A_89] : memref<10240x64xf32, #tpu.memory_space<vmem_shared>> -> memref<128x64xf32, #tpu.memory_space<vmem_shared>>
      %dma_wait3A_91 = arith.constant 0 : i32
      %dma_wait3A_92 = tpu.memref_slice %arg10[%add3A_58, %dma_wait3A_91] : memref<10240x64xf32, #tpu.memory_space<vmem_shared>> -> memref<128x64xf32, #tpu.memory_space<vmem_shared>>
      tpu.wait_dma2 semaphore(%run_scoped3A : memref<!tpu.dma_semaphore, #tpu.memory_space<semaphore_mem>>) src(%dma_wait3A_92 : memref<128x64xf32, #tpu.memory_space<vmem_shared>>) dst(%arg8 : memref<128x64xf32, #tpu.memory_space<vmem>>)
      tpu.yield
    }) : () -> ()
    %mul3A_59 = arith.constant 10240 : i32
    %mul3A_60 = arith.muli %arg0, %mul3A_59 : i32
    %add3A_61 = arith.addi %mul3A_60, %mul3A_7 : i32
    %add3A_62 = arith.constant 128 : i32
    %add3A_63 = arith.addi %add3A_61, %add3A_62 : i32
    "tpu.region"() ({
      %run_scoped3A = tpu.sem_alloc : memref<!tpu.dma_semaphore, #tpu.memory_space<semaphore_mem>>
      %dma_start3A_85 = arith.constant 0 : i32
      %dma_start3A_86 = tpu.memref_slice %arg5[%add3A_63, %dma_start3A_85] : memref<20480x64xf32, #tpu.memory_space<hbm>> -> memref<128x64xf32, #tpu.memory_space<hbm>>
      %dma_start3A_87 = arith.constant 0 : i32
      %dma_start3A_88 = tpu.memref_slice %arg5[%add3A_63, %dma_start3A_87] : memref<20480x64xf32, #tpu.memory_space<hbm>> -> memref<128x64xf32, #tpu.memory_space<hbm>>
      tpu.enqueue_dma source(%arg8 : memref<128x64xf32, #tpu.memory_space<vmem>>) target(%dma_start3A_88 : memref<128x64xf32, #tpu.memory_space<hbm>>) target_semaphore(%run_scoped3A : memref<!tpu.dma_semaphore, #tpu.memory_space<semaphore_mem>>)
      %dma_wait3A_89 = arith.constant 0 : i32
      %dma_wait3A_90 = tpu.memref_slice %arg5[%add3A_63, %dma_wait3A_89] : memref<20480x64xf32, #tpu.memory_space<hbm>> -> memref<128x64xf32, #tpu.memory_space<hbm>>
      %dma_wait3A_91 = arith.constant 0 : i32
      %dma_wait3A_92 = tpu.memref_slice %arg5[%add3A_63, %dma_wait3A_91] : memref<20480x64xf32, #tpu.memory_space<hbm>> -> memref<128x64xf32, #tpu.memory_space<hbm>>
      tpu.wait_dma2 semaphore(%run_scoped3A : memref<!tpu.dma_semaphore, #tpu.memory_space<semaphore_mem>>) src(%arg8 : memref<128x64xf32, #tpu.memory_space<vmem>>) dst(%dma_wait3A_92 : memref<128x64xf32, #tpu.memory_space<hbm>>)
      tpu.yield
    }) : () -> ()
    %add3A_64 = arith.constant 256 : i32
    %add3A_65 = arith.addi %mul3A_7, %add3A_64 : i32
    "tpu.region"() ({
      %run_scoped3A = tpu.sem_alloc : memref<!tpu.dma_semaphore, #tpu.memory_space<semaphore_mem>>
      %dma_start3A_85 = arith.constant 0 : i32
      %dma_start3A_86 = tpu.memref_slice %arg10[%add3A_65, %dma_start3A_85] : memref<10240x64xf32, #tpu.memory_space<vmem_shared>> -> memref<128x64xf32, #tpu.memory_space<vmem_shared>>
      %dma_start3A_87 = arith.constant 0 : i32
      %dma_start3A_88 = tpu.memref_slice %arg10[%add3A_65, %dma_start3A_87] : memref<10240x64xf32, #tpu.memory_space<vmem_shared>> -> memref<128x64xf32, #tpu.memory_space<vmem_shared>>
      tpu.enqueue_dma source(%dma_start3A_88 : memref<128x64xf32, #tpu.memory_space<vmem_shared>>) target(%arg8 : memref<128x64xf32, #tpu.memory_space<vmem>>) target_semaphore(%run_scoped3A : memref<!tpu.dma_semaphore, #tpu.memory_space<semaphore_mem>>)
      %dma_wait3A_89 = arith.constant 0 : i32
      %dma_wait3A_90 = tpu.memref_slice %arg10[%add3A_65, %dma_wait3A_89] : memref<10240x64xf32, #tpu.memory_space<vmem_shared>> -> memref<128x64xf32, #tpu.memory_space<vmem_shared>>
      %dma_wait3A_91 = arith.constant 0 : i32
      %dma_wait3A_92 = tpu.memref_slice %arg10[%add3A_65, %dma_wait3A_91] : memref<10240x64xf32, #tpu.memory_space<vmem_shared>> -> memref<128x64xf32, #tpu.memory_space<vmem_shared>>
      tpu.wait_dma2 semaphore(%run_scoped3A : memref<!tpu.dma_semaphore, #tpu.memory_space<semaphore_mem>>) src(%dma_wait3A_92 : memref<128x64xf32, #tpu.memory_space<vmem_shared>>) dst(%arg8 : memref<128x64xf32, #tpu.memory_space<vmem>>)
      tpu.yield
    }) : () -> ()
    %mul3A_66 = arith.constant 10240 : i32
    %mul3A_67 = arith.muli %arg0, %mul3A_66 : i32
    %add3A_68 = arith.addi %mul3A_67, %mul3A_7 : i32
    %add3A_69 = arith.constant 256 : i32
    %add3A_70 = arith.addi %add3A_68, %add3A_69 : i32
    "tpu.region"() ({
      %run_scoped3A = tpu.sem_alloc : memref<!tpu.dma_semaphore, #tpu.memory_space<semaphore_mem>>
      %dma_start3A_85 = arith.constant 0 : i32
      %dma_start3A_86 = tpu.memref_slice %arg5[%add3A_70, %dma_start3A_85] : memref<20480x64xf32, #tpu.memory_space<hbm>> -> memref<128x64xf32, #tpu.memory_space<hbm>>
      %dma_start3A_87 = arith.constant 0 : i32
      %dma_start3A_88 = tpu.memref_slice %arg5[%add3A_70, %dma_start3A_87] : memref<20480x64xf32, #tpu.memory_space<hbm>> -> memref<128x64xf32, #tpu.memory_space<hbm>>
      tpu.enqueue_dma source(%arg8 : memref<128x64xf32, #tpu.memory_space<vmem>>) target(%dma_start3A_88 : memref<128x64xf32, #tpu.memory_space<hbm>>) target_semaphore(%run_scoped3A : memref<!tpu.dma_semaphore, #tpu.memory_space<semaphore_mem>>)
      %dma_wait3A_89 = arith.constant 0 : i32
      %dma_wait3A_90 = tpu.memref_slice %arg5[%add3A_70, %dma_wait3A_89] : memref<20480x64xf32, #tpu.memory_space<hbm>> -> memref<128x64xf32, #tpu.memory_space<hbm>>
      %dma_wait3A_91 = arith.constant 0 : i32
      %dma_wait3A_92 = tpu.memref_slice %arg5[%add3A_70, %dma_wait3A_91] : memref<20480x64xf32, #tpu.memory_space<hbm>> -> memref<128x64xf32, #tpu.memory_space<hbm>>
      tpu.wait_dma2 semaphore(%run_scoped3A : memref<!tpu.dma_semaphore, #tpu.memory_space<semaphore_mem>>) src(%arg8 : memref<128x64xf32, #tpu.memory_space<vmem>>) dst(%dma_wait3A_92 : memref<128x64xf32, #tpu.memory_space<hbm>>)
      tpu.yield
    }) : () -> ()
    %add3A_71 = arith.constant 384 : i32
    %add3A_72 = arith.addi %mul3A_7, %add3A_71 : i32
    "tpu.region"() ({
      %run_scoped3A = tpu.sem_alloc : memref<!tpu.dma_semaphore, #tpu.memory_space<semaphore_mem>>
      %dma_start3A_85 = arith.constant 0 : i32
      %dma_start3A_86 = tpu.memref_slice %arg10[%add3A_72, %dma_start3A_85] : memref<10240x64xf32, #tpu.memory_space<vmem_shared>> -> memref<128x64xf32, #tpu.memory_space<vmem_shared>>
      %dma_start3A_87 = arith.constant 0 : i32
      %dma_start3A_88 = tpu.memref_slice %arg10[%add3A_72, %dma_start3A_87] : memref<10240x64xf32, #tpu.memory_space<vmem_shared>> -> memref<128x64xf32, #tpu.memory_space<vmem_shared>>
      tpu.enqueue_dma source(%dma_start3A_88 : memref<128x64xf32, #tpu.memory_space<vmem_shared>>) target(%arg8 : memref<128x64xf32, #tpu.memory_space<vmem>>) target_semaphore(%run_scoped3A : memref<!tpu.dma_semaphore, #tpu.memory_space<semaphore_mem>>)
      %dma_wait3A_89 = arith.constant 0 : i32
      %dma_wait3A_90 = tpu.memref_slice %arg10[%add3A_72, %dma_wait3A_89] : memref<10240x64xf32, #tpu.memory_space<vmem_shared>> -> memref<128x64xf32, #tpu.memory_space<vmem_shared>>
      %dma_wait3A_91 = arith.constant 0 : i32
      %dma_wait3A_92 = tpu.memref_slice %arg10[%add3A_72, %dma_wait3A_91] : memref<10240x64xf32, #tpu.memory_space<vmem_shared>> -> memref<128x64xf32, #tpu.memory_space<vmem_shared>>
      tpu.wait_dma2 semaphore(%run_scoped3A : memref<!tpu.dma_semaphore, #tpu.memory_space<semaphore_mem>>) src(%dma_wait3A_92 : memref<128x64xf32, #tpu.memory_space<vmem_shared>>) dst(%arg8 : memref<128x64xf32, #tpu.memory_space<vmem>>)
      tpu.yield
    }) : () -> ()
    %mul3A_73 = arith.constant 10240 : i32
    %mul3A_74 = arith.muli %arg0, %mul3A_73 : i32
    %add3A_75 = arith.addi %mul3A_74, %mul3A_7 : i32
    %add3A_76 = arith.constant 384 : i32
    %add3A_77 = arith.addi %add3A_75, %add3A_76 : i32
    "tpu.region"() ({
      %run_scoped3A = tpu.sem_alloc : memref<!tpu.dma_semaphore, #tpu.memory_space<semaphore_mem>>
      %dma_start3A_85 = arith.constant 0 : i32
      %dma_start3A_86 = tpu.memref_slice %arg5[%add3A_77, %dma_start3A_85] : memref<20480x64xf32, #tpu.memory_space<hbm>> -> memref<128x64xf32, #tpu.memory_space<hbm>>
      %dma_start3A_87 = arith.constant 0 : i32
      %dma_start3A_88 = tpu.memref_slice %arg5[%add3A_77, %dma_start3A_87] : memref<20480x64xf32, #tpu.memory_space<hbm>> -> memref<128x64xf32, #tpu.memory_space<hbm>>
      tpu.enqueue_dma source(%arg8 : memref<128x64xf32, #tpu.memory_space<vmem>>) target(%dma_start3A_88 : memref<128x64xf32, #tpu.memory_space<hbm>>) target_semaphore(%run_scoped3A : memref<!tpu.dma_semaphore, #tpu.memory_space<semaphore_mem>>)
      %dma_wait3A_89 = arith.constant 0 : i32
      %dma_wait3A_90 = tpu.memref_slice %arg5[%add3A_77, %dma_wait3A_89] : memref<20480x64xf32, #tpu.memory_space<hbm>> -> memref<128x64xf32, #tpu.memory_space<hbm>>
      %dma_wait3A_91 = arith.constant 0 : i32
      %dma_wait3A_92 = tpu.memref_slice %arg5[%add3A_77, %dma_wait3A_91] : memref<20480x64xf32, #tpu.memory_space<hbm>> -> memref<128x64xf32, #tpu.memory_space<hbm>>
      tpu.wait_dma2 semaphore(%run_scoped3A : memref<!tpu.dma_semaphore, #tpu.memory_space<semaphore_mem>>) src(%arg8 : memref<128x64xf32, #tpu.memory_space<vmem>>) dst(%dma_wait3A_92 : memref<128x64xf32, #tpu.memory_space<hbm>>)
      tpu.yield
    }) : () -> ()
    %add3A_78 = arith.constant 512 : i32
    %add3A_79 = arith.addi %mul3A_7, %add3A_78 : i32
    "tpu.region"() ({
      %run_scoped3A = tpu.sem_alloc : memref<!tpu.dma_semaphore, #tpu.memory_space<semaphore_mem>>
      %dma_start3A_85 = arith.constant 0 : i32
      %dma_start3A_86 = tpu.memref_slice %arg10[%add3A_79, %dma_start3A_85] : memref<10240x64xf32, #tpu.memory_space<vmem_shared>> -> memref<128x64xf32, #tpu.memory_space<vmem_shared>>
      %dma_start3A_87 = arith.constant 0 : i32
      %dma_start3A_88 = tpu.memref_slice %arg10[%add3A_79, %dma_start3A_87] : memref<10240x64xf32, #tpu.memory_space<vmem_shared>> -> memref<128x64xf32, #tpu.memory_space<vmem_shared>>
      tpu.enqueue_dma source(%dma_start3A_88 : memref<128x64xf32, #tpu.memory_space<vmem_shared>>) target(%arg8 : memref<128x64xf32, #tpu.memory_space<vmem>>) target_semaphore(%run_scoped3A : memref<!tpu.dma_semaphore, #tpu.memory_space<semaphore_mem>>)
      %dma_wait3A_89 = arith.constant 0 : i32
      %dma_wait3A_90 = tpu.memref_slice %arg10[%add3A_79, %dma_wait3A_89] : memref<10240x64xf32, #tpu.memory_space<vmem_shared>> -> memref<128x64xf32, #tpu.memory_space<vmem_shared>>
      %dma_wait3A_91 = arith.constant 0 : i32
      %dma_wait3A_92 = tpu.memref_slice %arg10[%add3A_79, %dma_wait3A_91] : memref<10240x64xf32, #tpu.memory_space<vmem_shared>> -> memref<128x64xf32, #tpu.memory_space<vmem_shared>>
      tpu.wait_dma2 semaphore(%run_scoped3A : memref<!tpu.dma_semaphore, #tpu.memory_space<semaphore_mem>>) src(%dma_wait3A_92 : memref<128x64xf32, #tpu.memory_space<vmem_shared>>) dst(%arg8 : memref<128x64xf32, #tpu.memory_space<vmem>>)
      tpu.yield
    }) : () -> ()
    %mul3A_80 = arith.constant 10240 : i32
    %mul3A_81 = arith.muli %arg0, %mul3A_80 : i32
    %add3A_82 = arith.addi %mul3A_81, %mul3A_7 : i32
    %add3A_83 = arith.constant 512 : i32
    %add3A_84 = arith.addi %add3A_82, %add3A_83 : i32
    "tpu.region"() ({
      %run_scoped3A = tpu.sem_alloc : memref<!tpu.dma_semaphore, #tpu.memory_space<semaphore_mem>>
      %dma_start3A_85 = arith.constant 0 : i32
      %dma_start3A_86 = tpu.memref_slice %arg5[%add3A_84, %dma_start3A_85] : memref<20480x64xf32, #tpu.memory_space<hbm>> -> memref<128x64xf32, #tpu.memory_space<hbm>>
      %dma_start3A_87 = arith.constant 0 : i32
      %dma_start3A_88 = tpu.memref_slice %arg5[%add3A_84, %dma_start3A_87] : memref<20480x64xf32, #tpu.memory_space<hbm>> -> memref<128x64xf32, #tpu.memory_space<hbm>>
      tpu.enqueue_dma source(%arg8 : memref<128x64xf32, #tpu.memory_space<vmem>>) target(%dma_start3A_88 : memref<128x64xf32, #tpu.memory_space<hbm>>) target_semaphore(%run_scoped3A : memref<!tpu.dma_semaphore, #tpu.memory_space<semaphore_mem>>)
      %dma_wait3A_89 = arith.constant 0 : i32
      %dma_wait3A_90 = tpu.memref_slice %arg5[%add3A_84, %dma_wait3A_89] : memref<20480x64xf32, #tpu.memory_space<hbm>> -> memref<128x64xf32, #tpu.memory_space<hbm>>
      %dma_wait3A_91 = arith.constant 0 : i32
      %dma_wait3A_92 = tpu.memref_slice %arg5[%add3A_84, %dma_wait3A_91] : memref<20480x64xf32, #tpu.memory_space<hbm>> -> memref<128x64xf32, #tpu.memory_space<hbm>>
      tpu.wait_dma2 semaphore(%run_scoped3A : memref<!tpu.dma_semaphore, #tpu.memory_space<semaphore_mem>>) src(%arg8 : memref<128x64xf32, #tpu.memory_space<vmem>>) dst(%dma_wait3A_92 : memref<128x64xf32, #tpu.memory_space<hbm>>)
      tpu.yield
    }) : () -> ()
    return
  }
}

#map = affine_map<(d0, d1) -> (0, 0)>
#map1 = affine_map<(d0, d1) -> (0, 0, 0)>
module attributes {stable_mosaic.version = 14 : i64} {
  func.func @k(%arg0: i32, %arg1: i32, %arg2: memref<20480x64xf32, #tpu.memory_space<hbm>>, %arg3: memref<32x160x128xi32, #tpu.memory_space<hbm>>, %arg4: memref<32x160x128xi32, #tpu.memory_space<hbm>>, %arg5: memref<20480x64xf32, #tpu.memory_space<hbm>>, %arg6: memref<160x128xi32, #tpu.memory_space<vmem>>, %arg7: memref<160x128xi32, #tpu.memory_space<vmem>>, %arg8: memref<128x64xf32, #tpu.memory_space<vmem>>, %arg9: memref<128x64xf32, #tpu.memory_space<vmem>>, %arg10: memref<10240x64xf32, #tpu.memory_space<vmem_shared>>, %arg11: memref<!tpu.dma_semaphore, #tpu.memory_space<semaphore_mem>>, %arg12: memref<!tpu.dma_semaphore, #tpu.memory_space<semaphore_mem>>) attributes {dimension_semantics = [#tpu.dimension_semantics<core_parallel>, #tpu.dimension_semantics<subcore_parallel>], iteration_bounds = array<i64: 2, 16>, scalar_prefetch = 0 : i64, scratch_operands = 7 : i64, tpu.core_type = #tpu.core_type<sc_vector_subcore>, window_params = [{transform_indices = #map}, {transform_indices = #map1}, {transform_indices = #map1}, {transform_indices = #map}]} {
    %mul3A = arith.constant 16 : i32
    %mul3A_0 = arith.muli %arg0, %mul3A : i32
    %add3A = arith.addi %mul3A_0, %arg1 : i32
    %broadcast_in_dim3A = arith.constant 0.000000e+00 : f32
    %broadcast_in_dim3A_1 = vector.broadcast %broadcast_in_dim3A : f32 to vector<16xf32>
    %scan3A = arith.constant 0 : i32
    %scan3A_2 = arith.constant 128 : i32
    %scan3A_3 = arith.addi %scan3A, %scan3A_2 : i32
    %scan3A_4 = arith.constant 1 : i32
    scf.for %scan3A_85 = %scan3A to %scan3A_3 step %scan3A_4  : i32 {
      %swap3A = arith.index_cast %scan3A_85 : i32 to index
      %swap3A_86 = arith.constant 0 : index
      %swap3A_87 = tpu.vector_load %arg8[%swap3A, %swap3A_86] {strides = array<i32>} : memref<128x64xf32, #tpu.memory_space<vmem>>, vector<1x16xf32>,
      %swap3A_88 = vector.shape_cast %swap3A_87 : vector<1x16xf32> to vector<16xf32>
      %swap3A_89 = vector.shape_cast %broadcast_in_dim3A_1 : vector<16xf32> to vector<1x16xf32>
      tpu.vector_store %arg8[%swap3A, %swap3A_86], %swap3A_89 {strides = array<i32>} : memref<128x64xf32, #tpu.memory_space<vmem>>, vector<1x16xf32>,
      %swap3A_90 = arith.index_cast %scan3A_85 : i32 to index
      %swap3A_91 = arith.constant 16 : index
      %swap3A_92 = tpu.vector_load %arg8[%swap3A_90, %swap3A_91] {strides = array<i32>} : memref<128x64xf32, #tpu.memory_space<vmem>>, vector<1x16xf32>,
      %swap3A_93 = vector.shape_cast %swap3A_92 : vector<1x16xf32> to vector<16xf32>
      %swap3A_94 = vector.shape_cast %broadcast_in_dim3A_1 : vector<16xf32> to vector<1x16xf32>
      tpu.vector_store %arg8[%swap3A_90, %swap3A_91], %swap3A_94 {strides = array<i32>} : memref<128x64xf32, #tpu.memory_space<vmem>>, vector<1x16xf32>,
      %swap3A_95 = arith.index_cast %scan3A_85 : i32 to index
      %swap3A_96 = arith.constant 32 : index
      %swap3A_97 = tpu.vector_load %arg8[%swap3A_95, %swap3A_96] {strides = array<i32>} : memref<128x64xf32, #tpu.memory_space<vmem>>, vector<1x16xf32>,
      %swap3A_98 = vector.shape_cast %swap3A_97 : vector<1x16xf32> to vector<16xf32>
      %swap3A_99 = vector.shape_cast %broadcast_in_dim3A_1 : vector<16xf32> to vector<1x16xf32>
      tpu.vector_store %arg8[%swap3A_95, %swap3A_96], %swap3A_99 {strides = array<i32>} : memref<128x64xf32, #tpu.memory_space<vmem>>, vector<1x16xf32>,
      %swap3A_100 = arith.index_cast %scan3A_85 : i32 to index
      %swap3A_101 = arith.constant 48 : index
      %swap3A_102 = tpu.vector_load %arg8[%swap3A_100, %swap3A_101] {strides = array<i32>} : memref<128x64xf32, #tpu.memory_space<vmem>>, vector<1x16xf32>,
      %swap3A_103 = vector.shape_cast %swap3A_102 : vector<1x16xf32> to vector<16xf32>
      %swap3A_104 = vector.shape_cast %broadcast_in_dim3A_1 : vector<16xf32> to vector<1x16xf32>
      tpu.vector_store %arg8[%swap3A_100, %swap3A_101], %swap3A_104 {strides = array<i32>} : memref<128x64xf32, #tpu.memory_space<vmem>>, vector<1x16xf32>,
    }
    %scan3A_5 = arith.constant 128 : i32
    %mul3A_6 = arith.constant 640 : i32
    %mul3A_7 = arith.muli %arg1, %mul3A_6 : i32
    %add3A_8 = arith.constant 0 : i32
    %add3A_9 = arith.addi %mul3A_7, %add3A_8 : i32
    "tpu.region"() ({
      %run_scoped3A = tpu.sem_alloc : memref<!tpu.dma_semaphore, #tpu.memory_space<semaphore_mem>>
      %dma_start3A_85 = arith.constant 0 : i32
      %dma_start3A_86 = tpu.memref_slice %arg10[%add3A_9, %dma_start3A_85] : memref<10240x64xf32, #tpu.memory_space<vmem_shared>> -> memref<128x64xf32, #tpu.memory_space<vmem_shared>>
      %dma_start3A_87 = arith.constant 0 : i32
      %dma_start3A_88 = tpu.memref_slice %arg10[%add3A_9, %dma_start3A_87] : memref<10240x64xf32, #tpu.memory_space<vmem_shared>> -> memref<128x64xf32, #tpu.memory_space<vmem_shared>>
      tpu.enqueue_dma source(%arg8 : memref<128x64xf32, #tpu.memory_space<vmem>>) target(%dma_start3A_88 : memref<128x64xf32, #tpu.memory_space<vmem_shared>>) target_semaphore(%run_scoped3A : memref<!tpu.dma_semaphore, #tpu.memory_space<semaphore_mem>>)
      %dma_wait3A_89 = arith.constant 0 : i32
      %dma_wait3A_90 = tpu.memref_slice %arg10[%add3A_9, %dma_wait3A_89] : memref<10240x64xf32, #tpu.memory_space<vmem_shared>> -> memref<128x64xf32, #tpu.memory_space<vmem_shared>>
      %dma_wait3A_91 = arith.constant 0 : i32
      %dma_wait3A_92 = tpu.memref_slice %arg10[%add3A_9, %dma_wait3A_91] : memref<10240x64xf32, #tpu.memory_space<vmem_shared>> -> memref<128x64xf32, #tpu.memory_space<vmem_shared>>
      tpu.wait_dma2 semaphore(%run_scoped3A : memref<!tpu.dma_semaphore, #tpu.memory_space<semaphore_mem>>) src(%arg8 : memref<128x64xf32, #tpu.memory_space<vmem>>) dst(%dma_wait3A_92 : memref<128x64xf32, #tpu.memory_space<vmem_shared>>)
      tpu.yield
    }) : () -> ()
    %add3A_10 = arith.constant 128 : i32
    %add3A_11 = arith.addi %mul3A_7, %add3A_10 : i32
    "tpu.region"() ({
      %run_scoped3A = tpu.sem_alloc : memref<!tpu.dma_semaphore, #tpu.memory_space<semaphore_mem>>
      %dma_start3A_85 = arith.constant 0 : i32
      %dma_start3A_86 = tpu.memref_slice %arg10[%add3A_11, %dma_start3A_85] : memref<10240x64xf32, #tpu.memory_space<vmem_shared>> -> memref<128x64xf32, #tpu.memory_space<vmem_shared>>
      %dma_start3A_87 = arith.constant 0 : i32
      %dma_start3A_88 = tpu.memref_slice %arg10[%add3A_11, %dma_start3A_87] : memref<10240x64xf32, #tpu.memory_space<vmem_shared>> -> memref<128x64xf32, #tpu.memory_space<vmem_shared>>
      tpu.enqueue_dma source(%arg8 : memref<128x64xf32, #tpu.memory_space<vmem>>) target(%dma_start3A_88 : memref<128x64xf32, #tpu.memory_space<vmem_shared>>) target_semaphore(%run_scoped3A : memref<!tpu.dma_semaphore, #tpu.memory_space<semaphore_mem>>)
      %dma_wait3A_89 = arith.constant 0 : i32
      %dma_wait3A_90 = tpu.memref_slice %arg10[%add3A_11, %dma_wait3A_89] : memref<10240x64xf32, #tpu.memory_space<vmem_shared>> -> memref<128x64xf32, #tpu.memory_space<vmem_shared>>
      %dma_wait3A_91 = arith.constant 0 : i32
      %dma_wait3A_92 = tpu.memref_slice %arg10[%add3A_11, %dma_wait3A_91] : memref<10240x64xf32, #tpu.memory_space<vmem_shared>> -> memref<128x64xf32, #tpu.memory_space<vmem_shared>>
      tpu.wait_dma2 semaphore(%run_scoped3A : memref<!tpu.dma_semaphore, #tpu.memory_space<semaphore_mem>>) src(%arg8 : memref<128x64xf32, #tpu.memory_space<vmem>>) dst(%dma_wait3A_92 : memref<128x64xf32, #tpu.memory_space<vmem_shared>>)
      tpu.yield
    }) : () -> ()
    %add3A_12 = arith.constant 256 : i32
    %add3A_13 = arith.addi %mul3A_7, %add3A_12 : i32
    "tpu.region"() ({
      %run_scoped3A = tpu.sem_alloc : memref<!tpu.dma_semaphore, #tpu.memory_space<semaphore_mem>>
      %dma_start3A_85 = arith.constant 0 : i32
      %dma_start3A_86 = tpu.memref_slice %arg10[%add3A_13, %dma_start3A_85] : memref<10240x64xf32, #tpu.memory_space<vmem_shared>> -> memref<128x64xf32, #tpu.memory_space<vmem_shared>>
      %dma_start3A_87 = arith.constant 0 : i32
      %dma_start3A_88 = tpu.memref_slice %arg10[%add3A_13, %dma_start3A_87] : memref<10240x64xf32, #tpu.memory_space<vmem_shared>> -> memref<128x64xf32, #tpu.memory_space<vmem_shared>>
      tpu.enqueue_dma source(%arg8 : memref<128x64xf32, #tpu.memory_space<vmem>>) target(%dma_start3A_88 : memref<128x64xf32, #tpu.memory_space<vmem_shared>>) target_semaphore(%run_scoped3A : memref<!tpu.dma_semaphore, #tpu.memory_space<semaphore_mem>>)
      %dma_wait3A_89 = arith.constant 0 : i32
      %dma_wait3A_90 = tpu.memref_slice %arg10[%add3A_13, %dma_wait3A_89] : memref<10240x64xf32, #tpu.memory_space<vmem_shared>> -> memref<128x64xf32, #tpu.memory_space<vmem_shared>>
      %dma_wait3A_91 = arith.constant 0 : i32
      %dma_wait3A_92 = tpu.memref_slice %arg10[%add3A_13, %dma_wait3A_91] : memref<10240x64xf32, #tpu.memory_space<vmem_shared>> -> memref<128x64xf32, #tpu.memory_space<vmem_shared>>
      tpu.wait_dma2 semaphore(%run_scoped3A : memref<!tpu.dma_semaphore, #tpu.memory_space<semaphore_mem>>) src(%arg8 : memref<128x64xf32, #tpu.memory_space<vmem>>) dst(%dma_wait3A_92 : memref<128x64xf32, #tpu.memory_space<vmem_shared>>)
      tpu.yield
    }) : () -> ()
    %add3A_14 = arith.constant 384 : i32
    %add3A_15 = arith.addi %mul3A_7, %add3A_14 : i32
    "tpu.region"() ({
      %run_scoped3A = tpu.sem_alloc : memref<!tpu.dma_semaphore, #tpu.memory_space<semaphore_mem>>
      %dma_start3A_85 = arith.constant 0 : i32
      %dma_start3A_86 = tpu.memref_slice %arg10[%add3A_15, %dma_start3A_85] : memref<10240x64xf32, #tpu.memory_space<vmem_shared>> -> memref<128x64xf32, #tpu.memory_space<vmem_shared>>
      %dma_start3A_87 = arith.constant 0 : i32
      %dma_start3A_88 = tpu.memref_slice %arg10[%add3A_15, %dma_start3A_87] : memref<10240x64xf32, #tpu.memory_space<vmem_shared>> -> memref<128x64xf32, #tpu.memory_space<vmem_shared>>
      tpu.enqueue_dma source(%arg8 : memref<128x64xf32, #tpu.memory_space<vmem>>) target(%dma_start3A_88 : memref<128x64xf32, #tpu.memory_space<vmem_shared>>) target_semaphore(%run_scoped3A : memref<!tpu.dma_semaphore, #tpu.memory_space<semaphore_mem>>)
      %dma_wait3A_89 = arith.constant 0 : i32
      %dma_wait3A_90 = tpu.memref_slice %arg10[%add3A_15, %dma_wait3A_89] : memref<10240x64xf32, #tpu.memory_space<vmem_shared>> -> memref<128x64xf32, #tpu.memory_space<vmem_shared>>
      %dma_wait3A_91 = arith.constant 0 : i32
      %dma_wait3A_92 = tpu.memref_slice %arg10[%add3A_15, %dma_wait3A_91] : memref<10240x64xf32, #tpu.memory_space<vmem_shared>> -> memref<128x64xf32, #tpu.memory_space<vmem_shared>>
      tpu.wait_dma2 semaphore(%run_scoped3A : memref<!tpu.dma_semaphore, #tpu.memory_space<semaphore_mem>>) src(%arg8 : memref<128x64xf32, #tpu.memory_space<vmem>>) dst(%dma_wait3A_92 : memref<128x64xf32, #tpu.memory_space<vmem_shared>>)
      tpu.yield
    }) : () -> ()
    %add3A_16 = arith.constant 512 : i32
    %add3A_17 = arith.addi %mul3A_7, %add3A_16 : i32
    "tpu.region"() ({
      %run_scoped3A = tpu.sem_alloc : memref<!tpu.dma_semaphore, #tpu.memory_space<semaphore_mem>>
      %dma_start3A_85 = arith.constant 0 : i32
      %dma_start3A_86 = tpu.memref_slice %arg10[%add3A_17, %dma_start3A_85] : memref<10240x64xf32, #tpu.memory_space<vmem_shared>> -> memref<128x64xf32, #tpu.memory_space<vmem_shared>>
      %dma_start3A_87 = arith.constant 0 : i32
      %dma_start3A_88 = tpu.memref_slice %arg10[%add3A_17, %dma_start3A_87] : memref<10240x64xf32, #tpu.memory_space<vmem_shared>> -> memref<128x64xf32, #tpu.memory_space<vmem_shared>>
      tpu.enqueue_dma source(%arg8 : memref<128x64xf32, #tpu.memory_space<vmem>>) target(%dma_start3A_88 : memref<128x64xf32, #tpu.memory_space<vmem_shared>>) target_semaphore(%run_scoped3A : memref<!tpu.dma_semaphore, #tpu.memory_space<semaphore_mem>>)
      %dma_wait3A_89 = arith.constant 0 : i32
      %dma_wait3A_90 = tpu.memref_slice %arg10[%add3A_17, %dma_wait3A_89] : memref<10240x64xf32, #tpu.memory_space<vmem_shared>> -> memref<128x64xf32, #tpu.memory_space<vmem_shared>>
      %dma_wait3A_91 = arith.constant 0 : i32
      %dma_wait3A_92 = tpu.memref_slice %arg10[%add3A_17, %dma_wait3A_91] : memref<10240x64xf32, #tpu.memory_space<vmem_shared>> -> memref<128x64xf32, #tpu.memory_space<vmem_shared>>
      tpu.wait_dma2 semaphore(%run_scoped3A : memref<!tpu.dma_semaphore, #tpu.memory_space<semaphore_mem>>) src(%arg8 : memref<128x64xf32, #tpu.memory_space<vmem>>) dst(%dma_wait3A_92 : memref<128x64xf32, #tpu.memory_space<vmem_shared>>)
      tpu.yield
    }) : () -> ()
    %barrier3A = arith.constant 0 : index
    tpu.barrier barrier_id(%barrier3A)
    "tpu.region"() ({
      %run_scoped3A = tpu.sem_alloc : memref<!tpu.dma_semaphore, #tpu.memory_space<semaphore_mem>>
      %dma_start3A_85 = arith.constant 0 : i32
      %dma_start3A_86 = arith.constant 0 : i32
      %dma_start3A_87 = tpu.memref_slice %arg3[%add3A, %dma_start3A_85, %dma_start3A_86] : memref<32x160x128xi32, #tpu.memory_space<hbm>> -> memref<1x160x128xi32, #tpu.memory_space<hbm>>
      %dma_start3A_88 = tpu.memref_squeeze %dma_start3A_87 : memref<1x160x128xi32, #tpu.memory_space<hbm>> -> memref<160x128xi32, #tpu.memory_space<hbm>>
      %dma_start3A_89 = arith.constant 0 : i32
      %dma_start3A_90 = arith.constant 0 : i32
      %dma_start3A_91 = tpu.memref_slice %arg3[%add3A, %dma_start3A_89, %dma_start3A_90] : memref<32x160x128xi32, #tpu.memory_space<hbm>> -> memref<1x160x128xi32, #tpu.memory_space<hbm>>
      %dma_start3A_92 = tpu.memref_squeeze %dma_start3A_91 : memref<1x160x128xi32, #tpu.memory_space<hbm>> -> memref<160x128xi32, #tpu.memory_space<hbm>>
      tpu.enqueue_dma source(%dma_start3A_92 : memref<160x128xi32, #tpu.memory_space<hbm>>) target(%arg6 : memref<160x128xi32, #tpu.memory_space<vmem>>) target_semaphore(%run_scoped3A : memref<!tpu.dma_semaphore, #tpu.memory_space<semaphore_mem>>)
      %dma_wait3A_93 = arith.constant 0 : i32
      %dma_wait3A_94 = arith.constant 0 : i32
      %dma_wait3A_95 = tpu.memref_slice %arg3[%add3A, %dma_wait3A_93, %dma_wait3A_94] : memref<32x160x128xi32, #tpu.memory_space<hbm>> -> memref<1x160x128xi32, #tpu.memory_space<hbm>>
      %dma_wait3A_96 = tpu.memref_squeeze %dma_wait3A_95 : memref<1x160x128xi32, #tpu.memory_space<hbm>> -> memref<160x128xi32, #tpu.memory_space<hbm>>
      %dma_wait3A_97 = arith.constant 0 : i32
      %dma_wait3A_98 = arith.constant 0 : i32
      %dma_wait3A_99 = tpu.memref_slice %arg3[%add3A, %dma_wait3A_97, %dma_wait3A_98] : memref<32x160x128xi32, #tpu.memory_space<hbm>> -> memref<1x160x128xi32, #tpu.memory_space<hbm>>
      %dma_wait3A_100 = tpu.memref_squeeze %dma_wait3A_99 : memref<1x160x128xi32, #tpu.memory_space<hbm>> -> memref<160x128xi32, #tpu.memory_space<hbm>>
      tpu.wait_dma2 semaphore(%run_scoped3A : memref<!tpu.dma_semaphore, #tpu.memory_space<semaphore_mem>>) src(%dma_wait3A_100 : memref<160x128xi32, #tpu.memory_space<hbm>>) dst(%arg6 : memref<160x128xi32, #tpu.memory_space<vmem>>)
      tpu.yield
    }) : () -> ()
    "tpu.region"() ({
      %run_scoped3A = tpu.sem_alloc : memref<!tpu.dma_semaphore, #tpu.memory_space<semaphore_mem>>
      %dma_start3A_85 = arith.constant 0 : i32
      %dma_start3A_86 = arith.constant 0 : i32
      %dma_start3A_87 = tpu.memref_slice %arg4[%add3A, %dma_start3A_85, %dma_start3A_86] : memref<32x160x128xi32, #tpu.memory_space<hbm>> -> memref<1x160x128xi32, #tpu.memory_space<hbm>>
      %dma_start3A_88 = tpu.memref_squeeze %dma_start3A_87 : memref<1x160x128xi32, #tpu.memory_space<hbm>> -> memref<160x128xi32, #tpu.memory_space<hbm>>
      %dma_start3A_89 = arith.constant 0 : i32
      %dma_start3A_90 = arith.constant 0 : i32
      %dma_start3A_91 = tpu.memref_slice %arg4[%add3A, %dma_start3A_89, %dma_start3A_90] : memref<32x160x128xi32, #tpu.memory_space<hbm>> -> memref<1x160x128xi32, #tpu.memory_space<hbm>>
      %dma_start3A_92 = tpu.memref_squeeze %dma_start3A_91 : memref<1x160x128xi32, #tpu.memory_space<hbm>> -> memref<160x128xi32, #tpu.memory_space<hbm>>
      tpu.enqueue_dma source(%dma_start3A_92 : memref<160x128xi32, #tpu.memory_space<hbm>>) target(%arg7 : memref<160x128xi32, #tpu.memory_space<vmem>>) target_semaphore(%run_scoped3A : memref<!tpu.dma_semaphore, #tpu.memory_space<semaphore_mem>>)
      %dma_wait3A_93 = arith.constant 0 : i32
      %dma_wait3A_94 = arith.constant 0 : i32
      %dma_wait3A_95 = tpu.memref_slice %arg4[%add3A, %dma_wait3A_93, %dma_wait3A_94] : memref<32x160x128xi32, #tpu.memory_space<hbm>> -> memref<1x160x128xi32, #tpu.memory_space<hbm>>
      %dma_wait3A_96 = tpu.memref_squeeze %dma_wait3A_95 : memref<1x160x128xi32, #tpu.memory_space<hbm>> -> memref<160x128xi32, #tpu.memory_space<hbm>>
      %dma_wait3A_97 = arith.constant 0 : i32
      %dma_wait3A_98 = arith.constant 0 : i32
      %dma_wait3A_99 = tpu.memref_slice %arg4[%add3A, %dma_wait3A_97, %dma_wait3A_98] : memref<32x160x128xi32, #tpu.memory_space<hbm>> -> memref<1x160x128xi32, #tpu.memory_space<hbm>>
      %dma_wait3A_100 = tpu.memref_squeeze %dma_wait3A_99 : memref<1x160x128xi32, #tpu.memory_space<hbm>> -> memref<160x128xi32, #tpu.memory_space<hbm>>
      tpu.wait_dma2 semaphore(%run_scoped3A : memref<!tpu.dma_semaphore, #tpu.memory_space<semaphore_mem>>) src(%dma_wait3A_100 : memref<160x128xi32, #tpu.memory_space<hbm>>) dst(%arg7 : memref<160x128xi32, #tpu.memory_space<vmem>>)
      tpu.yield
    }) : () -> ()
    %dma_start3A = arith.constant 0 : i32
    %dma_start3A_18 = arith.constant 0 : i32
    %dma_start3A_19 = tpu.memref_slice %arg6[%dma_start3A, %dma_start3A_18] : memref<160x128xi32, #tpu.memory_space<vmem>> -> memref<1x128xi32, #tpu.memory_space<vmem>>
    %dma_start3A_20 = tpu.memref_squeeze %dma_start3A_19 : memref<1x128xi32, #tpu.memory_space<vmem>> -> memref<128xi32, #tpu.memory_space<vmem>>
    %dma_start3A_21 = arith.constant 0 : i32
    %dma_start3A_22 = arith.constant 0 : i32
    %dma_start3A_23 = tpu.memref_slice %arg2[%dma_start3A_21, %dma_start3A_22] : memref<20480x64xf32, #tpu.memory_space<hbm>> -> memref<20480x64xf32, #tpu.memory_space<hbm>>
    tpu.enqueue_indirect_dma source(%dma_start3A_23 : memref<20480x64xf32, #tpu.memory_space<hbm>>) target(%arg8 : memref<128x64xf32, #tpu.memory_space<vmem>>) offsets(%dma_start3A_20 : memref<128xi32, #tpu.memory_space<vmem>>) semaphore(%arg11 : memref<!tpu.dma_semaphore, #tpu.memory_space<semaphore_mem>>)
    %dma_start3A_24 = arith.constant 1 : i32
    %dma_start3A_25 = arith.constant 0 : i32
    %dma_start3A_26 = tpu.memref_slice %arg6[%dma_start3A_24, %dma_start3A_25] : memref<160x128xi32, #tpu.memory_space<vmem>> -> memref<1x128xi32, #tpu.memory_space<vmem>>
    %dma_start3A_27 = tpu.memref_squeeze %dma_start3A_26 : memref<1x128xi32, #tpu.memory_space<vmem>> -> memref<128xi32, #tpu.memory_space<vmem>>
    %dma_start3A_28 = arith.constant 0 : i32
    %dma_start3A_29 = arith.constant 0 : i32
    %dma_start3A_30 = tpu.memref_slice %arg2[%dma_start3A_28, %dma_start3A_29] : memref<20480x64xf32, #tpu.memory_space<hbm>> -> memref<20480x64xf32, #tpu.memory_space<hbm>>
    tpu.enqueue_indirect_dma source(%dma_start3A_30 : memref<20480x64xf32, #tpu.memory_space<hbm>>) target(%arg9 : memref<128x64xf32, #tpu.memory_space<vmem>>) offsets(%dma_start3A_27 : memref<128xi32, #tpu.memory_space<vmem>>) semaphore(%arg12 : memref<!tpu.dma_semaphore, #tpu.memory_space<semaphore_mem>>)
    %scan3A_31 = arith.constant 0 : i32
    %scan3A_32 = arith.constant 79 : i32
    %scan3A_33 = arith.addi %scan3A_31, %scan3A_32 : i32
    %scan3A_34 = arith.constant 1 : i32
    scf.for %scan3A_85 = %scan3A_31 to %scan3A_33 step %scan3A_34  : i32 {
      %mul3A_86 = arith.constant 2 : i32
      %mul3A_87 = arith.muli %mul3A_86, %scan3A_85 : i32
      %mul3A_88 = arith.constant 2 : i32
      %mul3A_89 = arith.muli %mul3A_88, %scan3A_85 : i32
      %add3A_90 = arith.constant 1 : i32
      %add3A_91 = arith.addi %mul3A_89, %add3A_90 : i32
      %dma_wait3A_92 = arith.constant 0 : i32
      %dma_wait3A_93 = tpu.memref_slice %arg6[%mul3A_87, %dma_wait3A_92] : memref<160x128xi32, #tpu.memory_space<vmem>> -> memref<1x128xi32, #tpu.memory_space<vmem>>
      %dma_wait3A_94 = tpu.memref_squeeze %dma_wait3A_93 : memref<1x128xi32, #tpu.memory_space<vmem>> -> memref<128xi32, #tpu.memory_space<vmem>>
      %dma_wait3A_95 = arith.constant 0 : i32
      %dma_wait3A_96 = arith.constant 0 : i32
      %dma_wait3A_97 = tpu.memref_slice %arg2[%dma_wait3A_95, %dma_wait3A_96] : memref<20480x64xf32, #tpu.memory_space<hbm>> -> memref<20480x64xf32, #tpu.memory_space<hbm>>
      tpu.wait_indirect_dma semaphore(%arg11 : memref<!tpu.dma_semaphore, #tpu.memory_space<semaphore_mem>>) src(%dma_wait3A_97 : memref<20480x64xf32, #tpu.memory_space<hbm>>) dst(%arg8 : memref<128x64xf32, #tpu.memory_space<vmem>>)
      "tpu.region"() ({
        %run_scoped3A = tpu.sem_alloc : memref<!tpu.dma_semaphore, #tpu.memory_space<semaphore_mem>>
        %dma_start3A_120 = arith.constant 0 : i32
        %dma_start3A_121 = tpu.memref_slice %arg7[%mul3A_87, %dma_start3A_120] : memref<160x128xi32, #tpu.memory_space<vmem>> -> memref<1x128xi32, #tpu.memory_space<vmem>>
        %dma_start3A_122 = tpu.memref_squeeze %dma_start3A_121 : memref<1x128xi32, #tpu.memory_space<vmem>> -> memref<128xi32, #tpu.memory_space<vmem>>
        %dma_start3A_123 = arith.constant 0 : i32
        %dma_start3A_124 = arith.constant 0 : i32
        %dma_start3A_125 = tpu.memref_slice %arg10[%dma_start3A_123, %dma_start3A_124] : memref<10240x64xf32, #tpu.memory_space<vmem_shared>> -> memref<10240x64xf32, #tpu.memory_space<vmem_shared>>
        tpu.enqueue_indirect_dma source(%arg8 : memref<128x64xf32, #tpu.memory_space<vmem>>) target(%dma_start3A_125 : memref<10240x64xf32, #tpu.memory_space<vmem_shared>>) offsets(%dma_start3A_122 : memref<128xi32, #tpu.memory_space<vmem>>) semaphore(%run_scoped3A : memref<!tpu.dma_semaphore, #tpu.memory_space<semaphore_mem>>) {add = true}
        %dma_wait3A_126 = arith.constant 0 : i32
        %dma_wait3A_127 = tpu.memref_slice %arg7[%mul3A_87, %dma_wait3A_126] : memref<160x128xi32, #tpu.memory_space<vmem>> -> memref<1x128xi32, #tpu.memory_space<vmem>>
        %dma_wait3A_128 = tpu.memref_squeeze %dma_wait3A_127 : memref<1x128xi32, #tpu.memory_space<vmem>> -> memref<128xi32, #tpu.memory_space<vmem>>
        %dma_wait3A_129 = arith.constant 0 : i32
        %dma_wait3A_130 = arith.constant 0 : i32
        %dma_wait3A_131 = tpu.memref_slice %arg10[%dma_wait3A_129, %dma_wait3A_130] : memref<10240x64xf32, #tpu.memory_space<vmem_shared>> -> memref<10240x64xf32, #tpu.memory_space<vmem_shared>>
        tpu.wait_indirect_dma semaphore(%run_scoped3A : memref<!tpu.dma_semaphore, #tpu.memory_space<semaphore_mem>>) src(%arg8 : memref<128x64xf32, #tpu.memory_space<vmem>>) dst(%dma_wait3A_131 : memref<10240x64xf32, #tpu.memory_space<vmem_shared>>)
        tpu.yield
      }) : () -> ()
      %add3A_98 = arith.constant 2 : i32
      %add3A_99 = arith.addi %mul3A_87, %add3A_98 : i32
      %dma_start3A_100 = arith.constant 0 : i32
      %dma_start3A_101 = tpu.memref_slice %arg6[%add3A_99, %dma_start3A_100] : memref<160x128xi32, #tpu.memory_space<vmem>> -> memref<1x128xi32, #tpu.memory_space<vmem>>
      %dma_start3A_102 = tpu.memref_squeeze %dma_start3A_101 : memref<1x128xi32, #tpu.memory_space<vmem>> -> memref<128xi32, #tpu.memory_space<vmem>>
      %dma_start3A_103 = arith.constant 0 : i32
      %dma_start3A_104 = arith.constant 0 : i32
      %dma_start3A_105 = tpu.memref_slice %arg2[%dma_start3A_103, %dma_start3A_104] : memref<20480x64xf32, #tpu.memory_space<hbm>> -> memref<20480x64xf32, #tpu.memory_space<hbm>>
      tpu.enqueue_indirect_dma source(%dma_start3A_105 : memref<20480x64xf32, #tpu.memory_space<hbm>>) target(%arg8 : memref<128x64xf32, #tpu.memory_space<vmem>>) offsets(%dma_start3A_102 : memref<128xi32, #tpu.memory_space<vmem>>) semaphore(%arg11 : memref<!tpu.dma_semaphore, #tpu.memory_space<semaphore_mem>>)
      %dma_wait3A_106 = arith.constant 0 : i32
      %dma_wait3A_107 = tpu.memref_slice %arg6[%add3A_91, %dma_wait3A_106] : memref<160x128xi32, #tpu.memory_space<vmem>> -> memref<1x128xi32, #tpu.memory_space<vmem>>
      %dma_wait3A_108 = tpu.memref_squeeze %dma_wait3A_107 : memref<1x128xi32, #tpu.memory_space<vmem>> -> memref<128xi32, #tpu.memory_space<vmem>>
      %dma_wait3A_109 = arith.constant 0 : i32
      %dma_wait3A_110 = arith.constant 0 : i32
      %dma_wait3A_111 = tpu.memref_slice %arg2[%dma_wait3A_109, %dma_wait3A_110] : memref<20480x64xf32, #tpu.memory_space<hbm>> -> memref<20480x64xf32, #tpu.memory_space<hbm>>
      tpu.wait_indirect_dma semaphore(%arg12 : memref<!tpu.dma_semaphore, #tpu.memory_space<semaphore_mem>>) src(%dma_wait3A_111 : memref<20480x64xf32, #tpu.memory_space<hbm>>) dst(%arg9 : memref<128x64xf32, #tpu.memory_space<vmem>>)
      "tpu.region"() ({
        %run_scoped3A = tpu.sem_alloc : memref<!tpu.dma_semaphore, #tpu.memory_space<semaphore_mem>>
        %dma_start3A_120 = arith.constant 0 : i32
        %dma_start3A_121 = tpu.memref_slice %arg7[%add3A_91, %dma_start3A_120] : memref<160x128xi32, #tpu.memory_space<vmem>> -> memref<1x128xi32, #tpu.memory_space<vmem>>
        %dma_start3A_122 = tpu.memref_squeeze %dma_start3A_121 : memref<1x128xi32, #tpu.memory_space<vmem>> -> memref<128xi32, #tpu.memory_space<vmem>>
        %dma_start3A_123 = arith.constant 0 : i32
        %dma_start3A_124 = arith.constant 0 : i32
        %dma_start3A_125 = tpu.memref_slice %arg10[%dma_start3A_123, %dma_start3A_124] : memref<10240x64xf32, #tpu.memory_space<vmem_shared>> -> memref<10240x64xf32, #tpu.memory_space<vmem_shared>>
        tpu.enqueue_indirect_dma source(%arg9 : memref<128x64xf32, #tpu.memory_space<vmem>>) target(%dma_start3A_125 : memref<10240x64xf32, #tpu.memory_space<vmem_shared>>) offsets(%dma_start3A_122 : memref<128xi32, #tpu.memory_space<vmem>>) semaphore(%run_scoped3A : memref<!tpu.dma_semaphore, #tpu.memory_space<semaphore_mem>>) {add = true}
        %dma_wait3A_126 = arith.constant 0 : i32
        %dma_wait3A_127 = tpu.memref_slice %arg7[%add3A_91, %dma_wait3A_126] : memref<160x128xi32, #tpu.memory_space<vmem>> -> memref<1x128xi32, #tpu.memory_space<vmem>>
        %dma_wait3A_128 = tpu.memref_squeeze %dma_wait3A_127 : memref<1x128xi32, #tpu.memory_space<vmem>> -> memref<128xi32, #tpu.memory_space<vmem>>
        %dma_wait3A_129 = arith.constant 0 : i32
        %dma_wait3A_130 = arith.constant 0 : i32
        %dma_wait3A_131 = tpu.memref_slice %arg10[%dma_wait3A_129, %dma_wait3A_130] : memref<10240x64xf32, #tpu.memory_space<vmem_shared>> -> memref<10240x64xf32, #tpu.memory_space<vmem_shared>>
        tpu.wait_indirect_dma semaphore(%run_scoped3A : memref<!tpu.dma_semaphore, #tpu.memory_space<semaphore_mem>>) src(%arg9 : memref<128x64xf32, #tpu.memory_space<vmem>>) dst(%dma_wait3A_131 : memref<10240x64xf32, #tpu.memory_space<vmem_shared>>)
        tpu.yield
      }) : () -> ()
      %add3A_112 = arith.constant 2 : i32
      %add3A_113 = arith.addi %add3A_91, %add3A_112 : i32
      %dma_start3A_114 = arith.constant 0 : i32
      %dma_start3A_115 = tpu.memref_slice %arg6[%add3A_113, %dma_start3A_114] : memref<160x128xi32, #tpu.memory_space<vmem>> -> memref<1x128xi32, #tpu.memory_space<vmem>>
      %dma_start3A_116 = tpu.memref_squeeze %dma_start3A_115 : memref<1x128xi32, #tpu.memory_space<vmem>> -> memref<128xi32, #tpu.memory_space<vmem>>
      %dma_start3A_117 = arith.constant 0 : i32
      %dma_start3A_118 = arith.constant 0 : i32
      %dma_start3A_119 = tpu.memref_slice %arg2[%dma_start3A_117, %dma_start3A_118] : memref<20480x64xf32, #tpu.memory_space<hbm>> -> memref<20480x64xf32, #tpu.memory_space<hbm>>
      tpu.enqueue_indirect_dma source(%dma_start3A_119 : memref<20480x64xf32, #tpu.memory_space<hbm>>) target(%arg9 : memref<128x64xf32, #tpu.memory_space<vmem>>) offsets(%dma_start3A_116 : memref<128xi32, #tpu.memory_space<vmem>>) semaphore(%arg12 : memref<!tpu.dma_semaphore, #tpu.memory_space<semaphore_mem>>)
    }
    %scan3A_35 = arith.constant 79 : i32
    %dma_wait3A = arith.constant 158 : i32
    %dma_wait3A_36 = arith.constant 0 : i32
    %dma_wait3A_37 = tpu.memref_slice %arg6[%dma_wait3A, %dma_wait3A_36] : memref<160x128xi32, #tpu.memory_space<vmem>> -> memref<1x128xi32, #tpu.memory_space<vmem>>
    %dma_wait3A_38 = tpu.memref_squeeze %dma_wait3A_37 : memref<1x128xi32, #tpu.memory_space<vmem>> -> memref<128xi32, #tpu.memory_space<vmem>>
    %dma_wait3A_39 = arith.constant 0 : i32
    %dma_wait3A_40 = arith.constant 0 : i32
    %dma_wait3A_41 = tpu.memref_slice %arg2[%dma_wait3A_39, %dma_wait3A_40] : memref<20480x64xf32, #tpu.memory_space<hbm>> -> memref<20480x64xf32, #tpu.memory_space<hbm>>
    tpu.wait_indirect_dma semaphore(%arg11 : memref<!tpu.dma_semaphore, #tpu.memory_space<semaphore_mem>>) src(%dma_wait3A_41 : memref<20480x64xf32, #tpu.memory_space<hbm>>) dst(%arg8 : memref<128x64xf32, #tpu.memory_space<vmem>>)
    %dma_wait3A_42 = arith.constant 159 : i32
    %dma_wait3A_43 = arith.constant 0 : i32
    %dma_wait3A_44 = tpu.memref_slice %arg6[%dma_wait3A_42, %dma_wait3A_43] : memref<160x128xi32, #tpu.memory_space<vmem>> -> memref<1x128xi32, #tpu.memory_space<vmem>>
    %dma_wait3A_45 = tpu.memref_squeeze %dma_wait3A_44 : memref<1x128xi32, #tpu.memory_space<vmem>> -> memref<128xi32, #tpu.memory_space<vmem>>
    %dma_wait3A_46 = arith.constant 0 : i32
    %dma_wait3A_47 = arith.constant 0 : i32
    %dma_wait3A_48 = tpu.memref_slice %arg2[%dma_wait3A_46, %dma_wait3A_47] : memref<20480x64xf32, #tpu.memory_space<hbm>> -> memref<20480x64xf32, #tpu.memory_space<hbm>>
    tpu.wait_indirect_dma semaphore(%arg12 : memref<!tpu.dma_semaphore, #tpu.memory_space<semaphore_mem>>) src(%dma_wait3A_48 : memref<20480x64xf32, #tpu.memory_space<hbm>>) dst(%arg9 : memref<128x64xf32, #tpu.memory_space<vmem>>)
    %barrier3A_49 = arith.constant 0 : index
    tpu.barrier barrier_id(%barrier3A_49)
    %add3A_50 = arith.constant 0 : i32
    %add3A_51 = arith.addi %mul3A_7, %add3A_50 : i32
    "tpu.region"() ({
      %run_scoped3A = tpu.sem_alloc : memref<!tpu.dma_semaphore, #tpu.memory_space<semaphore_mem>>
      %dma_start3A_85 = arith.constant 0 : i32
      %dma_start3A_86 = tpu.memref_slice %arg10[%add3A_51, %dma_start3A_85] : memref<10240x64xf32, #tpu.memory_space<vmem_shared>> -> memref<128x64xf32, #tpu.memory_space<vmem_shared>>
      %dma_start3A_87 = arith.constant 0 : i32
      %dma_start3A_88 = tpu.memref_slice %arg10[%add3A_51, %dma_start3A_87] : memref<10240x64xf32, #tpu.memory_space<vmem_shared>> -> memref<128x64xf32, #tpu.memory_space<vmem_shared>>
      tpu.enqueue_dma source(%dma_start3A_88 : memref<128x64xf32, #tpu.memory_space<vmem_shared>>) target(%arg8 : memref<128x64xf32, #tpu.memory_space<vmem>>) target_semaphore(%run_scoped3A : memref<!tpu.dma_semaphore, #tpu.memory_space<semaphore_mem>>)
      %dma_wait3A_89 = arith.constant 0 : i32
      %dma_wait3A_90 = tpu.memref_slice %arg10[%add3A_51, %dma_wait3A_89] : memref<10240x64xf32, #tpu.memory_space<vmem_shared>> -> memref<128x64xf32, #tpu.memory_space<vmem_shared>>
      %dma_wait3A_91 = arith.constant 0 : i32
      %dma_wait3A_92 = tpu.memref_slice %arg10[%add3A_51, %dma_wait3A_91] : memref<10240x64xf32, #tpu.memory_space<vmem_shared>> -> memref<128x64xf32, #tpu.memory_space<vmem_shared>>
      tpu.wait_dma2 semaphore(%run_scoped3A : memref<!tpu.dma_semaphore, #tpu.memory_space<semaphore_mem>>) src(%dma_wait3A_92 : memref<128x64xf32, #tpu.memory_space<vmem_shared>>) dst(%arg8 : memref<128x64xf32, #tpu.memory_space<vmem>>)
      tpu.yield
    }) : () -> ()
    %mul3A_52 = arith.constant 10240 : i32
    %mul3A_53 = arith.muli %arg0, %mul3A_52 : i32
    %add3A_54 = arith.addi %mul3A_53, %mul3A_7 : i32
    %add3A_55 = arith.constant 0 : i32
    %add3A_56 = arith.addi %add3A_54, %add3A_55 : i32
    "tpu.region"() ({
      %run_scoped3A = tpu.sem_alloc : memref<!tpu.dma_semaphore, #tpu.memory_space<semaphore_mem>>
      %dma_start3A_85 = arith.constant 0 : i32
      %dma_start3A_86 = tpu.memref_slice %arg5[%add3A_56, %dma_start3A_85] : memref<20480x64xf32, #tpu.memory_space<hbm>> -> memref<128x64xf32, #tpu.memory_space<hbm>>
      %dma_start3A_87 = arith.constant 0 : i32
      %dma_start3A_88 = tpu.memref_slice %arg5[%add3A_56, %dma_start3A_87] : memref<20480x64xf32, #tpu.memory_space<hbm>> -> memref<128x64xf32, #tpu.memory_space<hbm>>
      tpu.enqueue_dma source(%arg8 : memref<128x64xf32, #tpu.memory_space<vmem>>) target(%dma_start3A_88 : memref<128x64xf32, #tpu.memory_space<hbm>>) target_semaphore(%run_scoped3A : memref<!tpu.dma_semaphore, #tpu.memory_space<semaphore_mem>>)
      %dma_wait3A_89 = arith.constant 0 : i32
      %dma_wait3A_90 = tpu.memref_slice %arg5[%add3A_56, %dma_wait3A_89] : memref<20480x64xf32, #tpu.memory_space<hbm>> -> memref<128x64xf32, #tpu.memory_space<hbm>>
      %dma_wait3A_91 = arith.constant 0 : i32
      %dma_wait3A_92 = tpu.memref_slice %arg5[%add3A_56, %dma_wait3A_91] : memref<20480x64xf32, #tpu.memory_space<hbm>> -> memref<128x64xf32, #tpu.memory_space<hbm>>
      tpu.wait_dma2 semaphore(%run_scoped3A : memref<!tpu.dma_semaphore, #tpu.memory_space<semaphore_mem>>) src(%arg8 : memref<128x64xf32, #tpu.memory_space<vmem>>) dst(%dma_wait3A_92 : memref<128x64xf32, #tpu.memory_space<hbm>>)
      tpu.yield
    }) : () -> ()
    %add3A_57 = arith.constant 128 : i32
    %add3A_58 = arith.addi %mul3A_7, %add3A_57 : i32
    "tpu.region"() ({
      %run_scoped3A = tpu.sem_alloc : memref<!tpu.dma_semaphore, #tpu.memory_space<semaphore_mem>>
      %dma_start3A_85 = arith.constant 0 : i32
      %dma_start3A_86 = tpu.memref_slice %arg10[%add3A_58, %dma_start3A_85] : memref<10240x64xf32, #tpu.memory_space<vmem_shared>> -> memref<128x64xf32, #tpu.memory_space<vmem_shared>>
      %dma_start3A_87 = arith.constant 0 : i32
      %dma_start3A_88 = tpu.memref_slice %arg10[%add3A_58, %dma_start3A_87] : memref<10240x64xf32, #tpu.memory_space<vmem_shared>> -> memref<128x64xf32, #tpu.memory_space<vmem_shared>>
      tpu.enqueue_dma source(%dma_start3A_88 : memref<128x64xf32, #tpu.memory_space<vmem_shared>>) target(%arg8 : memref<128x64xf32, #tpu.memory_space<vmem>>) target_semaphore(%run_scoped3A : memref<!tpu.dma_semaphore, #tpu.memory_space<semaphore_mem>>)
      %dma_wait3A_89 = arith.constant 0 : i32
      %dma_wait3A_90 = tpu.memref_slice %arg10[%add3A_58, %dma_wait3A_89] : memref<10240x64xf32, #tpu.memory_space<vmem_shared>> -> memref<128x64xf32, #tpu.memory_space<vmem_shared>>
      %dma_wait3A_91 = arith.constant 0 : i32
      %dma_wait3A_92 = tpu.memref_slice %arg10[%add3A_58, %dma_wait3A_91] : memref<10240x64xf32, #tpu.memory_space<vmem_shared>> -> memref<128x64xf32, #tpu.memory_space<vmem_shared>>
      tpu.wait_dma2 semaphore(%run_scoped3A : memref<!tpu.dma_semaphore, #tpu.memory_space<semaphore_mem>>) src(%dma_wait3A_92 : memref<128x64xf32, #tpu.memory_space<vmem_shared>>) dst(%arg8 : memref<128x64xf32, #tpu.memory_space<vmem>>)
      tpu.yield
    }) : () -> ()
    %mul3A_59 = arith.constant 10240 : i32
    %mul3A_60 = arith.muli %arg0, %mul3A_59 : i32
    %add3A_61 = arith.addi %mul3A_60, %mul3A_7 : i32
    %add3A_62 = arith.constant 128 : i32
    %add3A_63 = arith.addi %add3A_61, %add3A_62 : i32
    "tpu.region"() ({
      %run_scoped3A = tpu.sem_alloc : memref<!tpu.dma_semaphore, #tpu.memory_space<semaphore_mem>>
      %dma_start3A_85 = arith.constant 0 : i32
      %dma_start3A_86 = tpu.memref_slice %arg5[%add3A_63, %dma_start3A_85] : memref<20480x64xf32, #tpu.memory_space<hbm>> -> memref<128x64xf32, #tpu.memory_space<hbm>>
      %dma_start3A_87 = arith.constant 0 : i32
      %dma_start3A_88 = tpu.memref_slice %arg5[%add3A_63, %dma_start3A_87] : memref<20480x64xf32, #tpu.memory_space<hbm>> -> memref<128x64xf32, #tpu.memory_space<hbm>>
      tpu.enqueue_dma source(%arg8 : memref<128x64xf32, #tpu.memory_space<vmem>>) target(%dma_start3A_88 : memref<128x64xf32, #tpu.memory_space<hbm>>) target_semaphore(%run_scoped3A : memref<!tpu.dma_semaphore, #tpu.memory_space<semaphore_mem>>)
      %dma_wait3A_89 = arith.constant 0 : i32
      %dma_wait3A_90 = tpu.memref_slice %arg5[%add3A_63, %dma_wait3A_89] : memref<20480x64xf32, #tpu.memory_space<hbm>> -> memref<128x64xf32, #tpu.memory_space<hbm>>
      %dma_wait3A_91 = arith.constant 0 : i32
      %dma_wait3A_92 = tpu.memref_slice %arg5[%add3A_63, %dma_wait3A_91] : memref<20480x64xf32, #tpu.memory_space<hbm>> -> memref<128x64xf32, #tpu.memory_space<hbm>>
      tpu.wait_dma2 semaphore(%run_scoped3A : memref<!tpu.dma_semaphore, #tpu.memory_space<semaphore_mem>>) src(%arg8 : memref<128x64xf32, #tpu.memory_space<vmem>>) dst(%dma_wait3A_92 : memref<128x64xf32, #tpu.memory_space<hbm>>)
      tpu.yield
    }) : () -> ()
    %add3A_64 = arith.constant 256 : i32
    %add3A_65 = arith.addi %mul3A_7, %add3A_64 : i32
    "tpu.region"() ({
      %run_scoped3A = tpu.sem_alloc : memref<!tpu.dma_semaphore, #tpu.memory_space<semaphore_mem>>
      %dma_start3A_85 = arith.constant 0 : i32
      %dma_start3A_86 = tpu.memref_slice %arg10[%add3A_65, %dma_start3A_85] : memref<10240x64xf32, #tpu.memory_space<vmem_shared>> -> memref<128x64xf32, #tpu.memory_space<vmem_shared>>
      %dma_start3A_87 = arith.constant 0 : i32
      %dma_start3A_88 = tpu.memref_slice %arg10[%add3A_65, %dma_start3A_87] : memref<10240x64xf32, #tpu.memory_space<vmem_shared>> -> memref<128x64xf32, #tpu.memory_space<vmem_shared>>
      tpu.enqueue_dma source(%dma_start3A_88 : memref<128x64xf32, #tpu.memory_space<vmem_shared>>) target(%arg8 : memref<128x64xf32, #tpu.memory_space<vmem>>) target_semaphore(%run_scoped3A : memref<!tpu.dma_semaphore, #tpu.memory_space<semaphore_mem>>)
      %dma_wait3A_89 = arith.constant 0 : i32
      %dma_wait3A_90 = tpu.memref_slice %arg10[%add3A_65, %dma_wait3A_89] : memref<10240x64xf32, #tpu.memory_space<vmem_shared>> -> memref<128x64xf32, #tpu.memory_space<vmem_shared>>
      %dma_wait3A_91 = arith.constant 0 : i32
      %dma_wait3A_92 = tpu.memref_slice %arg10[%add3A_65, %dma_wait3A_91] : memref<10240x64xf32, #tpu.memory_space<vmem_shared>> -> memref<128x64xf32, #tpu.memory_space<vmem_shared>>
      tpu.wait_dma2 semaphore(%run_scoped3A : memref<!tpu.dma_semaphore, #tpu.memory_space<semaphore_mem>>) src(%dma_wait3A_92 : memref<128x64xf32, #tpu.memory_space<vmem_shared>>) dst(%arg8 : memref<128x64xf32, #tpu.memory_space<vmem>>)
      tpu.yield
    }) : () -> ()
    %mul3A_66 = arith.constant 10240 : i32
    %mul3A_67 = arith.muli %arg0, %mul3A_66 : i32
    %add3A_68 = arith.addi %mul3A_67, %mul3A_7 : i32
    %add3A_69 = arith.constant 256 : i32
    %add3A_70 = arith.addi %add3A_68, %add3A_69 : i32
    "tpu.region"() ({
      %run_scoped3A = tpu.sem_alloc : memref<!tpu.dma_semaphore, #tpu.memory_space<semaphore_mem>>
      %dma_start3A_85 = arith.constant 0 : i32
      %dma_start3A_86 = tpu.memref_slice %arg5[%add3A_70, %dma_start3A_85] : memref<20480x64xf32, #tpu.memory_space<hbm>> -> memref<128x64xf32, #tpu.memory_space<hbm>>
      %dma_start3A_87 = arith.constant 0 : i32
      %dma_start3A_88 = tpu.memref_slice %arg5[%add3A_70, %dma_start3A_87] : memref<20480x64xf32, #tpu.memory_space<hbm>> -> memref<128x64xf32, #tpu.memory_space<hbm>>
      tpu.enqueue_dma source(%arg8 : memref<128x64xf32, #tpu.memory_space<vmem>>) target(%dma_start3A_88 : memref<128x64xf32, #tpu.memory_space<hbm>>) target_semaphore(%run_scoped3A : memref<!tpu.dma_semaphore, #tpu.memory_space<semaphore_mem>>)
      %dma_wait3A_89 = arith.constant 0 : i32
      %dma_wait3A_90 = tpu.memref_slice %arg5[%add3A_70, %dma_wait3A_89] : memref<20480x64xf32, #tpu.memory_space<hbm>> -> memref<128x64xf32, #tpu.memory_space<hbm>>
      %dma_wait3A_91 = arith.constant 0 : i32
      %dma_wait3A_92 = tpu.memref_slice %arg5[%add3A_70, %dma_wait3A_91] : memref<20480x64xf32, #tpu.memory_space<hbm>> -> memref<128x64xf32, #tpu.memory_space<hbm>>
      tpu.wait_dma2 semaphore(%run_scoped3A : memref<!tpu.dma_semaphore, #tpu.memory_space<semaphore_mem>>) src(%arg8 : memref<128x64xf32, #tpu.memory_space<vmem>>) dst(%dma_wait3A_92 : memref<128x64xf32, #tpu.memory_space<hbm>>)
      tpu.yield
    }) : () -> ()
    %add3A_71 = arith.constant 384 : i32
    %add3A_72 = arith.addi %mul3A_7, %add3A_71 : i32
    "tpu.region"() ({
      %run_scoped3A = tpu.sem_alloc : memref<!tpu.dma_semaphore, #tpu.memory_space<semaphore_mem>>
      %dma_start3A_85 = arith.constant 0 : i32
      %dma_start3A_86 = tpu.memref_slice %arg10[%add3A_72, %dma_start3A_85] : memref<10240x64xf32, #tpu.memory_space<vmem_shared>> -> memref<128x64xf32, #tpu.memory_space<vmem_shared>>
      %dma_start3A_87 = arith.constant 0 : i32
      %dma_start3A_88 = tpu.memref_slice %arg10[%add3A_72, %dma_start3A_87] : memref<10240x64xf32, #tpu.memory_space<vmem_shared>> -> memref<128x64xf32, #tpu.memory_space<vmem_shared>>
      tpu.enqueue_dma source(%dma_start3A_88 : memref<128x64xf32, #tpu.memory_space<vmem_shared>>) target(%arg8 : memref<128x64xf32, #tpu.memory_space<vmem>>) target_semaphore(%run_scoped3A : memref<!tpu.dma_semaphore, #tpu.memory_space<semaphore_mem>>)
      %dma_wait3A_89 = arith.constant 0 : i32
      %dma_wait3A_90 = tpu.memref_slice %arg10[%add3A_72, %dma_wait3A_89] : memref<10240x64xf32, #tpu.memory_space<vmem_shared>> -> memref<128x64xf32, #tpu.memory_space<vmem_shared>>
      %dma_wait3A_91 = arith.constant 0 : i32
      %dma_wait3A_92 = tpu.memref_slice %arg10[%add3A_72, %dma_wait3A_91] : memref<10240x64xf32, #tpu.memory_space<vmem_shared>> -> memref<128x64xf32, #tpu.memory_space<vmem_shared>>
      tpu.wait_dma2 semaphore(%run_scoped3A : memref<!tpu.dma_semaphore, #tpu.memory_space<semaphore_mem>>) src(%dma_wait3A_92 : memref<128x64xf32, #tpu.memory_space<vmem_shared>>) dst(%arg8 : memref<128x64xf32, #tpu.memory_space<vmem>>)
      tpu.yield
    }) : () -> ()
    %mul3A_73 = arith.constant 10240 : i32
    %mul3A_74 = arith.muli %arg0, %mul3A_73 : i32
    %add3A_75 = arith.addi %mul3A_74, %mul3A_7 : i32
    %add3A_76 = arith.constant 384 : i32
    %add3A_77 = arith.addi %add3A_75, %add3A_76 : i32
    "tpu.region"() ({
      %run_scoped3A = tpu.sem_alloc : memref<!tpu.dma_semaphore, #tpu.memory_space<semaphore_mem>>
      %dma_start3A_85 = arith.constant 0 : i32
      %dma_start3A_86 = tpu.memref_slice %arg5[%add3A_77, %dma_start3A_85] : memref<20480x64xf32, #tpu.memory_space<hbm>> -> memref<128x64xf32, #tpu.memory_space<hbm>>
      %dma_start3A_87 = arith.constant 0 : i32
      %dma_start3A_88 = tpu.memref_slice %arg5[%add3A_77, %dma_start3A_87] : memref<20480x64xf32, #tpu.memory_space<hbm>> -> memref<128x64xf32, #tpu.memory_space<hbm>>
      tpu.enqueue_dma source(%arg8 : memref<128x64xf32, #tpu.memory_space<vmem>>) target(%dma_start3A_88 : memref<128x64xf32, #tpu.memory_space<hbm>>) target_semaphore(%run_scoped3A : memref<!tpu.dma_semaphore, #tpu.memory_space<semaphore_mem>>)
      %dma_wait3A_89 = arith.constant 0 : i32
      %dma_wait3A_90 = tpu.memref_slice %arg5[%add3A_77, %dma_wait3A_89] : memref<20480x64xf32, #tpu.memory_space<hbm>> -> memref<128x64xf32, #tpu.memory_space<hbm>>
      %dma_wait3A_91 = arith.constant 0 : i32
      %dma_wait3A_92 = tpu.memref_slice %arg5[%add3A_77, %dma_wait3A_91] : memref<20480x64xf32, #tpu.memory_space<hbm>> -> memref<128x64xf32, #tpu.memory_space<hbm>>
      tpu.wait_dma2 semaphore(%run_scoped3A : memref<!tpu.dma_semaphore, #tpu.memory_space<semaphore_mem>>) src(%arg8 : memref<128x64xf32, #tpu.memory_space<vmem>>) dst(%dma_wait3A_92 : memref<128x64xf32, #tpu.memory_space<hbm>>)
      tpu.yield
    }) : () -> ()
    %add3A_78 = arith.constant 512 : i32
    %add3A_79 = arith.addi %mul3A_7, %add3A_78 : i32
    "tpu.region"() ({
      %run_scoped3A = tpu.sem_alloc : memref<!tpu.dma_semaphore, #tpu.memory_space<semaphore_mem>>
      %dma_start3A_85 = arith.constant 0 : i32
      %dma_start3A_86 = tpu.memref_slice %arg10[%add3A_79, %dma_start3A_85] : memref<10240x64xf32, #tpu.memory_space<vmem_shared>> -> memref<128x64xf32, #tpu.memory_space<vmem_shared>>
      %dma_start3A_87 = arith.constant 0 : i32
      %dma_start3A_88 = tpu.memref_slice %arg10[%add3A_79, %dma_start3A_87] : memref<10240x64xf32, #tpu.memory_space<vmem_shared>> -> memref<128x64xf32, #tpu.memory_space<vmem_shared>>
      tpu.enqueue_dma source(%dma_start3A_88 : memref<128x64xf32, #tpu.memory_space<vmem_shared>>) target(%arg8 : memref<128x64xf32, #tpu.memory_space<vmem>>) target_semaphore(%run_scoped3A : memref<!tpu.dma_semaphore, #tpu.memory_space<semaphore_mem>>)
      %dma_wait3A_89 = arith.constant 0 : i32
      %dma_wait3A_90 = tpu.memref_slice %arg10[%add3A_79, %dma_wait3A_89] : memref<10240x64xf32, #tpu.memory_space<vmem_shared>> -> memref<128x64xf32, #tpu.memory_space<vmem_shared>>
      %dma_wait3A_91 = arith.constant 0 : i32
      %dma_wait3A_92 = tpu.memref_slice %arg10[%add3A_79, %dma_wait3A_91] : memref<10240x64xf32, #tpu.memory_space<vmem_shared>> -> memref<128x64xf32, #tpu.memory_space<vmem_shared>>
      tpu.wait_dma2 semaphore(%run_scoped3A : memref<!tpu.dma_semaphore, #tpu.memory_space<semaphore_mem>>) src(%dma_wait3A_92 : memref<128x64xf32, #tpu.memory_space<vmem_shared>>) dst(%arg8 : memref<128x64xf32, #tpu.memory_space<vmem>>)
      tpu.yield
    }) : () -> ()
    %mul3A_80 = arith.constant 10240 : i32
    %mul3A_81 = arith.muli %arg0, %mul3A_80 : i32
    %add3A_82 = arith.addi %mul3A_81, %mul3A_7 : i32
    %add3A_83 = arith.constant 512 : i32
    %add3A_84 = arith.addi %add3A_82, %add3A_83 : i32
    "tpu.region"() ({
      %run_scoped3A = tpu.sem_alloc : memref<!tpu.dma_semaphore, #tpu.memory_space<semaphore_mem>>
      %dma_start3A_85 = arith.constant 0 : i32
      %dma_start3A_86 = tpu.memref_slice %arg5[%add3A_84, %dma_start3A_85] : memref<20480x64xf32, #tpu.memory_space<hbm>> -> memref<128x64xf32, #tpu.memory_space<hbm>>
      %dma_start3A_87 = arith.constant 0 : i32
      %dma_start3A_88 = tpu.memref_slice %arg5[%add3A_84, %dma_start3A_87] : memref<20480x64xf32, #tpu.memory_space<hbm>> -> memref<128x64xf32, #tpu.memory_space<hbm>>
      tpu.enqueue_dma source(%arg8 : memref<128x64xf32, #tpu.memory_space<vmem>>) target(%dma_start3A_88 : memref<128x64xf32, #tpu.memory_space<hbm>>) target_semaphore(%run_scoped3A : memref<!tpu.dma_semaphore, #tpu.memory_space<semaphore_mem>>)
      %dma_wait3A_89 = arith.constant 0 : i32
      %dma_wait3A_90 = tpu.memref_slice %arg5[%add3A_84, %dma_wait3A_89] : memref<20480x64xf32, #tpu.memory_space<hbm>> -> memref<128x64xf32, #tpu.memory_space<hbm>>
      %dma_wait3A_91 = arith.constant 0 : i32
      %dma_wait3A_92 = tpu.memref_slice %arg5[%add3A_84, %dma_wait3A_91] : memref<20480x64xf32, #tpu.memory_space<hbm>> -> memref<128x64xf32, #tpu.memory_space<hbm>>
      tpu.wait_dma2 semaphore(%run_scoped3A : memref<!tpu.dma_semaphore, #tpu.memory_space<semaphore_mem>>) src(%arg8 : memref<128x64xf32, #tpu.memory_space<vmem>>) dst(%dma_wait3A_92 : memref<128x64xf32, #tpu.memory_space<hbm>>)
      tpu.yield
    }) : () -> ()
    return
  }
}

module attributes {stable_mosaic.version = 14 : i64} {
  func.func @body(%arg0: i32, %arg1: memref<1024x16xf32, #tpu.memory_space<vmem>>, %arg2: memref<1024x16xf32, #tpu.memory_space<vmem>>, %arg3: memref<1024x128xf32, #tpu.memory_space<vmem>>, %arg4: memref<1024x128xf32, #tpu.memory_space<vmem>>, %arg5: memref<1024x64xf32, #tpu.memory_space<vmem>>, %arg6: memref<1024x64xf32, #tpu.memory_space<vmem>>) attributes {dimension_semantics = [#tpu.dimension_semantics<arbitrary>], iteration_bounds = array<i64: 10>, scalar_prefetch = 0 : i64, scratch_operands = 0 : i64, tpu.core_type = #tpu.core_type<tc>, window_params = [{transform_indices = @transform_0, window_bounds = array<i64: 1024, 16>}, {transform_indices = @transform_1, window_bounds = array<i64: 1024, 16>}, {transform_indices = @transform_2, window_bounds = array<i64: 1024, 128>}, {transform_indices = @transform_3, window_bounds = array<i64: 1024, 128>}, {transform_indices = @transform_4, window_bounds = array<i64: 1024, 64>}, {transform_indices = @transform_5, window_bounds = array<i64: 1024, 64>}]} {
    %get3A = arith.constant 0 : index
    %get3A_0 = arith.constant 0 : index
    %get3A_1 = vector.load %arg1[%get3A, %get3A_0] : memref<1024x16xf32, #tpu.memory_space<vmem>>, vector<1024x16xf32>
    %get3A_2 = arith.constant 0 : index
    %get3A_3 = arith.constant 0 : index
    %get3A_4 = vector.load %arg2[%get3A_2, %get3A_3] : memref<1024x16xf32, #tpu.memory_space<vmem>>, vector<1024x16xf32>
    %add3A = arith.addf %get3A_1, %get3A_4 : vector<1024x16xf32>
    %slice3A = vector.extract_strided_slice %add3A {offsets = [0, 0], sizes = [1024, 1], strides = [1, 1]} : vector<1024x16xf32> to vector<1024x1xf32>
    %add3A_5 = arith.constant 1.000000e+00 : f32
    %add3A_6 = vector.broadcast %add3A_5 : f32 to vector<1024x1xf32>
    %add3A_7 = arith.addf %add3A_6, %slice3A : vector<1024x1xf32>
    %rsqrt3A = math.rsqrt %add3A_7 : vector<1024x1xf32>
    %broadcast_in_dim3A = vector.shape_cast %rsqrt3A : vector<1024x1xf32> to vector<1024x1xf32>
    %broadcast_in_dim3A_8 = vector.broadcast %broadcast_in_dim3A : vector<1024x1xf32> to vector<1024x128xf32>
    %swap3A = arith.constant 0 : index
    %swap3A_9 = arith.constant 0 : index
    %swap3A_10 = vector.load %arg4[%swap3A, %swap3A_9] : memref<1024x128xf32, #tpu.memory_space<vmem>>, vector<1024x128xf32>
    tpu.vector_store %arg4[%swap3A, %swap3A_9], %broadcast_in_dim3A_8 {strides = array<i32>} : memref<1024x128xf32, #tpu.memory_space<vmem>>, vector<1024x128xf32>,
    %get3A_11 = arith.constant 0 : index
    %get3A_12 = arith.constant 0 : index
    %get3A_13 = vector.load %arg3[%get3A_11, %get3A_12] : memref<1024x128xf32, #tpu.memory_space<vmem>>, vector<1024x128xf32>
    %mul3A = arith.mulf %broadcast_in_dim3A_8, %get3A_13 : vector<1024x128xf32>
    %slice3A_14 = vector.extract_strided_slice %mul3A {offsets = [0, 0], sizes = [1024, 64], strides = [1, 1]} : vector<1024x128xf32> to vector<1024x64xf32>
    %swap3A_15 = arith.constant 0 : index
    %swap3A_16 = arith.constant 0 : index
    %swap3A_17 = vector.load %arg5[%swap3A_15, %swap3A_16] : memref<1024x64xf32, #tpu.memory_space<vmem>>, vector<1024x64xf32>
    tpu.vector_store %arg5[%swap3A_15, %swap3A_16], %slice3A_14 {strides = array<i32>} : memref<1024x64xf32, #tpu.memory_space<vmem>>, vector<1024x64xf32>,
    %slice3A_18 = vector.extract_strided_slice %mul3A {offsets = [0, 64], sizes = [1024, 64], strides = [1, 1]} : vector<1024x128xf32> to vector<1024x64xf32>
    %swap3A_19 = arith.constant 0 : index
    %swap3A_20 = arith.constant 0 : index
    %swap3A_21 = vector.load %arg6[%swap3A_19, %swap3A_20] : memref<1024x64xf32, #tpu.memory_space<vmem>>, vector<1024x64xf32>
    tpu.vector_store %arg6[%swap3A_19, %swap3A_20], %slice3A_18 {strides = array<i32>} : memref<1024x64xf32, #tpu.memory_space<vmem>>, vector<1024x64xf32>,
    return
  }
  func.func @transform_0(%arg0: i32) -> (i32, i32) {
    %c0_i32 = arith.constant 0 : i32
    %c0_i32_0 = arith.constant 0 : i32
    return %arg0, %c0_i32 : i32, i32
  }
  func.func @transform_1(%arg0: i32) -> (i32, i32) {
    %add3A = arith.constant 10 : i32
    %add3A_0 = arith.addi %arg0, %add3A : i32
    %c0_i32 = arith.constant 0 : i32
    %c0_i32_1 = arith.constant 0 : i32
    return %add3A_0, %c0_i32 : i32, i32
  }
  func.func @transform_2(%arg0: i32) -> (i32, i32) {
    %c0_i32 = arith.constant 0 : i32
    %c0_i32_0 = arith.constant 0 : i32
    return %arg0, %c0_i32 : i32, i32
  }
  func.func @transform_3(%arg0: i32) -> (i32, i32) {
    %c0_i32 = arith.constant 0 : i32
    %c0_i32_0 = arith.constant 0 : i32
    return %arg0, %c0_i32 : i32, i32
  }
  func.func @transform_4(%arg0: i32) -> (i32, i32) {
    %c0_i32 = arith.constant 0 : i32
    %c0_i32_0 = arith.constant 0 : i32
    return %arg0, %c0_i32 : i32, i32
  }
  func.func @transform_5(%arg0: i32) -> (i32, i32) {
    %c0_i32 = arith.constant 0 : i32
    %c0_i32_0 = arith.constant 0 : i32
    return %arg0, %c0_i32 : i32, i32
  }
}

module attributes {stable_mosaic.version = 14 : i64} {
  func.func @body(%arg0: i32, %arg1: memref<1024x64xf32, #tpu.memory_space<vmem>>, %arg2: memref<1024x64xf32, #tpu.memory_space<vmem>>, %arg3: memref<1024x64xf32, #tpu.memory_space<vmem>>, %arg4: memref<1024x64xf32, #tpu.memory_space<vmem>>, %arg5: memref<1024x128xf32, #tpu.memory_space<vmem>>, %arg6: memref<128x128xf32, #tpu.memory_space<vmem>>, %arg7: memref<1x128xf32, #tpu.memory_space<vmem>>, %arg8: memref<1024x64xf32, #tpu.memory_space<vmem>>, %arg9: memref<1024x64xf32, #tpu.memory_space<vmem>>) attributes {dimension_semantics = [#tpu.dimension_semantics<arbitrary>], iteration_bounds = array<i64: 10>, scalar_prefetch = 0 : i64, scratch_operands = 0 : i64, tpu.core_type = #tpu.core_type<tc>, window_params = [{transform_indices = @transform_0, window_bounds = array<i64: 1024, 64>}, {transform_indices = @transform_1, window_bounds = array<i64: 1024, 64>}, {transform_indices = @transform_2, window_bounds = array<i64: 1024, 64>}, {transform_indices = @transform_3, window_bounds = array<i64: 1024, 64>}, {transform_indices = @transform_4, window_bounds = array<i64: 1024, 128>}, {pipeline_mode = #tpu.pipeline_mode<synchronous>, transform_indices = @transform_5, window_bounds = array<i64: 128, 128>}, {pipeline_mode = #tpu.pipeline_mode<synchronous>, transform_indices = @transform_6, window_bounds = array<i64: 1, 128>}, {transform_indices = @transform_7, window_bounds = array<i64: 1024, 64>}, {transform_indices = @transform_8, window_bounds = array<i64: 1024, 64>}]} {
    %get3A = arith.constant 0 : index
    %get3A_0 = arith.constant 0 : index
    %get3A_1 = vector.load %arg5[%get3A, %get3A_0] : memref<1024x128xf32, #tpu.memory_space<vmem>>, vector<1024x128xf32>
    %get3A_2 = arith.constant 0 : index
    %get3A_3 = arith.constant 0 : index
    %get3A_4 = vector.load %arg1[%get3A_2, %get3A_3] : memref<1024x64xf32, #tpu.memory_space<vmem>>, vector<1024x64xf32>
    %get3A_5 = arith.constant 0 : index
    %get3A_6 = arith.constant 0 : index
    %get3A_7 = vector.load %arg3[%get3A_5, %get3A_6] : memref<1024x64xf32, #tpu.memory_space<vmem>>, vector<1024x64xf32>
    %add3A = arith.addf %get3A_4, %get3A_7 : vector<1024x64xf32>
    %get3A_8 = arith.constant 0 : index
    %get3A_9 = arith.constant 0 : index
    %get3A_10 = vector.load %arg2[%get3A_8, %get3A_9] : memref<1024x64xf32, #tpu.memory_space<vmem>>, vector<1024x64xf32>
    %get3A_11 = arith.constant 0 : index
    %get3A_12 = arith.constant 0 : index
    %get3A_13 = vector.load %arg4[%get3A_11, %get3A_12] : memref<1024x64xf32, #tpu.memory_space<vmem>>, vector<1024x64xf32>
    %add3A_14 = arith.addf %get3A_10, %get3A_13 : vector<1024x64xf32>
    %concatenate3A = tpu.concatenate %add3A, %add3A_14 in 1 : vector<1024x64xf32>, vector<1024x64xf32> -> vector<1024x128xf32>
    %mul3A = arith.mulf %get3A_1, %concatenate3A : vector<1024x128xf32>
    %get3A_15 = arith.constant 0 : index
    %get3A_16 = arith.constant 0 : index
    %get3A_17 = vector.load %arg6[%get3A_15, %get3A_16] : memref<128x128xf32, #tpu.memory_space<vmem>>, vector<128x128xf32>
    %dot_general3A = arith.constant dense<0.000000e+00> : vector<1024x128xf32>
    %dot_general3A_18 = tpu.matmul %mul3A, %get3A_17, %dot_general3A {dimension_numbers = #tpu.dot_dimension_numbers<[1], [0], [0], [1], [0, 0, 1, 1], [], []>, transpose_lhs_hint = false} : vector<1024x128xf32>, vector<128x128xf32>, vector<1024x128xf32> -> vector<1024x128xf32>
    %get3A_19 = arith.constant 0 : index
    %get3A_20 = arith.constant 0 : index
    %get3A_21 = vector.load %arg7[%get3A_19, %get3A_20] : memref<1x128xf32, #tpu.memory_space<vmem>>, vector<1x128xf32>
    %add3A_22 = vector.broadcast %get3A_21 : vector<1x128xf32> to vector<1024x128xf32>
    %add3A_23 = arith.addf %dot_general3A_18, %add3A_22 : vector<1024x128xf32>
    %max3A = arith.constant 0.000000e+00 : f32
    %max3A_24 = vector.broadcast %max3A : f32 to vector<1024x128xf32>
    %max3A_25 = arith.maximumf %add3A_23, %max3A_24 : vector<1024x128xf32>
    %get3A_26 = arith.constant 0 : index
    %get3A_27 = arith.constant 0 : index
    %get3A_28 = vector.load %arg5[%get3A_26, %get3A_27] : memref<1024x128xf32, #tpu.memory_space<vmem>>, vector<1024x128xf32>
    %mul3A_29 = arith.mulf %get3A_28, %max3A_25 : vector<1024x128xf32>
    %slice3A = vector.extract_strided_slice %mul3A_29 {offsets = [0, 0], sizes = [1024, 64], strides = [1, 1]} : vector<1024x128xf32> to vector<1024x64xf32>
    %swap3A = arith.constant 0 : index
    %swap3A_30 = arith.constant 0 : index
    %swap3A_31 = vector.load %arg8[%swap3A, %swap3A_30] : memref<1024x64xf32, #tpu.memory_space<vmem>>, vector<1024x64xf32>
    tpu.vector_store %arg8[%swap3A, %swap3A_30], %slice3A {strides = array<i32>} : memref<1024x64xf32, #tpu.memory_space<vmem>>, vector<1024x64xf32>,
    %slice3A_32 = vector.extract_strided_slice %mul3A_29 {offsets = [0, 64], sizes = [1024, 64], strides = [1, 1]} : vector<1024x128xf32> to vector<1024x64xf32>
    %swap3A_33 = arith.constant 0 : index
    %swap3A_34 = arith.constant 0 : index
    %swap3A_35 = vector.load %arg9[%swap3A_33, %swap3A_34] : memref<1024x64xf32, #tpu.memory_space<vmem>>, vector<1024x64xf32>
    tpu.vector_store %arg9[%swap3A_33, %swap3A_34], %slice3A_32 {strides = array<i32>} : memref<1024x64xf32, #tpu.memory_space<vmem>>, vector<1024x64xf32>,
    return
  }
  func.func @transform_0(%arg0: i32) -> (i32, i32) {
    %c0_i32 = arith.constant 0 : i32
    %c0_i32_0 = arith.constant 0 : i32
    return %arg0, %c0_i32 : i32, i32
  }
  func.func @transform_1(%arg0: i32) -> (i32, i32) {
    %add3A = arith.constant 10 : i32
    %add3A_0 = arith.addi %arg0, %add3A : i32
    %c0_i32 = arith.constant 0 : i32
    %c0_i32_1 = arith.constant 0 : i32
    return %add3A_0, %c0_i32 : i32, i32
  }
  func.func @transform_2(%arg0: i32) -> (i32, i32) {
    %c0_i32 = arith.constant 0 : i32
    %c0_i32_0 = arith.constant 0 : i32
    return %arg0, %c0_i32 : i32, i32
  }
  func.func @transform_3(%arg0: i32) -> (i32, i32) {
    %c0_i32 = arith.constant 0 : i32
    %c0_i32_0 = arith.constant 0 : i32
    return %arg0, %c0_i32 : i32, i32
  }
  func.func @transform_4(%arg0: i32) -> (i32, i32) {
    %c0_i32 = arith.constant 0 : i32
    %c0_i32_0 = arith.constant 0 : i32
    return %arg0, %c0_i32 : i32, i32
  }
  func.func @transform_5(%arg0: i32) -> (i32, i32) {
    %c0_i32 = arith.constant 0 : i32
    %c0_i32_0 = arith.constant 0 : i32
    %c0_i32_1 = arith.constant 0 : i32
    return %c0_i32, %c0_i32_0 : i32, i32
  }
  func.func @transform_6(%arg0: i32) -> (i32, i32) {
    %c0_i32 = arith.constant 0 : i32
    %c0_i32_0 = arith.constant 0 : i32
    %c0_i32_1 = arith.constant 0 : i32
    return %c0_i32, %c0_i32_0 : i32, i32
  }
  func.func @transform_7(%arg0: i32) -> (i32, i32) {
    %c0_i32 = arith.constant 0 : i32
    %c0_i32_0 = arith.constant 0 : i32
    return %arg0, %c0_i32 : i32, i32
  }
  func.func @transform_8(%arg0: i32) -> (i32, i32) {
    %c0_i32 = arith.constant 0 : i32
    %c0_i32_0 = arith.constant 0 : i32
    return %arg0, %c0_i32 : i32, i32
  }
}

module attributes {stable_mosaic.version = 14 : i64} {
  func.func @body(%arg0: i32, %arg1: memref<1024x64xf32, #tpu.memory_space<vmem>>, %arg2: memref<1024x64xf32, #tpu.memory_space<vmem>>, %arg3: memref<1024x64xf32, #tpu.memory_space<vmem>>, %arg4: memref<1024x64xf32, #tpu.memory_space<vmem>>, %arg5: memref<1024x128xf32, #tpu.memory_space<vmem>>, %arg6: memref<128x128xf32, #tpu.memory_space<vmem>>, %arg7: memref<1x128xf32, #tpu.memory_space<vmem>>, %arg8: memref<128x256xf32, #tpu.memory_space<vmem>>, %arg9: memref<1x256xf32, #tpu.memory_space<vmem>>, %arg10: memref<256x128xf32, #tpu.memory_space<vmem>>, %arg11: memref<1x128xf32, #tpu.memory_space<vmem>>, %arg12: memref<1024x128xf32, #tpu.memory_space<vmem>>) attributes {dimension_semantics = [#tpu.dimension_semantics<arbitrary>], iteration_bounds = array<i64: 10>, scalar_prefetch = 0 : i64, scratch_operands = 0 : i64, tpu.core_type = #tpu.core_type<tc>, window_params = [{transform_indices = @transform_0, window_bounds = array<i64: 1024, 64>}, {transform_indices = @transform_1, window_bounds = array<i64: 1024, 64>}, {transform_indices = @transform_2, window_bounds = array<i64: 1024, 64>}, {transform_indices = @transform_3, window_bounds = array<i64: 1024, 64>}, {transform_indices = @transform_4, window_bounds = array<i64: 1024, 128>}, {pipeline_mode = #tpu.pipeline_mode<synchronous>, transform_indices = @transform_5, window_bounds = array<i64: 128, 128>}, {pipeline_mode = #tpu.pipeline_mode<synchronous>, transform_indices = @transform_6, window_bounds = array<i64: 1, 128>}, {pipeline_mode = #tpu.pipeline_mode<synchronous>, transform_indices = @transform_7, window_bounds = array<i64: 128, 256>}, {pipeline_mode = #tpu.pipeline_mode<synchronous>, transform_indices = @transform_8, window_bounds = array<i64: 1, 256>}, {pipeline_mode = #tpu.pipeline_mode<synchronous>, transform_indices = @transform_9, window_bounds = array<i64: 256, 128>}, {pipeline_mode = #tpu.pipeline_mode<synchronous>, transform_indices = @transform_10, window_bounds = array<i64: 1, 128>}, {transform_indices = @transform_11, window_bounds = array<i64: 1024, 128>}]} {
    %get3A = arith.constant 0 : index
    %get3A_0 = arith.constant 0 : index
    %get3A_1 = vector.load %arg5[%get3A, %get3A_0] : memref<1024x128xf32, #tpu.memory_space<vmem>>, vector<1024x128xf32>
    %get3A_2 = arith.constant 0 : index
    %get3A_3 = arith.constant 0 : index
    %get3A_4 = vector.load %arg1[%get3A_2, %get3A_3] : memref<1024x64xf32, #tpu.memory_space<vmem>>, vector<1024x64xf32>
    %get3A_5 = arith.constant 0 : index
    %get3A_6 = arith.constant 0 : index
    %get3A_7 = vector.load %arg3[%get3A_5, %get3A_6] : memref<1024x64xf32, #tpu.memory_space<vmem>>, vector<1024x64xf32>
    %add3A = arith.addf %get3A_4, %get3A_7 : vector<1024x64xf32>
    %get3A_8 = arith.constant 0 : index
    %get3A_9 = arith.constant 0 : index
    %get3A_10 = vector.load %arg2[%get3A_8, %get3A_9] : memref<1024x64xf32, #tpu.memory_space<vmem>>, vector<1024x64xf32>
    %get3A_11 = arith.constant 0 : index
    %get3A_12 = arith.constant 0 : index
    %get3A_13 = vector.load %arg4[%get3A_11, %get3A_12] : memref<1024x64xf32, #tpu.memory_space<vmem>>, vector<1024x64xf32>
    %add3A_14 = arith.addf %get3A_10, %get3A_13 : vector<1024x64xf32>
    %concatenate3A = tpu.concatenate %add3A, %add3A_14 in 1 : vector<1024x64xf32>, vector<1024x64xf32> -> vector<1024x128xf32>
    %mul3A = arith.mulf %get3A_1, %concatenate3A : vector<1024x128xf32>
    %get3A_15 = arith.constant 0 : index
    %get3A_16 = arith.constant 0 : index
    %get3A_17 = vector.load %arg6[%get3A_15, %get3A_16] : memref<128x128xf32, #tpu.memory_space<vmem>>, vector<128x128xf32>
    %dot_general3A = arith.constant dense<0.000000e+00> : vector<1024x128xf32>
    %dot_general3A_18 = tpu.matmul %mul3A, %get3A_17, %dot_general3A {dimension_numbers = #tpu.dot_dimension_numbers<[1], [0], [0], [1], [0, 0, 1, 1], [], []>, transpose_lhs_hint = false} : vector<1024x128xf32>, vector<128x128xf32>, vector<1024x128xf32> -> vector<1024x128xf32>
    %get3A_19 = arith.constant 0 : index
    %get3A_20 = arith.constant 0 : index
    %get3A_21 = vector.load %arg7[%get3A_19, %get3A_20] : memref<1x128xf32, #tpu.memory_space<vmem>>, vector<1x128xf32>
    %add3A_22 = vector.broadcast %get3A_21 : vector<1x128xf32> to vector<1024x128xf32>
    %add3A_23 = arith.addf %dot_general3A_18, %add3A_22 : vector<1024x128xf32>
    %max3A = arith.constant 0.000000e+00 : f32
    %max3A_24 = vector.broadcast %max3A : f32 to vector<1024x128xf32>
    %max3A_25 = arith.maximumf %add3A_23, %max3A_24 : vector<1024x128xf32>
    %get3A_26 = arith.constant 0 : index
    %get3A_27 = arith.constant 0 : index
    %get3A_28 = vector.load %arg8[%get3A_26, %get3A_27] : memref<128x256xf32, #tpu.memory_space<vmem>>, vector<128x256xf32>
    %dot_general3A_29 = arith.constant dense<0.000000e+00> : vector<1024x256xf32>
    %dot_general3A_30 = tpu.matmul %max3A_25, %get3A_28, %dot_general3A_29 {dimension_numbers = #tpu.dot_dimension_numbers<[1], [0], [0], [1], [0, 0, 1, 1], [], []>, transpose_lhs_hint = false} : vector<1024x128xf32>, vector<128x256xf32>, vector<1024x256xf32> -> vector<1024x256xf32>
    %get3A_31 = arith.constant 0 : index
    %get3A_32 = arith.constant 0 : index
    %get3A_33 = vector.load %arg9[%get3A_31, %get3A_32] : memref<1x256xf32, #tpu.memory_space<vmem>>, vector<1x256xf32>
    %add3A_34 = vector.broadcast %get3A_33 : vector<1x256xf32> to vector<1024x256xf32>
    %add3A_35 = arith.addf %dot_general3A_30, %add3A_34 : vector<1024x256xf32>
    %max3A_36 = arith.constant 0.000000e+00 : f32
    %max3A_37 = vector.broadcast %max3A_36 : f32 to vector<1024x256xf32>
    %max3A_38 = arith.maximumf %add3A_35, %max3A_37 : vector<1024x256xf32>
    %get3A_39 = arith.constant 0 : index
    %get3A_40 = arith.constant 0 : index
    %get3A_41 = vector.load %arg10[%get3A_39, %get3A_40] : memref<256x128xf32, #tpu.memory_space<vmem>>, vector<256x128xf32>
    %dot_general3A_42 = arith.constant dense<0.000000e+00> : vector<1024x128xf32>
    %dot_general3A_43 = tpu.matmul %max3A_38, %get3A_41, %dot_general3A_42 {dimension_numbers = #tpu.dot_dimension_numbers<[1], [0], [0], [1], [0, 0, 1, 1], [], []>, transpose_lhs_hint = false} : vector<1024x256xf32>, vector<256x128xf32>, vector<1024x128xf32> -> vector<1024x128xf32>
    %get3A_44 = arith.constant 0 : index
    %get3A_45 = arith.constant 0 : index
    %get3A_46 = vector.load %arg11[%get3A_44, %get3A_45] : memref<1x128xf32, #tpu.memory_space<vmem>>, vector<1x128xf32>
    %add3A_47 = vector.broadcast %get3A_46 : vector<1x128xf32> to vector<1024x128xf32>
    %add3A_48 = arith.addf %dot_general3A_43, %add3A_47 : vector<1024x128xf32>
    %swap3A = arith.constant 0 : index
    %swap3A_49 = arith.constant 0 : index
    %swap3A_50 = vector.load %arg12[%swap3A, %swap3A_49] : memref<1024x128xf32, #tpu.memory_space<vmem>>, vector<1024x128xf32>
    tpu.vector_store %arg12[%swap3A, %swap3A_49], %add3A_48 {strides = array<i32>} : memref<1024x128xf32, #tpu.memory_space<vmem>>, vector<1024x128xf32>,
    return
  }
  func.func @transform_0(%arg0: i32) -> (i32, i32) {
    %c0_i32 = arith.constant 0 : i32
    %c0_i32_0 = arith.constant 0 : i32
    return %arg0, %c0_i32 : i32, i32
  }
  func.func @transform_1(%arg0: i32) -> (i32, i32) {
    %add3A = arith.constant 10 : i32
    %add3A_0 = arith.addi %arg0, %add3A : i32
    %c0_i32 = arith.constant 0 : i32
    %c0_i32_1 = arith.constant 0 : i32
    return %add3A_0, %c0_i32 : i32, i32
  }
  func.func @transform_2(%arg0: i32) -> (i32, i32) {
    %c0_i32 = arith.constant 0 : i32
    %c0_i32_0 = arith.constant 0 : i32
    return %arg0, %c0_i32 : i32, i32
  }
  func.func @transform_3(%arg0: i32) -> (i32, i32) {
    %c0_i32 = arith.constant 0 : i32
    %c0_i32_0 = arith.constant 0 : i32
    return %arg0, %c0_i32 : i32, i32
  }
  func.func @transform_4(%arg0: i32) -> (i32, i32) {
    %c0_i32 = arith.constant 0 : i32
    %c0_i32_0 = arith.constant 0 : i32
    return %arg0, %c0_i32 : i32, i32
  }
  func.func @transform_5(%arg0: i32) -> (i32, i32) {
    %c0_i32 = arith.constant 0 : i32
    %c0_i32_0 = arith.constant 0 : i32
    %c0_i32_1 = arith.constant 0 : i32
    return %c0_i32, %c0_i32_0 : i32, i32
  }
  func.func @transform_6(%arg0: i32) -> (i32, i32) {
    %c0_i32 = arith.constant 0 : i32
    %c0_i32_0 = arith.constant 0 : i32
    %c0_i32_1 = arith.constant 0 : i32
    return %c0_i32, %c0_i32_0 : i32, i32
  }
  func.func @transform_7(%arg0: i32) -> (i32, i32) {
    %c0_i32 = arith.constant 0 : i32
    %c0_i32_0 = arith.constant 0 : i32
    %c0_i32_1 = arith.constant 0 : i32
    return %c0_i32, %c0_i32_0 : i32, i32
  }
  func.func @transform_8(%arg0: i32) -> (i32, i32) {
    %c0_i32 = arith.constant 0 : i32
    %c0_i32_0 = arith.constant 0 : i32
    %c0_i32_1 = arith.constant 0 : i32
    return %c0_i32, %c0_i32_0 : i32, i32
  }
  func.func @transform_9(%arg0: i32) -> (i32, i32) {
    %c0_i32 = arith.constant 0 : i32
    %c0_i32_0 = arith.constant 0 : i32
    %c0_i32_1 = arith.constant 0 : i32
    return %c0_i32, %c0_i32_0 : i32, i32
  }
  func.func @transform_10(%arg0: i32) -> (i32, i32) {
    %c0_i32 = arith.constant 0 : i32
    %c0_i32_0 = arith.constant 0 : i32
    %c0_i32_1 = arith.constant 0 : i32
    return %c0_i32, %c0_i32_0 : i32, i32
  }
  func.func @transform_11(%arg0: i32) -> (i32, i32) {
    %c0_i32 = arith.constant 0 : i32
    %c0_i32_0 = arith.constant 0 : i32
    return %arg0, %c0_i32 : i32, i32
  }
}

</mosaic_0001>

<sc_bundles>
// kernel: kernel.10.cloned.1.call-start
scs
__scs_entry_jumppad:
0x0: {  	(pc) =	sbr.rel $0x88, $3  }
0x1: {  	(tag) =	ssettag $0x0;
	lr =	simm.s32 $0x1  }
0x2: {  	[smem:$0x3F95] =	sst lr;
	_ =	strace $0xD0000000  }
0x3: {  	_ = 	snop  }
0x4: {  	_ = 	snop  }
0x5: {  	_ = 	snop  }
0x6: {  	_ = 	snop  }
0x7: {  	_ = 	snop  }
__scs_overlays_trampoline_lowered:
0x8: {  	[smem:$0x3FA4] =	sst s0  }
0x9: {  	[smem:$0x3FA5] =	sst s1  }
0xa: {  	[smem:$0x3FA6] =	sst s2  }
0xb: {  	[smem:$0x3FA7] =	sst s3  }
0xc: {  	[smem:$0x3FA8] =	sst s4  }
0xd: {  	[smem:$0x3FA9] =	sst s5  }
0xe: {  	[smem:$0x3FAA] =	sst s6  }
0xf: {  	[smem:$0x3FAB] =	sst s7  }
0x10: {  	[smem:$0x3FAC] =	sst s8  }
0x11: {  	[smem:$0x3FAD] =	sst s9;
	s0 =	simm.s32 @!p0 $0x0  }
0x12: {  	s1 =	sld [smem:$0x3F93];
	s0 =	simm.s32 @p0 $0x1  }
0x13: {  	[smem:$0x3FAE] =	sst s0;
	s0 =	simm.s32 @!p1 $0x0  }
0x14: {  	s2 =	sld [smem:$0x3F92];
	s0 =	simm.s32 @p1 $0x1  }
0x15: {  	[smem:$0x3FAF] =	sst s0;
	s0 =	simm.s32 @!p2 $0x0  }
0x16: {  	s3 =	sld [smem:$0x3FDB];
	s0 =	simm.s32 @p2 $0x1  }
0x17: {  	s4 =	simm.s32 $0x1BF5;
	[smem:$0x3FB1] =	sst s0  }
0x18: {  	s0 =	sld [smem:$0x3F94];
	_ =	swait.ge [sflag:s4], $0x0  }
0x19: {  	s7 =	sld [smem:$0x3F95]  }
0x1a: {  	s8 =	sadd.s32 $0xFFFFE003, lr  }
0x1b: {  	s9 =	sadd.s32 $0xFFFFFEF7, lr;
	s5 =	simm.s32 $0xFFFFFFFF;
	p2 =	slt.u32 s8, $0xFFFFF086  }
0x1c: {  	p1 =	slt.u32 s9, $0xF7A;
	s5 =	simm.s32 @!p2 $0x0  }
0x1d: {  	s5 =	simm.s32 @p1 $0x1;
	p0 =	seq.s32 s7, s2  }
0x1e: {  	s7 =	smul.u32 @!p0 $0xF7A, s2;
	p2 =	seq.s32 @!p0 s5, $0x0  }
0x1f: {  	s9 =	smul.u32 $0xF7A, s1;
	s8 =	simm.s32 @!p0 $0x1BF5;
	p2 =	por !p2, p0  }
0x20: {  	[sflag:s8] =	ssyncset.s32 @!p0 $0xFFFFF086;
	s6 =	sadd.s32 @!p0 s3, s7;
	s7 =	simm.s32 @!p0 $0x108  }
0x21: {  	s3 =	sadd.s32 s3, s9;
	s6 =	sadd.s32 @!p0 $0x88, s6;
	s7 =	simm.s32 @p2 $0x1082  }
0x22: {  	[simem:s7], [sflag:s8] =	dma.local @!p0 [hbm:s6], $0xF7A  }
0x23: {  	s9 =	sor.u32 $0xD0000000, s2;
	s6 =	simm.s32 $0x108;
	_ =	swait.ge @!p0 [sflag:s8], $0x0  }
0x24: {  	s3 =	sadd.s32 $0x88, s3;
	s6 =	simm.s32 @!p1 $0x1082;
	[sflag:s4] =	ssyncset.s32 $0xFFFFF086  }
0x25: {  	[simem:s6], [sflag:s4] =	dma.local [hbm:s3], $0xF7A  }
0x26: {  	[smem:$0x3F95] =	sst s1;
	(tag) =	ssettag s2;
	_ =	strace s9  }
0x27: {  	s1 =	sld [smem:$0x3FA5]  }
0x28: {  	s2 =	sld [smem:$0x3FA6]  }
0x29: {  	s4 =	sld [smem:$0x3FA8]  }
0x2a: {  	p0 =	seq.s32 s5, $0x0;
	s5 =	sld [smem:$0x3FA9]  }
0x2b: {  	s6 =	sld [smem:$0x3FAA]  }
0x2c: {  	s7 =	sld [smem:$0x3FAB]  }
0x2d: {  	s3 =	simm.s32 $0x108;
	s8 =	sld [smem:$0x3FAC]  }
0x2e: {  	s3 =	simm.s32 @!p0 $0x1082;
	s9 =	sld [smem:$0x3FAD]  }
0x2f: {  	lr =	sadd.s32 s0, s3;
	s0 =	sld [smem:$0x3FA4]  }
0x30: {  	s3 =	sld [smem:$0x3FA7]  }
0x31: {  	[smem:$0x3FB0] =	sst s10  }
0x32: {  	s10 =	sld [smem:$0x3FAE];
	_ =	sdelay $0x3  }
0x33: {  	p0 =	seq.s32 s10, $0x1;
	s10 =	sld [smem:$0x3FB0];
	_ =	sdelay $0x3  }
0x34: {  	[smem:$0x3FB0] =	sst s10  }
0x35: {  	s10 =	sld [smem:$0x3FAF];
	_ =	sdelay $0x3  }
0x36: {  	p1 =	seq.s32 s10, $0x1;
	s10 =	sld [smem:$0x3FB0];
	_ =	sdelay $0x3  }
0x37: {  	[smem:$0x3FB0] =	sst s10  }
0x38: {  	s10 =	sld [smem:$0x3FB1]  }
0x39: {  	_ = 	snop;
	(pc) =	sbr.ind lr, $3  }
0x3a: {  	_ = 	snop  }
0x3b: {  	_ = 	snop  }
0x3c: {  	p2 =	seq.s32 s10, $0x1;
	s10 =	sld [smem:$0x3FB0]  }
0x3d: {  	_ =	shalt  }
0x3e: {  	_ =	shalt  }
0x3f: {  	_ =	shalt  }
0x40: {  	_ =	shalt  }
0x41: {  	_ =	shalt  }
0x42: {  	_ =	shalt  }
0x43: {  	_ =	shalt  }
0x44: {  	_ =	shalt  }
0x45: {  	_ =	shalt  }
0x46: {  	_ =	shalt  }
0x47: {  	_ =	shalt  }
0x48: {  	_ =	shalt  }
0x49: {  	_ =	shalt  }
0x4a: {  	_ =	shalt  }
0x4b: {  	_ =	shalt  }
0x4c: {  	_ =	shalt  }
0x4d: {  	_ =	shalt  }
0x4e: {  	_ =	shalt  }
0x4f: {  	_ =	shalt  }
0x50: {  	_ =	shalt  }
0x51: {  	_ =	shalt  }
0x52: {  	_ =	shalt  }
0x53: {  	_ =	shalt  }
0x54: {  	_ =	shalt  }
0x55: {  	_ =	shalt  }
0x56: {  	_ =	shalt  }
0x57: {  	_ =	shalt  }
0x58: {  	_ =	shalt  }
0x59: {  	_ =	shalt  }
0x5a: {  	_ =	shalt  }
0x5b: {  	_ =	shalt  }
0x5c: {  	_ =	shalt  }
0x5d: {  	_ =	shalt  }
0x5e: {  	_ =	shalt  }
0x5f: {  	_ =	shalt  }
0x60: {  	_ =	shalt  }
0x61: {  	_ =	shalt  }
0x62: {  	_ =	shalt  }
0x63: {  	_ =	shalt  }
0x64: {  	_ =	shalt  }
0x65: {  	_ =	shalt  }
0x66: {  	_ =	shalt  }
0x67: {  	_ =	shalt  }
0x68: {  	_ =	shalt  }
0x69: {  	_ =	shalt  }
0x6a: {  	_ =	shalt  }
0x6b: {  	_ =	shalt  }
0x6c: {  	_ =	shalt  }
0x6d: {  	_ =	shalt  }
0x6e: {  	_ =	shalt  }
0x6f: {  	_ =	shalt  }
0x70: {  	_ =	shalt  }
0x71: {  	_ =	shalt  }
0x72: {  	_ =	shalt  }
0x73: {  	_ =	shalt  }
0x74: {  	_ =	shalt  }
0x75: {  	_ =	shalt  }
0x76: {  	_ =	shalt  }
0x77: {  	_ =	shalt  }
0x78: {  	_ =	shalt  }
0x79: {  	_ =	shalt  }
0x7a: {  	_ =	shalt  }
0x7b: {  	_ =	shalt  }
0x7c: {  	_ =	shalt  }
0x7d: {  	_ =	shalt  }
0x7e: {  	_ =	shalt  }
0x7f: {  	_ =	shalt  }
0x80: {  	_ =	shalt  }
0x81: {  	_ =	shalt  }
0x82: {  	_ =	shalt  }
0x83: {  	_ =	shalt  }
0x84: {  	_ =	shalt  }
0x85: {  	_ =	shalt  }
0x86: {  	_ =	shalt  }
0x87: {  	_ =	shalt  }
.Lfunc_end0:
.L_simem_size_0:
called_computation_lowered:
.L_overlay_start_0:
0x88: {  	s2 =	sld [smem:$0x3FD9]  }
0x89: {  	s3 =	sld [smem:$0x3FFE];
	_ =	sdelay $0x1  }
0x8a: {  	s1 =	srdreg.scid  }
0x8b: {  	s0 =	sand.u32 $0x1, s1  }
0x8c: {  	s17 =	sshll.u32 s0, $0xA;
	s2 =	sadd.s32 s3, s2  }
0x8d: {  	s2 =	sadd.s32 s2, s17  }
0x8e: {  	[smem:$0x3FBC] =	sst s2  }
0x8f: {  	_ = 	snop  }
0x90: {  	s2 =	sld [smem:$0x3FD0];
	(tm) =	ssettm $0x1  }
0x91: {  	s18 =	sld [smem:$0x3FFB];
	_ =	sdelay $0x3  }
0x92: {  	_ =	strace s18  }
0x93: {  	s3 =	sld [smem:$0x3FFC];
	_ =	sdelay $0x3  }
0x94: {  	_ =	strace s3  }
0x95: {  	s3 =	sld [smem:$0x3FFD];
	_ =	sdelay $0x3  }
0x96: {  	_ =	strace s3  }
0x97: {  	_ =	strace $0x8FFFFFFF  }
0x98: {  	s19 =	sld [smem:$0x3FDB];
	_ =	sdelay $0x1  }
0x99: {  	s4 =	simm.s32 $_scs_section_size  }
0x9a: {  	s5 =	simm.s32 $_size__tile_overlayer_lowered;
	s6 =	simm.s32 $_tile_overlayer_lowered  }
0x9b: {  	s22 =	simm.s32 $0x1BFF;
	s21 =	sshll.u32 s6, $0x1;
	s3 =	sadd.s32 s4, s19  }
0x9c: {  	s7 =	simm.s32 $0x0;
	s20 =	sshll.u32 s5, $0x1;
	s5 =	sadd.s32 s21, s3  }
0x9d: {  	[timem:s7], [sflag:s22] =	dma.local [hbm:s5], s20  }
0x9e: {  	_ =	swait.ge [sflag:s22], s20  }
0x9f: {  	s4 =	ssub.s32 $0x0, s20;
	[sflag:s22] =	ssyncset.done $0x0  }
0xa0: {  	[sflag:s22] =	ssyncadd.s32 s4;
	_ =	sdelay $0x1  }
0xa1: {  	s23 =	simm.s32 $0x1B8B  }
0xa2: {  	_ =	swait.ge [sflag:s23], $0x1  }
0xa3: {  	[sflag:s23] =	ssyncset.done $0x0  }
0xa4: {  	s25 =	simm.s32 $0x1B8E;
	s24 =	sld [smem:$0x3FFE];
	[sflag:s23] =	ssyncadd.s32 $0xFFFFFFFF  }
0xa5: {  	s26 =	simm.s32 $execute0_lowered;
	[smem:$0x3FD2] =	sst s25  }
0xa6: {  	s5 =	sshll.u32 s26, $0x1;
	_ =	strace $0x80000046;
	[dreg:$0x1] =	wrdreg $0xFFFFFFFF  }
0xa7: {  	s28 =	simm.s32 $_size_execute0_lowered;
	s3 =	sadd.s32 s3, s5;
	[dreg:$0x0] =	wrdreg $0x0  }
0xa8: {  	s5 =	sshll.u32 s28, $0x1;
	[dreg:$0x2] =	wrdreg s3  }
0xa9: {  	[dreg:$0x3] =	wrdreg s5  }
0xaa: {  	[dreg:$0x4] =	wrdreg $0xC0  }
0xab: {  	_ =	task [dreg:s7], $0x5FFFF  }
0xac: {  	[dreg:$0x1] =	wrdreg $0xFFFFFFFF  }
0xad: {  	[dreg:$0x0] =	wrdreg $0x60  }
0xae: {  	[dreg:$0x2] =	wrdreg s24  }
0xaf: {  	[dreg:$0x3] =	wrdreg s2  }
0xb0: {  	[dreg:$0x4] =	wrdreg $0x37800  }
0xb1: {  	[dreg:$0x5] =	wrdreg $0x9  }
0xb2: {  	_ =	task.clear_ibuf [dreg:s7], $0x6FFFF;
	_ =	strace $0x90000046  }
0xb3: {  	s29 =	simm.s32 $0x9;
	_ =	strace $0x80000048  }
0xb4: {  	_ =	swait.ge [sflag:s29], $0x1  }
0xb5: {  	[sflag:s29] =	ssyncadd.s32 $0xFFFFFFFF  }
0xb6: {  	_ =	strace $0x90000048  }
0xb7: {  	_ =	sfence  }
0xb8: {  	s30 =	sld [smem:$0x0];
	_ =	sdelay $0x2  }
0xb9: {  	s31 =	sshll.u32 s1, $0xD;
	s1 =	sshrl.u32 s1, $0x2  }
0xba: {  	s3 =	sand.u32 $0x4000, s31;
	s1 =	sadd.s32 s1, s30  }
0xbb: {  	s0 =	sor.u32 s3, s0;
	s1 =	sshll.u32 s1, $0x11  }
0xbc: {  	s0 =	sor.u32 s1, s0  }
0xbd: {  	s0 =	sadd.s32 $0x8F2B, s0  }
0xbe: {  	[sflag:s0] =	ssyncadd.remote.s32 $0x1  }
0xbf: {  	_ =	sfence.sel $0xFFFF  }
0xc0: {  	[dreg:$0x0] =	wrdreg $0xFFFFFFFF;
	(pc) =	sbr.abs _section_cstart, $3  }
0xc1: {  	[dreg:$0x1] =	wrdreg $0xFFFFFFFF  }
0xc2: {  	_ =	task.clear_ibuf [dreg:s7], $0x2FFFF;
	_ =	strace $0x9FFFFFFF  }
0xc3: {  	(tm) =	ssettm $0x7FFFFFFF  }
tec
execute0_lowered:
.L_overlay_start_1:
0x0: {  	(tag) =	ssettag $0x1  }
0x1: {  	s1 =	srdreg.scid;
	s4 =	rddreg [dreg:$0x0]  }
0x2: {  	s0 =	stileid.u32;
	s8 =	rddreg [dreg:$0x1]  }
0x3: {  	s2 =	rddreg [dreg:$0x2];
	s3 =	simm.s32 $0x0;
	s16 =	simm.s32 $0x2780  }
0x4: {  	s17 =	simm.s32 $0x1;
	s18 =	simm.s32 $0x80;
	s19 =	simm.s32 $0x2F80  }
0x5: {  	s20 =	simm.s32 $0x0;
	s5 =	sand.u32 $0x1, s1;
	s7 =	smul.u32 $0x280, s0  }
0x6: {  	s28 =	sshll.u32 s0, $0x1;
	[smem:$0x7FF] =	sst s3;
	s9 =	smul.u32 $0xA000, s0  }
0x7: {  	s1 =	sor.u32 s5, s28;
	s10 =	smul.u32 $0x2800, s5;
	s5 =	ssub.s32 $0x2, s5  }
0x8: {  	s6 =	smul.u32 $0x4F0, s1;
	s1 =	rddreg [dreg:$0x3];
	_ =	strace $0x80000047  }
0x9: {  	s29 =	sshrl.u32 s9, $0x2;
	s30 =	sshrl.u32 s5, $0x1;
	s7 =	sadd.s32 s7, s10  }
0xa: {  	s15 =	ssub.s32 s5, s30;
	s11 =	sadd.s32 s6, s4;
	s4 =	sadd.s32 s29, s2  }
0xb: {  	s31 =	sshll.u32 s7, $0x1;
	s15 =	smax.u32 s15, $0x1;
	s5 =	sadd.s32 $0x800, s4  }
0xc: {  	s6 =	sadd.s32 $0x1000, s4;
	s7 =	sadd.s32 $0x1800, s4;
	s8 =	sadd.s32 s8, s31  }
0xd: {  	s9 =	sadd.s32 $0x2000, s4;
	s10 =	sadd.s32 $0x4200, s11;
	s11 =	sadd.s32 $0x100, s8  }
0xe: {  	v0 =	vimm.f32 $0.0e+00;
	v1 =	vimm.f32 $1.000000000e+00;
	s12 =	sadd.s32 $0x200, s8;
	s13 =	sadd.s32 $0x300, s8;
	s14 =	sadd.s32 $0x400, s8  }
.LBB2_1:
0xf: {  	s21 =	simm.s32 $0x40;
	s22 =	simm.s32 $0x0  }
.LBB2_2:
0x10: {  	p0 =	sne.s32 s21, $0x1FC0;
	[tilespmem:s22+$0x2780] =	vst v0;
	s23 =	smov.u32 s21;
	s21 =	sadd.s32 $0x40, s21  }
.Ltmp0:
0x11: {  	[tilespmem:s22+$0x2F80] =	vst v1;
	(pc) =	sbr.rel @p0 .LBB2_2-.Ltmp0, $2  }
0x12: {  	_ =	sdelay $0x2  }
0x13: {  	s22 =	sshra.s32 s23, $0x2  }
0x14: {  	[tilespmem:s22+$0x2780] =	vst v0  }
0x15: {  	[tilespmem:s22+$0x2F80] =	vst v1  }
0x16: {  	[spmem:s4] =	stream.linear.scatter [tilespmem:s16], [sflag:$0x1], $0x800, $0x38;
	[tilespmem:$0x5F80] =	vst v63  }
0x17: {  	_ =	swait.ge [sflag:s17], $0x800  }
0x18: {  	[sflag:s17] =	ssyncset.done $0x0  }
0x19: {  	[sflag:s17] =	ssyncadd.s32 $0xFFFFF800  }
0x1a: {  	[spmem:s5] =	stream.linear.scatter [tilespmem:s16], [sflag:$0x1], $0x800, $0x38;
	[tilespmem:$0x5F80] =	vst v63  }
0x1b: {  	_ =	swait.ge [sflag:s17], $0x800  }
0x1c: {  	[sflag:s17] =	ssyncset.done $0x0  }
0x1d: {  	[sflag:s17] =	ssyncadd.s32 $0xFFFFF800  }
0x1e: {  	[spmem:s6] =	stream.linear.scatter [tilespmem:s16], [sflag:$0x1], $0x800, $0x38;
	[tilespmem:$0x5F80] =	vst v63  }
0x1f: {  	_ =	swait.ge [sflag:s17], $0x800  }
0x20: {  	[sflag:s17] =	ssyncset.done $0x0  }
0x21: {  	[sflag:s17] =	ssyncadd.s32 $0xFFFFF800  }
0x22: {  	[spmem:s7] =	stream.linear.scatter [tilespmem:s16], [sflag:$0x1], $0x800, $0x38;
	[tilespmem:$0x5F80] =	vst v63  }
0x23: {  	_ =	swait.ge [sflag:s17], $0x800  }
0x24: {  	[sflag:s17] =	ssyncset.done $0x0  }
0x25: {  	[sflag:s17] =	ssyncadd.s32 $0xFFFFF800  }
0x26: {  	[spmem:s9] =	stream.linear.scatter [tilespmem:s16], [sflag:$0x1], $0x800, $0x38;
	[tilespmem:$0x5F80] =	vst v63  }
0x27: {  	_ =	swait.ge [sflag:s17], $0x800  }
0x28: {  	[sflag:s17] =	ssyncset.done $0x0  }
0x29: {  	[sflag:s17] =	ssyncadd.s32 $0xFFFFF800  }
0x2a: {  	s21 =	simm.s32 $0x0;
	[bflag:$0x0] =	sbarrier.arrive $0xFFFF  }
0x2b: {  	[tilespmem:s21], [sflag:$0x1] =	stream.linear.gather [hbm4b:s10+s21], $0x2780, $0x38;
	[tilespmem:$0x5F80] =	vst v63  }
0x2c: {  	_ =	swait.ge [sflag:s17], $0x2780  }
0x2d: {  	[sflag:s17] =	ssyncset.done $0x0  }
0x2e: {  	s31 =	simm.s32 $0x0;
	[sflag:s17] =	ssyncadd.s32 $0xFFFFD880  }
0x2f: {  	[spmem:s2] =	stream.indirect.scatter.add.f32 [tilespmem:s19], [sflag:$0x1], $0x10, s31, s18, $0xb8;
	[tilespmem:$0x5F80] =	vst v63  }
0x30: {  	_ =	swait.ge [sflag:s17], $0x800  }
0x31: {  	s21 =	simm.s32 $0x200;
	[sflag:s17] =	ssyncset.done $0x0  }
.LBB2_4:
0x32: {  	s22 =	sshra.s32 s21, $0x2;
	[sflag:s17] =	ssyncadd.s32 $0xFFFFF800;
	p0 =	sne.s32 s21, $0x9C00  }
0x33: {  	[spmem:s2] =	stream.indirect.scatter.add.f32 [tilespmem:s19], [sflag:$0x1], $0x10, s22, s18, $0xb8;
	[tilespmem:$0x5F80] =	vst v63  }
.Ltmp1:
0x34: {  	_ = 	snop;
	(pc) =	sbr.rel @p0 .LBB2_4-.Ltmp1, $4  }
0x35: {  	_ = 	snop  }
0x36: {  	s21 =	sadd.s32 $0x200, s21  }
0x37: {  	_ =	swait.ge [sflag:s17], $0x800  }
0x38: {  	[sflag:s17] =	ssyncset.done $0x0  }
0x39: {  	[sflag:s17] =	ssyncadd.s32 $0xFFFFF800  }
0x3a: {  	[bflag:$0x0] =	sbarrier.arrive $0xFFFF  }
0x3b: {  	[tilespmem:s16], [sflag:$0x1] =	stream.linear.gather [spmem:s4], $0x800, $0x38;
	[tilespmem:$0x5F80] =	vst v63  }
0x3c: {  	_ =	swait.ge [sflag:s17], $0x800  }
0x3d: {  	[sflag:s17] =	ssyncset.done $0x0  }
0x3e: {  	[sflag:s17] =	ssyncadd.s32 $0xFFFFF800  }
0x3f: {  	[hbm4b:s8+s3] =	stream.linear.scatter [tilespmem:s16], [sflag:$0x1], $0x800, $0x38;
	[tilespmem:$0x5F80] =	vst v63  }
0x40: {  	_ =	swait.ge [sflag:s17], $0x800  }
0x41: {  	[sflag:s17] =	ssyncset.done $0x0  }
0x42: {  	[sflag:s17] =	ssyncadd.s32 $0xFFFFF800  }
0x43: {  	[tilespmem:s16], [sflag:$0x1] =	stream.linear.gather [spmem:s5], $0x800, $0x38;
	[tilespmem:$0x5F80] =	vst v63  }
0x44: {  	_ =	swait.ge [sflag:s17], $0x800  }
0x45: {  	[sflag:s17] =	ssyncset.done $0x0  }
0x46: {  	[sflag:s17] =	ssyncadd.s32 $0xFFFFF800  }
0x47: {  	[hbm4b:s11+s3] =	stream.linear.scatter [tilespmem:s16], [sflag:$0x1], $0x800, $0x38;
	[tilespmem:$0x5F80] =	vst v63  }
0x48: {  	_ =	swait.ge [sflag:s17], $0x800  }
0x49: {  	[sflag:s17] =	ssyncset.done $0x0  }
0x4a: {  	[sflag:s17] =	ssyncadd.s32 $0xFFFFF800  }
0x4b: {  	[tilespmem:s16], [sflag:$0x1] =	stream.linear.gather [spmem:s6], $0x800, $0x38;
	[tilespmem:$0x5F80] =	vst v63  }
0x4c: {  	_ =	swait.ge [sflag:s17], $0x800  }
0x4d: {  	[sflag:s17] =	ssyncset.done $0x0  }
0x4e: {  	[sflag:s17] =	ssyncadd.s32 $0xFFFFF800  }
0x4f: {  	[hbm4b:s12+s3] =	stream.linear.scatter [tilespmem:s16], [sflag:$0x1], $0x800, $0x38;
	[tilespmem:$0x5F80] =	vst v63  }
0x50: {  	_ =	swait.ge [sflag:s17], $0x800  }
0x51: {  	[sflag:s17] =	ssyncset.done $0x0  }
0x52: {  	[sflag:s17] =	ssyncadd.s32 $0xFFFFF800  }
0x53: {  	[tilespmem:s16], [sflag:$0x1] =	stream.linear.gather [spmem:s7], $0x800, $0x38;
	[tilespmem:$0x5F80] =	vst v63  }
0x54: {  	_ =	swait.ge [sflag:s17], $0x800  }
0x55: {  	[sflag:s17] =	ssyncset.done $0x0  }
0x56: {  	[sflag:s17] =	ssyncadd.s32 $0xFFFFF800  }
0x57: {  	[hbm4b:s13+s3] =	stream.linear.scatter [tilespmem:s16], [sflag:$0x1], $0x800, $0x38;
	[tilespmem:$0x5F80] =	vst v63  }
0x58: {  	_ =	swait.ge [sflag:s17], $0x800  }
0x59: {  	[sflag:s17] =	ssyncset.done $0x0  }
0x5a: {  	[sflag:s17] =	ssyncadd.s32 $0xFFFFF800  }
0x5b: {  	[tilespmem:s16], [sflag:$0x1] =	stream.linear.gather [spmem:s9], $0x800, $0x38;
	[tilespmem:$0x5F80] =	vst v63  }
0x5c: {  	s20 =	sadd.s32 $0x1, s20;
	_ =	swait.ge [sflag:s17], $0x800  }
0x5d: {  	p0 =	sne.s32 s20, s15;
	[sflag:s17] =	ssyncset.done $0x0  }
.Ltmp2:
0x5e: {  	[sflag:s17] =	ssyncadd.s32 $0xFFFFF800;
	(pc) =	sbr.rel @p0 .LBB2_1-.Ltmp2, $4  }
0x5f: {  	[hbm4b:s14+s3] =	stream.linear.scatter [tilespmem:s16], [sflag:$0x1], $0x800, $0x38;
	[tilespmem:$0x5F80] =	vst v63  }
0x60: {  	_ =	swait.ge [sflag:s17], $0x800  }
0x61: {  	[sflag:s17] =	ssyncset.done $0x0  }
0x62: {  	[sflag:s17] =	ssyncadd.s32 $0xFFFFF800  }
0x63: {  	_ =	sfence.sel $0x180000  }
0x64: {  	[bflag:$0x0] =	sbarrier.arrive $0xFFFF  }
0x65: {  	p0 =	sne.s32 s0, $0x0;
	_ =	strace $0x90000047  }
0x66: {  	s0 =	sadd.s32 @!p0 $0x100000, s1;
	[bflag:$0x2] =	sbarrier.arrive $0xFFFF  }
0x67: {  	[sflag:s0] =	ssyncadd.tile.s32 @!p0 $0x1;
	_ =	shalt  }
.Lfunc_end2:
_tile_overlayer_lowered:
.L_overlay_start_2:
0x68: {  	(tag) =	ssettag $0x2  }
0x69: {  	s0 =	rddreg [dreg:$0x0];
	s2 =	stileid.u32  }
0x6a: {  	s1 =	rddreg [dreg:$0x1];
	p0 =	sne.s32 s2, $0x0  }
0x6b: {  	s3 =	rddreg [dreg:$0x2];
	[bflag:$0x3] =	sbarrier.arrive $0xFFFF;
	s2 =	simm.s32 @!p0 $0x1C01  }
0x6c: {  	[timem:s3], [sflag:s2] =	dma.local @!p0 [hbm:s0], s1  }
0x6d: {  	s0 =	simm.s32 @!p0 $0x1  }
0x6e: {  	_ =	swait.ge @!p0 [sflag:s0], s1  }
0x6f: {  	s1 =	ssub.s32 @!p0 $0x0, s1;
	[sflag:s0] =	ssyncset.done @!p0 $0x0  }
0x70: {  	[sflag:s0] =	ssyncadd.s32 @!p0 s1  }
0x71: {  	[bflag:$0x3] =	sbarrier.arrive $0xFFFF  }
0x72: {  	_ =	shalt  }

// kernel: kernel.13.cloned.1.call-start
scs
__scs_entry_jumppad:
0x0: {  	(pc) =	sbr.rel $0x88, $3  }
0x1: {  	(tag) =	ssettag $0x0;
	lr =	simm.s32 $0x1  }
0x2: {  	[smem:$0x3F95] =	sst lr;
	_ =	strace $0xD0000000  }
0x3: {  	_ = 	snop  }
0x4: {  	_ = 	snop  }
0x5: {  	_ = 	snop  }
0x6: {  	_ = 	snop  }
0x7: {  	_ = 	snop  }
__scs_overlays_trampoline_lowered:
0x8: {  	[smem:$0x3FA4] =	sst s0  }
0x9: {  	[smem:$0x3FA5] =	sst s1  }
0xa: {  	[smem:$0x3FA6] =	sst s2  }
0xb: {  	[smem:$0x3FA7] =	sst s3  }
0xc: {  	[smem:$0x3FA8] =	sst s4  }
0xd: {  	[smem:$0x3FA9] =	sst s5  }
0xe: {  	[smem:$0x3FAA] =	sst s6  }
0xf: {  	[smem:$0x3FAB] =	sst s7  }
0x10: {  	[smem:$0x3FAC] =	sst s8  }
0x11: {  	[smem:$0x3FAD] =	sst s9;
	s0 =	simm.s32 @!p0 $0x0  }
0x12: {  	s1 =	sld [smem:$0x3F93];
	s0 =	simm.s32 @p0 $0x1  }
0x13: {  	[smem:$0x3FAE] =	sst s0;
	s0 =	simm.s32 @!p1 $0x0  }
0x14: {  	s2 =	sld [smem:$0x3F92];
	s0 =	simm.s32 @p1 $0x1  }
0x15: {  	[smem:$0x3FAF] =	sst s0;
	s0 =	simm.s32 @!p2 $0x0  }
0x16: {  	s3 =	sld [smem:$0x3FDB];
	s0 =	simm.s32 @p2 $0x1  }
0x17: {  	s4 =	simm.s32 $0x1BF5;
	[smem:$0x3FB1] =	sst s0  }
0x18: {  	s0 =	sld [smem:$0x3F94];
	_ =	swait.ge [sflag:s4], $0x0  }
0x19: {  	s7 =	sld [smem:$0x3F95]  }
0x1a: {  	s8 =	sadd.s32 $0xFFFFE003, lr  }
0x1b: {  	s9 =	sadd.s32 $0xFFFFFEF7, lr;
	s5 =	simm.s32 $0xFFFFFFFF;
	p2 =	slt.u32 s8, $0xFFFFF086  }
0x1c: {  	p1 =	slt.u32 s9, $0xF7A;
	s5 =	simm.s32 @!p2 $0x0  }
0x1d: {  	s5 =	simm.s32 @p1 $0x1;
	p0 =	seq.s32 s7, s2  }
0x1e: {  	s7 =	smul.u32 @!p0 $0xF7A, s2;
	p2 =	seq.s32 @!p0 s5, $0x0  }
0x1f: {  	s9 =	smul.u32 $0xF7A, s1;
	s8 =	simm.s32 @!p0 $0x1BF5;
	p2 =	por !p2, p0  }
0x20: {  	[sflag:s8] =	ssyncset.s32 @!p0 $0xFFFFF086;
	s6 =	sadd.s32 @!p0 s3, s7;
	s7 =	simm.s32 @!p0 $0x108  }
0x21: {  	s3 =	sadd.s32 s3, s9;
	s6 =	sadd.s32 @!p0 $0x88, s6;
	s7 =	simm.s32 @p2 $0x1082  }
0x22: {  	[simem:s7], [sflag:s8] =	dma.local @!p0 [hbm:s6], $0xF7A  }
0x23: {  	s9 =	sor.u32 $0xD0000000, s2;
	s6 =	simm.s32 $0x108;
	_ =	swait.ge @!p0 [sflag:s8], $0x0  }
0x24: {  	s3 =	sadd.s32 $0x88, s3;
	s6 =	simm.s32 @!p1 $0x1082;
	[sflag:s4] =	ssyncset.s32 $0xFFFFF086  }
0x25: {  	[simem:s6], [sflag:s4] =	dma.local [hbm:s3], $0xF7A  }
0x26: {  	[smem:$0x3F95] =	sst s1;
	(tag) =	ssettag s2;
	_ =	strace s9  }
0x27: {  	s1 =	sld [smem:$0x3FA5]  }
0x28: {  	s2 =	sld [smem:$0x3FA6]  }
0x29: {  	s4 =	sld [smem:$0x3FA8]  }
0x2a: {  	p0 =	seq.s32 s5, $0x0;
	s5 =	sld [smem:$0x3FA9]  }
0x2b: {  	s6 =	sld [smem:$0x3FAA]  }
0x2c: {  	s7 =	sld [smem:$0x3FAB]  }
0x2d: {  	s3 =	simm.s32 $0x108;
	s8 =	sld [smem:$0x3FAC]  }
0x2e: {  	s3 =	simm.s32 @!p0 $0x1082;
	s9 =	sld [smem:$0x3FAD]  }
0x2f: {  	lr =	sadd.s32 s0, s3;
	s0 =	sld [smem:$0x3FA4]  }
0x30: {  	s3 =	sld [smem:$0x3FA7]  }
0x31: {  	[smem:$0x3FB0] =	sst s10  }
0x32: {  	s10 =	sld [smem:$0x3FAE];
	_ =	sdelay $0x3  }
0x33: {  	p0 =	seq.s32 s10, $0x1;
	s10 =	sld [smem:$0x3FB0];
	_ =	sdelay $0x3  }
0x34: {  	[smem:$0x3FB0] =	sst s10  }
0x35: {  	s10 =	sld [smem:$0x3FAF];
	_ =	sdelay $0x3  }
0x36: {  	p1 =	seq.s32 s10, $0x1;
	s10 =	sld [smem:$0x3FB0];
	_ =	sdelay $0x3  }
0x37: {  	[smem:$0x3FB0] =	sst s10  }
0x38: {  	s10 =	sld [smem:$0x3FB1]  }
0x39: {  	_ = 	snop;
	(pc) =	sbr.ind lr, $3  }
0x3a: {  	_ = 	snop  }
0x3b: {  	_ = 	snop  }
0x3c: {  	p2 =	seq.s32 s10, $0x1;
	s10 =	sld [smem:$0x3FB0]  }
0x3d: {  	_ =	shalt  }
0x3e: {  	_ =	shalt  }
0x3f: {  	_ =	shalt  }
0x40: {  	_ =	shalt  }
0x41: {  	_ =	shalt  }
0x42: {  	_ =	shalt  }
0x43: {  	_ =	shalt  }
0x44: {  	_ =	shalt  }
0x45: {  	_ =	shalt  }
0x46: {  	_ =	shalt  }
0x47: {  	_ =	shalt  }
0x48: {  	_ =	shalt  }
0x49: {  	_ =	shalt  }
0x4a: {  	_ =	shalt  }
0x4b: {  	_ =	shalt  }
0x4c: {  	_ =	shalt  }
0x4d: {  	_ =	shalt  }
0x4e: {  	_ =	shalt  }
0x4f: {  	_ =	shalt  }
0x50: {  	_ =	shalt  }
0x51: {  	_ =	shalt  }
0x52: {  	_ =	shalt  }
0x53: {  	_ =	shalt  }
0x54: {  	_ =	shalt  }
0x55: {  	_ =	shalt  }
0x56: {  	_ =	shalt  }
0x57: {  	_ =	shalt  }
0x58: {  	_ =	shalt  }
0x59: {  	_ =	shalt  }
0x5a: {  	_ =	shalt  }
0x5b: {  	_ =	shalt  }
0x5c: {  	_ =	shalt  }
0x5d: {  	_ =	shalt  }
0x5e: {  	_ =	shalt  }
0x5f: {  	_ =	shalt  }
0x60: {  	_ =	shalt  }
0x61: {  	_ =	shalt  }
0x62: {  	_ =	shalt  }
0x63: {  	_ =	shalt  }
0x64: {  	_ =	shalt  }
0x65: {  	_ =	shalt  }
0x66: {  	_ =	shalt  }
0x67: {  	_ =	shalt  }
0x68: {  	_ =	shalt  }
0x69: {  	_ =	shalt  }
0x6a: {  	_ =	shalt  }
0x6b: {  	_ =	shalt  }
0x6c: {  	_ =	shalt  }
0x6d: {  	_ =	shalt  }
0x6e: {  	_ =	shalt  }
0x6f: {  	_ =	shalt  }
0x70: {  	_ =	shalt  }
0x71: {  	_ =	shalt  }
0x72: {  	_ =	shalt  }
0x73: {  	_ =	shalt  }
0x74: {  	_ =	shalt  }
0x75: {  	_ =	shalt  }
0x76: {  	_ =	shalt  }
0x77: {  	_ =	shalt  }
0x78: {  	_ =	shalt  }
0x79: {  	_ =	shalt  }
0x7a: {  	_ =	shalt  }
0x7b: {  	_ =	shalt  }
0x7c: {  	_ =	shalt  }
0x7d: {  	_ =	shalt  }
0x7e: {  	_ =	shalt  }
0x7f: {  	_ =	shalt  }
0x80: {  	_ =	shalt  }
0x81: {  	_ =	shalt  }
0x82: {  	_ =	shalt  }
0x83: {  	_ =	shalt  }
0x84: {  	_ =	shalt  }
0x85: {  	_ =	shalt  }
0x86: {  	_ =	shalt  }
0x87: {  	_ =	shalt  }
.Lfunc_end0:
.L_simem_size_0:
called_computation.1_lowered:
.L_overlay_start_0:
0x88: {  	s2 =	sld [smem:$0x3FD9]  }
0x89: {  	s3 =	sld [smem:$0x3FFE];
	_ =	sdelay $0x1  }
0x8a: {  	s1 =	srdreg.scid  }
0x8b: {  	s0 =	sand.u32 $0x1, s1  }
0x8c: {  	s16 =	sshll.u32 s0, $0xA;
	s2 =	sadd.s32 s3, s2  }
0x8d: {  	s2 =	sadd.s32 s2, s16  }
0x8e: {  	[smem:$0x3FBC] =	sst s2  }
0x8f: {  	_ = 	snop  }
0x90: {  	(tm) =	ssettm $0x1  }
0x91: {  	s17 =	sld [smem:$0x3FFB];
	_ =	sdelay $0x3  }
0x92: {  	_ =	strace s17  }
0x93: {  	s2 =	sld [smem:$0x3FFC];
	_ =	sdelay $0x3  }
0x94: {  	_ =	strace s2  }
0x95: {  	s2 =	sld [smem:$0x3FFD];
	_ =	sdelay $0x3  }
0x96: {  	_ =	strace s2  }
0x97: {  	_ =	strace $0x8FFFFFFF  }
0x98: {  	s18 =	sld [smem:$0x3FDB];
	_ =	sdelay $0x1  }
0x99: {  	s19 =	simm.s32 $_scs_section_size  }
0x9a: {  	s4 =	simm.s32 $_size__tile_overlayer_lowered;
	s5 =	simm.s32 $_tile_overlayer_lowered  }
0x9b: {  	s22 =	simm.s32 $0x1BFF;
	s21 =	sshll.u32 s5, $0x1;
	s2 =	sadd.s32 s19, s18  }
0x9c: {  	s6 =	simm.s32 $0x0;
	s20 =	sshll.u32 s4, $0x1;
	s4 =	sadd.s32 s21, s2  }
0x9d: {  	[timem:s6], [sflag:s22] =	dma.local [hbm:s4], s20  }
0x9e: {  	_ =	swait.ge [sflag:s22], s20  }
0x9f: {  	s3 =	ssub.s32 $0x0, s20;
	[sflag:s22] =	ssyncset.done $0x0  }
0xa0: {  	[sflag:s22] =	ssyncadd.s32 s3;
	_ =	sdelay $0x1  }
0xa1: {  	s23 =	simm.s32 $0x1B8B  }
0xa2: {  	_ =	swait.ge [sflag:s23], $0x1  }
0xa3: {  	[sflag:s23] =	ssyncset.done $0x0  }
0xa4: {  	s25 =	simm.s32 $0x1B8E;
	s24 =	sld [smem:$0x3FFE];
	[sflag:s23] =	ssyncadd.s32 $0xFFFFFFFF  }
0xa5: {  	s26 =	simm.s32 $execute0_lowered;
	[smem:$0x3FD2] =	sst s25  }
0xa6: {  	s4 =	sshll.u32 s26, $0x1;
	_ =	strace $0x80000049;
	[dreg:$0x1] =	wrdreg $0xFFFFFFFF  }
0xa7: {  	s28 =	simm.s32 $_size_execute0_lowered;
	s2 =	sadd.s32 s2, s4;
	[dreg:$0x0] =	wrdreg $0x0  }
0xa8: {  	s4 =	sshll.u32 s28, $0x1;
	[dreg:$0x2] =	wrdreg s2  }
0xa9: {  	[dreg:$0x3] =	wrdreg s4  }
0xaa: {  	[dreg:$0x4] =	wrdreg $0xC0  }
0xab: {  	_ =	task [dreg:s6], $0x5FFFF  }
0xac: {  	[dreg:$0x1] =	wrdreg $0xFFFFFFFF  }
0xad: {  	[dreg:$0x0] =	wrdreg $0x60  }
0xae: {  	[dreg:$0x2] =	wrdreg s24  }
0xaf: {  	[dreg:$0x3] =	wrdreg $0xE0000  }
0xb0: {  	[dreg:$0x4] =	wrdreg $0x9  }
0xb1: {  	_ =	task.clear_ibuf [dreg:s6], $0x5FFFF;
	_ =	strace $0x90000049  }
0xb2: {  	s29 =	simm.s32 $0x9;
	_ =	strace $0x8000004B  }
0xb3: {  	_ =	swait.ge [sflag:s29], $0x1  }
0xb4: {  	[sflag:s29] =	ssyncadd.s32 $0xFFFFFFFF  }
0xb5: {  	_ =	strace $0x9000004B  }
0xb6: {  	_ =	sfence  }
0xb7: {  	s30 =	sld [smem:$0x0];
	_ =	sdelay $0x2  }
0xb8: {  	s31 =	sshll.u32 s1, $0xD;
	s1 =	sshrl.u32 s1, $0x2  }
0xb9: {  	s3 =	sand.u32 $0x4000, s31;
	s1 =	sadd.s32 s1, s30  }
0xba: {  	s0 =	sor.u32 s3, s0;
	s1 =	sshll.u32 s1, $0x11  }
0xbb: {  	s0 =	sor.u32 s1, s0  }
0xbc: {  	s0 =	sadd.s32 $0x8F2B, s0  }
0xbd: {  	[sflag:s0] =	ssyncadd.remote.s32 $0x1  }
0xbe: {  	_ =	sfence.sel $0xFFFF  }
0xbf: {  	[dreg:$0x0] =	wrdreg $0xFFFFFFFF;
	(pc) =	sbr.abs _section_cstart, $3  }
0xc0: {  	[dreg:$0x1] =	wrdreg $0xFFFFFFFF  }
0xc1: {  	_ =	task.clear_ibuf [dreg:s6], $0x2FFFF;
	_ =	strace $0x9FFFFFFF  }
0xc2: {  	(tm) =	ssettm $0x7FFFFFFF  }
0xc3: {  	_ =	shalt  }
tec
execute0_lowered:
.L_overlay_start_1:
0x0: {  	(tag) =	ssettag $0x1  }
0x1: {  	s6 =	rddreg [dreg:$0x0]  }
0x2: {  	s0 =	srdreg.scid;
	s2 =	rddreg [dreg:$0x1]  }
0x3: {  	s3 =	simm.s32 $0x0;
	s18 =	simm.s32 $0xA000;
	s19 =	simm.s32 $0x3  }
0x4: {  	s20 =	simm.s32 $0x5000;
	s21 =	simm.s32 $0x80;
	s22 =	simm.s32 $0xC000  }
0x5: {  	s23 =	simm.s32 $0x1;
	s5 =	sand.u32 $0x1, s0;
	s0 =	stileid.u32  }
0x6: {  	s24 =	simm.s32 $0x2;
	s25 =	simm.s32 $0x0;
	s8 =	smul.u32 $0x280, s0  }
0x7: {  	[smem:$0x7FF] =	sst s3;
	s1 =	sshll.u32 s5, $0x4;
	s9 =	smul.u32 $0x2800, s5  }
0x8: {  	s10 =	smul.u32 $0x28000, s0;
	s29 =	ssub.s32 $0x2, s5;
	s1 =	sor.u32 s0, s1  }
0x9: {  	s4 =	sadd.s32 $0x5E000, s6;
	s31 =	sshrl.u32 s29, $0x1;
	s7 =	smul.u32 $0xA00, s1  }
0xa: {  	s1 =	rddreg [dreg:$0x2];
	_ =	strace $0x8000004A;
	s30 =	sshrl.u32 s10, $0x2  }
0xb: {  	s28 =	sadd.s32 s8, s9;
	s17 =	ssub.s32 s29, s31;
	s5 =	sadd.s32 s30, s2  }
0xc: {  	s17 =	smax.u32 s17, $0x1;
	s11 =	sadd.s32 s7, s6;
	s7 =	sshll.u32 s28, $0x3  }
0xd: {  	s8 =	sadd.s32 $0x6000, s5;
	s9 =	sadd.s32 $0x8000, s5;
	s16 =	sadd.s32 s7, s6  }
0xe: {  	s6 =	sadd.s32 $0x2000, s5;
	s7 =	sadd.s32 $0x4000, s5;
	s10 =	sadd.s32 $0x22000, s11  }
0xf: {  	s11 =	sadd.s32 $0xE000, s11;
	s12 =	sadd.s32 $0x86000, s16;
	s13 =	sadd.s32 $0x86400, s16  }
0x10: {  	v0 =	vimm.f32 $0.0e+00;
	s14 =	sadd.s32 $0x86800, s16;
	s15 =	sadd.s32 $0x86C00, s16;
	s16 =	sadd.s32 $0x87000, s16  }
.LBB2_1:
0x11: {  	s28 =	simm.s32 $0x100;
	s26 =	simm.s32 $0x0  }
.LBB2_2:
0x12: {  	p0 =	sne.s32 s28, $0x7F00;
	[tilespmem:s26+$0xA030] =	vst v0;
	s29 =	smov.u32 s28;
	s28 =	sadd.s32 $0x100, s28  }
.Ltmp0:
0x13: {  	[tilespmem:s26+$0xA020] =	vst v0;
	(pc) =	sbr.rel @p0 .LBB2_2-.Ltmp0, $3  }
0x14: {  	[tilespmem:s26+$0xA000] =	vst v0  }
0x15: {  	[tilespmem:s26+$0xA010] =	vst v0;
	_ =	sdelay $0x1  }
0x16: {  	s26 =	sshra.s32 s29, $0x2  }
0x17: {  	[tilespmem:s26+$0xA030] =	vst v0  }
0x18: {  	[tilespmem:s26+$0xA020] =	vst v0  }
0x19: {  	[tilespmem:s26+$0xA000] =	vst v0  }
0x1a: {  	[tilespmem:s26+$0xA010] =	vst v0  }
0x1b: {  	[spmem:s5] =	stream.linear.scatter [tilespmem:s18], [sflag:$0x3], $0x2000, $0x38;
	[tilespmem:$0x18000] =	vst v63  }
0x1c: {  	_ =	swait.ge [sflag:s19], $0x2000  }
0x1d: {  	[sflag:s19] =	ssyncset.done $0x0  }
0x1e: {  	[sflag:s19] =	ssyncadd.s32 $0xFFFFE000  }
0x1f: {  	[spmem:s6] =	stream.linear.scatter [tilespmem:s18], [sflag:$0x3], $0x2000, $0x38;
	[tilespmem:$0x18000] =	vst v63  }
0x20: {  	_ =	swait.ge [sflag:s19], $0x2000  }
0x21: {  	[sflag:s19] =	ssyncset.done $0x0  }
0x22: {  	[sflag:s19] =	ssyncadd.s32 $0xFFFFE000  }
0x23: {  	[spmem:s7] =	stream.linear.scatter [tilespmem:s18], [sflag:$0x3], $0x2000, $0x38;
	[tilespmem:$0x18000] =	vst v63  }
0x24: {  	_ =	swait.ge [sflag:s19], $0x2000  }
0x25: {  	[sflag:s19] =	ssyncset.done $0x0  }
0x26: {  	[sflag:s19] =	ssyncadd.s32 $0xFFFFE000  }
0x27: {  	[spmem:s8] =	stream.linear.scatter [tilespmem:s18], [sflag:$0x3], $0x2000, $0x38;
	[tilespmem:$0x18000] =	vst v63  }
0x28: {  	_ =	swait.ge [sflag:s19], $0x2000  }
0x29: {  	[sflag:s19] =	ssyncset.done $0x0  }
0x2a: {  	[sflag:s19] =	ssyncadd.s32 $0xFFFFE000  }
0x2b: {  	[spmem:s9] =	stream.linear.scatter [tilespmem:s18], [sflag:$0x3], $0x2000, $0x38;
	[tilespmem:$0x18000] =	vst v63  }
0x2c: {  	_ =	swait.ge [sflag:s19], $0x2000  }
0x2d: {  	[sflag:s19] =	ssyncset.done $0x0  }
0x2e: {  	[sflag:s19] =	ssyncadd.s32 $0xFFFFE000  }
0x2f: {  	s31 =	simm.s32 $0x0;
	[bflag:$0x0] =	sbarrier.arrive $0xFFFF  }
0x30: {  	[tilespmem:s31], [sflag:$0x3] =	stream.linear.gather [hbm4b:s10+s31], $0x5000, $0x38;
	[tilespmem:$0x18000] =	vst v63  }
0x31: {  	_ =	swait.ge [sflag:s19], $0x5000  }
0x32: {  	[sflag:s19] =	ssyncset.done $0x0  }
0x33: {  	[sflag:s19] =	ssyncadd.s32 $0xFFFFB000  }
0x34: {  	[tilespmem:s20], [sflag:$0x3] =	stream.linear.gather [hbm4b:s11+s31], $0x5000, $0x38;
	[tilespmem:$0x18000] =	vst v63  }
0x35: {  	_ =	swait.ge [sflag:s19], $0x5000  }
0x36: {  	[sflag:s19] =	ssyncset.done $0x0  }
0x37: {  	[sflag:s19] =	ssyncadd.s32 $0xFFFFB000  }
0x38: {  	[tilespmem:s18], [sflag:$0x1] =	stream.indirect.gather [hbm4b:s4+s21], $0x40, s31, s21, $0xb8;
	[tilespmem:$0x18000] =	vst v63  }
0x39: {  	_ = 	snop  }
0x3a: {  	[tilespmem:s22], [sflag:$0x2] =	stream.indirect.gather [hbm4b:s4+s21], $0x40, s21, s21, $0xb8;
	[tilespmem:$0x18000] =	vst v63  }
0x3b: {  	_ =	swait.ge [sflag:s23], $0x2000  }
0x3c: {  	[sflag:s23] =	ssyncset.done $0x0  }
0x3d: {  	s29 =	simm.s32 $0x5000;
	[sflag:s23] =	ssyncadd.s32 $0xFFFFE000  }
0x3e: {  	[spmem:s2] =	stream.indirect.scatter.add.f32 [tilespmem:s18], [sflag:$0x3], $0x40, s29, s21, $0xb8;
	[tilespmem:$0x18000] =	vst v63  }
0x3f: {  	_ =	swait.ge [sflag:s19], $0x2000  }
0x40: {  	[sflag:s19] =	ssyncset.done $0x0  }
0x41: {  	s30 =	simm.s32 $0x100;
	[sflag:s19] =	ssyncadd.s32 $0xFFFFE000  }
0x42: {  	[tilespmem:s18], [sflag:$0x1] =	stream.indirect.gather [hbm4b:s4+s21], $0x40, s30, s21, $0xb8;
	[tilespmem:$0x18000] =	vst v63  }
0x43: {  	_ =	swait.ge [sflag:s24], $0x2000  }
0x44: {  	[sflag:s24] =	ssyncset.done $0x0  }
0x45: {  	s31 =	simm.s32 $0x5080;
	[sflag:s24] =	ssyncadd.s32 $0xFFFFE000  }
0x46: {  	[spmem:s2] =	stream.indirect.scatter.add.f32 [tilespmem:s22], [sflag:$0x3], $0x40, s31, s21, $0xb8;
	[tilespmem:$0x18000] =	vst v63  }
0x47: {  	_ =	swait.ge [sflag:s19], $0x2000  }
0x48: {  	[sflag:s19] =	ssyncset.done $0x0  }
0x49: {  	s26 =	simm.s32 $0x400;
	s28 =	simm.s32 $0x180;
	[sflag:s19] =	ssyncadd.s32 $0xFFFFE000  }
.LBB2_4:
0x4a: {  	[tilespmem:s22], [sflag:$0x2] =	stream.indirect.gather [hbm4b:s4+s21], $0x40, s28, s21, $0xb8;
	[tilespmem:$0x18000] =	vst v63  }
0x4b: {  	s28 =	smov.u32 s26  }
0x4c: {  	p0 =	sne.s32 s26, $0x13800;
	s26 =	sadd.s32 $0x400, s26;
	_ =	swait.ge [sflag:s23], $0x2000  }
0x4d: {  	s28 =	sshra.s32 s28, $0x2;
	[sflag:s23] =	ssyncset.done $0x0  }
0x4e: {  	s29 =	sadd.s32 $0x5000, s28;
	[sflag:s23] =	ssyncadd.s32 $0xFFFFE000  }
0x4f: {  	[spmem:s2] =	stream.indirect.scatter.add.f32 [tilespmem:s18], [sflag:$0x3], $0x40, s29, s21, $0xb8;
	[tilespmem:$0x18000] =	vst v63  }
0x50: {  	_ =	swait.ge [sflag:s19], $0x2000  }
0x51: {  	[sflag:s19] =	ssyncset.done $0x0  }
0x52: {  	s29 =	sadd.s32 $0x100, s28;
	[sflag:s19] =	ssyncadd.s32 $0xFFFFE000  }
0x53: {  	[tilespmem:s18], [sflag:$0x1] =	stream.indirect.gather [hbm4b:s4+s21], $0x40, s29, s21, $0xb8;
	[tilespmem:$0x18000] =	vst v63  }
0x54: {  	_ =	swait.ge [sflag:s24], $0x2000  }
0x55: {  	[sflag:s24] =	ssyncset.done $0x0  }
.Ltmp1:
0x56: {  	s29 =	sadd.s32 $0x5080, s28;
	[sflag:s24] =	ssyncadd.s32 $0xFFFFE000;
	(pc) =	sbr.rel @p0 .LBB2_4-.Ltmp1, $4  }
0x57: {  	[spmem:s2] =	stream.indirect.scatter.add.f32 [tilespmem:s22], [sflag:$0x3], $0x40, s29, s21, $0xb8;
	[tilespmem:$0x18000] =	vst v63  }
0x58: {  	_ =	swait.ge [sflag:s19], $0x2000  }
0x59: {  	[sflag:s19] =	ssyncset.done $0x0  }
0x5a: {  	s28 =	sadd.s32 $0x180, s28;
	[sflag:s19] =	ssyncadd.s32 $0xFFFFE000  }
0x5b: {  	[tilespmem:s22], [sflag:$0x2] =	stream.indirect.gather [hbm4b:s4+s21], $0x40, s28, s21, $0xb8;
	[tilespmem:$0x18000] =	vst v63  }
0x5c: {  	_ =	swait.ge [sflag:s23], $0x2000  }
0x5d: {  	[sflag:s23] =	ssyncset.done $0x0  }
0x5e: {  	[sflag:s23] =	ssyncadd.s32 $0xFFFFE000  }
0x5f: {  	_ =	swait.ge [sflag:s24], $0x2000  }
0x60: {  	[sflag:s24] =	ssyncset.done $0x0  }
0x61: {  	[sflag:s24] =	ssyncadd.s32 $0xFFFFE000  }
0x62: {  	[bflag:$0x0] =	sbarrier.arrive $0xFFFF  }
0x63: {  	[tilespmem:s18], [sflag:$0x3] =	stream.linear.gather [spmem:s5], $0x2000, $0x38;
	[tilespmem:$0x18000] =	vst v63  }
0x64: {  	_ =	swait.ge [sflag:s19], $0x2000  }
0x65: {  	[sflag:s19] =	ssyncset.done $0x0  }
0x66: {  	[sflag:s19] =	ssyncadd.s32 $0xFFFFE000  }
0x67: {  	[hbm4b:s12+s3] =	stream.linear.scatter [tilespmem:s18], [sflag:$0x3], $0x2000, $0x38;
	[tilespmem:$0x18000] =	vst v63  }
0x68: {  	_ =	swait.ge [sflag:s19], $0x2000  }
0x69: {  	[sflag:s19] =	ssyncset.done $0x0  }
0x6a: {  	[sflag:s19] =	ssyncadd.s32 $0xFFFFE000  }
0x6b: {  	[tilespmem:s18], [sflag:$0x3] =	stream.linear.gather [spmem:s6], $0x2000, $0x38;
	[tilespmem:$0x18000] =	vst v63  }
0x6c: {  	_ =	swait.ge [sflag:s19], $0x2000  }
0x6d: {  	[sflag:s19] =	ssyncset.done $0x0  }
0x6e: {  	[sflag:s19] =	ssyncadd.s32 $0xFFFFE000  }
0x6f: {  	[hbm4b:s13+s3] =	stream.linear.scatter [tilespmem:s18], [sflag:$0x3], $0x2000, $0x38;
	[tilespmem:$0x18000] =	vst v63  }
0x70: {  	_ =	swait.ge [sflag:s19], $0x2000  }
0x71: {  	[sflag:s19] =	ssyncset.done $0x0  }
0x72: {  	[sflag:s19] =	ssyncadd.s32 $0xFFFFE000  }
0x73: {  	[tilespmem:s18], [sflag:$0x3] =	stream.linear.gather [spmem:s7], $0x2000, $0x38;
	[tilespmem:$0x18000] =	vst v63  }
0x74: {  	_ =	swait.ge [sflag:s19], $0x2000  }
0x75: {  	[sflag:s19] =	ssyncset.done $0x0  }
0x76: {  	[sflag:s19] =	ssyncadd.s32 $0xFFFFE000  }
0x77: {  	[hbm4b:s14+s3] =	stream.linear.scatter [tilespmem:s18], [sflag:$0x3], $0x2000, $0x38;
	[tilespmem:$0x18000] =	vst v63  }
0x78: {  	_ =	swait.ge [sflag:s19], $0x2000  }
0x79: {  	[sflag:s19] =	ssyncset.done $0x0  }
0x7a: {  	[sflag:s19] =	ssyncadd.s32 $0xFFFFE000  }
0x7b: {  	[tilespmem:s18], [sflag:$0x3] =	stream.linear.gather [spmem:s8], $0x2000, $0x38;
	[tilespmem:$0x18000] =	vst v63  }
0x7c: {  	_ =	swait.ge [sflag:s19], $0x2000  }
0x7d: {  	[sflag:s19] =	ssyncset.done $0x0  }
0x7e: {  	[sflag:s19] =	ssyncadd.s32 $0xFFFFE000  }
0x7f: {  	[hbm4b:s15+s3] =	stream.linear.scatter [tilespmem:s18], [sflag:$0x3], $0x2000, $0x38;
	[tilespmem:$0x18000] =	vst v63  }
0x80: {  	_ =	swait.ge [sflag:s19], $0x2000  }
0x81: {  	[sflag:s19] =	ssyncset.done $0x0  }
0x82: {  	[sflag:s19] =	ssyncadd.s32 $0xFFFFE000  }
0x83: {  	[tilespmem:s18], [sflag:$0x3] =	stream.linear.gather [spmem:s9], $0x2000, $0x38;
	[tilespmem:$0x18000] =	vst v63  }
0x84: {  	s25 =	sadd.s32 $0x1, s25;
	_ =	swait.ge [sflag:s19], $0x2000  }
0x85: {  	p0 =	sne.s32 s25, s17;
	[sflag:s19] =	ssyncset.done $0x0  }
.Ltmp2:
0x86: {  	[sflag:s19] =	ssyncadd.s32 $0xFFFFE000;
	(pc) =	sbr.rel @p0 .LBB2_1-.Ltmp2, $4  }
0x87: {  	[hbm4b:s16+s3] =	stream.linear.scatter [tilespmem:s18], [sflag:$0x3], $0x2000, $0x38;
	[tilespmem:$0x18000] =	vst v63  }
0x88: {  	_ =	swait.ge [sflag:s19], $0x2000  }
0x89: {  	[sflag:s19] =	ssyncset.done $0x0  }
0x8a: {  	[sflag:s19] =	ssyncadd.s32 $0xFFFFE000  }
0x8b: {  	_ =	sfence.sel $0x180000  }
0x8c: {  	[bflag:$0x0] =	sbarrier.arrive $0xFFFF  }
0x8d: {  	p0 =	sne.s32 s0, $0x0;
	_ =	strace $0x9000004A  }
0x8e: {  	s0 =	sadd.s32 @!p0 $0x100000, s1;
	[bflag:$0x2] =	sbarrier.arrive $0xFFFF  }
0x8f: {  	[sflag:s0] =	ssyncadd.tile.s32 @!p0 $0x1;
	_ =	shalt  }
.Lfunc_end2:
_tile_overlayer_lowered:
.L_overlay_start_2:
0x90: {  	(tag) =	ssettag $0x2  }
0x91: {  	s0 =	rddreg [dreg:$0x0];
	s2 =	stileid.u32  }
0x92: {  	s1 =	rddreg [dreg:$0x1];
	p0 =	sne.s32 s2, $0x0  }
0x93: {  	s3 =	rddreg [dreg:$0x2];
	[bflag:$0x3] =	sbarrier.arrive $0xFFFF;
	s2 =	simm.s32 @!p0 $0x1C03  }
0x94: {  	[timem:s3], [sflag:s2] =	dma.local @!p0 [hbm:s0], s1  }
0x95: {  	s0 =	simm.s32 @!p0 $0x3  }
0x96: {  	_ =	swait.ge @!p0 [sflag:s0], s1  }
0x97: {  	s1 =	ssub.s32 @!p0 $0x0, s1;
	[sflag:s0] =	ssyncset.done @!p0 $0x0  }
0x98: {  	[sflag:s0] =	ssyncadd.s32 @!p0 s1  }
0x99: {  	[bflag:$0x3] =	sbarrier.arrive $0xFFFF  }
0x9a: {  	_ =	shalt  }

// kernel: kernel.16.cloned.1.call-start
scs
__scs_entry_jumppad:
0x0: {  	(pc) =	sbr.rel $0x88, $3  }
0x1: {  	(tag) =	ssettag $0x0;
	lr =	simm.s32 $0x1  }
0x2: {  	[smem:$0x3F95] =	sst lr;
	_ =	strace $0xD0000000  }
0x3: {  	_ = 	snop  }
0x4: {  	_ = 	snop  }
0x5: {  	_ = 	snop  }
0x6: {  	_ = 	snop  }
0x7: {  	_ = 	snop  }
__scs_overlays_trampoline_lowered:
0x8: {  	[smem:$0x3FA4] =	sst s0  }
0x9: {  	[smem:$0x3FA5] =	sst s1  }
0xa: {  	[smem:$0x3FA6] =	sst s2  }
0xb: {  	[smem:$0x3FA7] =	sst s3  }
0xc: {  	[smem:$0x3FA8] =	sst s4  }
0xd: {  	[smem:$0x3FA9] =	sst s5  }
0xe: {  	[smem:$0x3FAA] =	sst s6  }
0xf: {  	[smem:$0x3FAB] =	sst s7  }
0x10: {  	[smem:$0x3FAC] =	sst s8  }
0x11: {  	[smem:$0x3FAD] =	sst s9;
	s0 =	simm.s32 @!p0 $0x0  }
0x12: {  	s1 =	sld [smem:$0x3F93];
	s0 =	simm.s32 @p0 $0x1  }
0x13: {  	[smem:$0x3FAE] =	sst s0;
	s0 =	simm.s32 @!p1 $0x0  }
0x14: {  	s2 =	sld [smem:$0x3F92];
	s0 =	simm.s32 @p1 $0x1  }
0x15: {  	[smem:$0x3FAF] =	sst s0;
	s0 =	simm.s32 @!p2 $0x0  }
0x16: {  	s3 =	sld [smem:$0x3FDB];
	s0 =	simm.s32 @p2 $0x1  }
0x17: {  	s4 =	simm.s32 $0x1BF5;
	[smem:$0x3FB1] =	sst s0  }
0x18: {  	s0 =	sld [smem:$0x3F94];
	_ =	swait.ge [sflag:s4], $0x0  }
0x19: {  	s7 =	sld [smem:$0x3F95]  }
0x1a: {  	s8 =	sadd.s32 $0xFFFFE003, lr  }
0x1b: {  	s9 =	sadd.s32 $0xFFFFFEF7, lr;
	s5 =	simm.s32 $0xFFFFFFFF;
	p2 =	slt.u32 s8, $0xFFFFF086  }
0x1c: {  	p1 =	slt.u32 s9, $0xF7A;
	s5 =	simm.s32 @!p2 $0x0  }
0x1d: {  	s5 =	simm.s32 @p1 $0x1;
	p0 =	seq.s32 s7, s2  }
0x1e: {  	s7 =	smul.u32 @!p0 $0xF7A, s2;
	p2 =	seq.s32 @!p0 s5, $0x0  }
0x1f: {  	s9 =	smul.u32 $0xF7A, s1;
	s8 =	simm.s32 @!p0 $0x1BF5;
	p2 =	por !p2, p0  }
0x20: {  	[sflag:s8] =	ssyncset.s32 @!p0 $0xFFFFF086;
	s6 =	sadd.s32 @!p0 s3, s7;
	s7 =	simm.s32 @!p0 $0x108  }
0x21: {  	s3 =	sadd.s32 s3, s9;
	s6 =	sadd.s32 @!p0 $0x88, s6;
	s7 =	simm.s32 @p2 $0x1082  }
0x22: {  	[simem:s7], [sflag:s8] =	dma.local @!p0 [hbm:s6], $0xF7A  }
0x23: {  	s9 =	sor.u32 $0xD0000000, s2;
	s6 =	simm.s32 $0x108;
	_ =	swait.ge @!p0 [sflag:s8], $0x0  }
0x24: {  	s3 =	sadd.s32 $0x88, s3;
	s6 =	simm.s32 @!p1 $0x1082;
	[sflag:s4] =	ssyncset.s32 $0xFFFFF086  }
0x25: {  	[simem:s6], [sflag:s4] =	dma.local [hbm:s3], $0xF7A  }
0x26: {  	[smem:$0x3F95] =	sst s1;
	(tag) =	ssettag s2;
	_ =	strace s9  }
0x27: {  	s1 =	sld [smem:$0x3FA5]  }
0x28: {  	s2 =	sld [smem:$0x3FA6]  }
0x29: {  	s4 =	sld [smem:$0x3FA8]  }
0x2a: {  	p0 =	seq.s32 s5, $0x0;
	s5 =	sld [smem:$0x3FA9]  }
0x2b: {  	s6 =	sld [smem:$0x3FAA]  }
0x2c: {  	s7 =	sld [smem:$0x3FAB]  }
0x2d: {  	s3 =	simm.s32 $0x108;
	s8 =	sld [smem:$0x3FAC]  }
0x2e: {  	s3 =	simm.s32 @!p0 $0x1082;
	s9 =	sld [smem:$0x3FAD]  }
0x2f: {  	lr =	sadd.s32 s0, s3;
	s0 =	sld [smem:$0x3FA4]  }
0x30: {  	s3 =	sld [smem:$0x3FA7]  }
0x31: {  	[smem:$0x3FB0] =	sst s10  }
0x32: {  	s10 =	sld [smem:$0x3FAE];
	_ =	sdelay $0x3  }
0x33: {  	p0 =	seq.s32 s10, $0x1;
	s10 =	sld [smem:$0x3FB0];
	_ =	sdelay $0x3  }
0x34: {  	[smem:$0x3FB0] =	sst s10  }
0x35: {  	s10 =	sld [smem:$0x3FAF];
	_ =	sdelay $0x3  }
0x36: {  	p1 =	seq.s32 s10, $0x1;
	s10 =	sld [smem:$0x3FB0];
	_ =	sdelay $0x3  }
0x37: {  	[smem:$0x3FB0] =	sst s10  }
0x38: {  	s10 =	sld [smem:$0x3FB1]  }
0x39: {  	_ = 	snop;
	(pc) =	sbr.ind lr, $3  }
0x3a: {  	_ = 	snop  }
0x3b: {  	_ = 	snop  }
0x3c: {  	p2 =	seq.s32 s10, $0x1;
	s10 =	sld [smem:$0x3FB0]  }
0x3d: {  	_ =	shalt  }
0x3e: {  	_ =	shalt  }
0x3f: {  	_ =	shalt  }
0x40: {  	_ =	shalt  }
0x41: {  	_ =	shalt  }
0x42: {  	_ =	shalt  }
0x43: {  	_ =	shalt  }
0x44: {  	_ =	shalt  }
0x45: {  	_ =	shalt  }
0x46: {  	_ =	shalt  }
0x47: {  	_ =	shalt  }
0x48: {  	_ =	shalt  }
0x49: {  	_ =	shalt  }
0x4a: {  	_ =	shalt  }
0x4b: {  	_ =	shalt  }
0x4c: {  	_ =	shalt  }
0x4d: {  	_ =	shalt  }
0x4e: {  	_ =	shalt  }
0x4f: {  	_ =	shalt  }
0x50: {  	_ =	shalt  }
0x51: {  	_ =	shalt  }
0x52: {  	_ =	shalt  }
0x53: {  	_ =	shalt  }
0x54: {  	_ =	shalt  }
0x55: {  	_ =	shalt  }
0x56: {  	_ =	shalt  }
0x57: {  	_ =	shalt  }
0x58: {  	_ =	shalt  }
0x59: {  	_ =	shalt  }
0x5a: {  	_ =	shalt  }
0x5b: {  	_ =	shalt  }
0x5c: {  	_ =	shalt  }
0x5d: {  	_ =	shalt  }
0x5e: {  	_ =	shalt  }
0x5f: {  	_ =	shalt  }
0x60: {  	_ =	shalt  }
0x61: {  	_ =	shalt  }
0x62: {  	_ =	shalt  }
0x63: {  	_ =	shalt  }
0x64: {  	_ =	shalt  }
0x65: {  	_ =	shalt  }
0x66: {  	_ =	shalt  }
0x67: {  	_ =	shalt  }
0x68: {  	_ =	shalt  }
0x69: {  	_ =	shalt  }
0x6a: {  	_ =	shalt  }
0x6b: {  	_ =	shalt  }
0x6c: {  	_ =	shalt  }
0x6d: {  	_ =	shalt  }
0x6e: {  	_ =	shalt  }
0x6f: {  	_ =	shalt  }
0x70: {  	_ =	shalt  }
0x71: {  	_ =	shalt  }
0x72: {  	_ =	shalt  }
0x73: {  	_ =	shalt  }
0x74: {  	_ =	shalt  }
0x75: {  	_ =	shalt  }
0x76: {  	_ =	shalt  }
0x77: {  	_ =	shalt  }
0x78: {  	_ =	shalt  }
0x79: {  	_ =	shalt  }
0x7a: {  	_ =	shalt  }
0x7b: {  	_ =	shalt  }
0x7c: {  	_ =	shalt  }
0x7d: {  	_ =	shalt  }
0x7e: {  	_ =	shalt  }
0x7f: {  	_ =	shalt  }
0x80: {  	_ =	shalt  }
0x81: {  	_ =	shalt  }
0x82: {  	_ =	shalt  }
0x83: {  	_ =	shalt  }
0x84: {  	_ =	shalt  }
0x85: {  	_ =	shalt  }
0x86: {  	_ =	shalt  }
0x87: {  	_ =	shalt  }
.Lfunc_end0:
.L_simem_size_0:
called_computation.2_lowered:
.L_overlay_start_0:
0x88: {  	s2 =	sld [smem:$0x3FD9]  }
0x89: {  	s3 =	sld [smem:$0x3FFE];
	_ =	sdelay $0x1  }
0x8a: {  	s1 =	srdreg.scid  }
0x8b: {  	s0 =	sand.u32 $0x1, s1  }
0x8c: {  	s16 =	sshll.u32 s0, $0xA;
	s2 =	sadd.s32 s3, s2  }
0x8d: {  	s2 =	sadd.s32 s2, s16  }
0x8e: {  	[smem:$0x3FBC] =	sst s2  }
0x8f: {  	_ = 	snop  }
0x90: {  	(tm) =	ssettm $0x1  }
0x91: {  	s17 =	sld [smem:$0x3FFB];
	_ =	sdelay $0x3  }
0x92: {  	_ =	strace s17  }
0x93: {  	s2 =	sld [smem:$0x3FFC];
	_ =	sdelay $0x3  }
0x94: {  	_ =	strace s2  }
0x95: {  	s2 =	sld [smem:$0x3FFD];
	_ =	sdelay $0x3  }
0x96: {  	_ =	strace s2  }
0x97: {  	_ =	strace $0x8FFFFFFF  }
0x98: {  	s18 =	sld [smem:$0x3FDB];
	_ =	sdelay $0x1  }
0x99: {  	s19 =	simm.s32 $_scs_section_size  }
0x9a: {  	s4 =	simm.s32 $_size__tile_overlayer_lowered;
	s5 =	simm.s32 $_tile_overlayer_lowered  }
0x9b: {  	s22 =	simm.s32 $0x1BFF;
	s21 =	sshll.u32 s5, $0x1;
	s2 =	sadd.s32 s19, s18  }
0x9c: {  	s6 =	simm.s32 $0x0;
	s20 =	sshll.u32 s4, $0x1;
	s4 =	sadd.s32 s21, s2  }
0x9d: {  	[timem:s6], [sflag:s22] =	dma.local [hbm:s4], s20  }
0x9e: {  	_ =	swait.ge [sflag:s22], s20  }
0x9f: {  	s3 =	ssub.s32 $0x0, s20;
	[sflag:s22] =	ssyncset.done $0x0  }
0xa0: {  	[sflag:s22] =	ssyncadd.s32 s3;
	_ =	sdelay $0x1  }
0xa1: {  	s23 =	simm.s32 $0x1B8B  }
0xa2: {  	_ =	swait.ge [sflag:s23], $0x1  }
0xa3: {  	[sflag:s23] =	ssyncset.done $0x0  }
0xa4: {  	s25 =	simm.s32 $0x1B8E;
	s24 =	sld [smem:$0x3FFE];
	[sflag:s23] =	ssyncadd.s32 $0xFFFFFFFF  }
0xa5: {  	s26 =	simm.s32 $execute0_lowered;
	[smem:$0x3FD2] =	sst s25  }
0xa6: {  	s4 =	sshll.u32 s26, $0x1;
	_ =	strace $0x8000004C;
	[dreg:$0x1] =	wrdreg $0xFFFFFFFF  }
0xa7: {  	s28 =	simm.s32 $_size_execute0_lowered;
	s2 =	sadd.s32 s2, s4;
	[dreg:$0x0] =	wrdreg $0x0  }
0xa8: {  	s4 =	sshll.u32 s28, $0x1;
	[dreg:$0x2] =	wrdreg s2  }
0xa9: {  	[dreg:$0x3] =	wrdreg s4  }
0xaa: {  	[dreg:$0x4] =	wrdreg $0xC0  }
0xab: {  	_ =	task [dreg:s6], $0x5FFFF  }
0xac: {  	[dreg:$0x1] =	wrdreg $0xFFFFFFFF  }
0xad: {  	[dreg:$0x0] =	wrdreg $0x60  }
0xae: {  	[dreg:$0x2] =	wrdreg s24  }
0xaf: {  	[dreg:$0x3] =	wrdreg $0xE0000  }
0xb0: {  	[dreg:$0x4] =	wrdreg $0x9  }
0xb1: {  	_ =	task.clear_ibuf [dreg:s6], $0x5FFFF;
	_ =	strace $0x9000004C  }
0xb2: {  	s29 =	simm.s32 $0x9;
	_ =	strace $0x8000004E  }
0xb3: {  	_ =	swait.ge [sflag:s29], $0x1  }
0xb4: {  	[sflag:s29] =	ssyncadd.s32 $0xFFFFFFFF  }
0xb5: {  	_ =	strace $0x9000004E  }
0xb6: {  	_ =	sfence  }
0xb7: {  	s30 =	sld [smem:$0x0];
	_ =	sdelay $0x2  }
0xb8: {  	s31 =	sshll.u32 s1, $0xD;
	s1 =	sshrl.u32 s1, $0x2  }
0xb9: {  	s3 =	sand.u32 $0x4000, s31;
	s1 =	sadd.s32 s1, s30  }
0xba: {  	s0 =	sor.u32 s3, s0;
	s1 =	sshll.u32 s1, $0x11  }
0xbb: {  	s0 =	sor.u32 s1, s0  }
0xbc: {  	s0 =	sadd.s32 $0x8F2B, s0  }
0xbd: {  	[sflag:s0] =	ssyncadd.remote.s32 $0x1  }
0xbe: {  	_ =	sfence.sel $0xFFFF  }
0xbf: {  	[dreg:$0x0] =	wrdreg $0xFFFFFFFF;
	(pc) =	sbr.abs _section_cstart, $3  }
0xc0: {  	[dreg:$0x1] =	wrdreg $0xFFFFFFFF  }
0xc1: {  	_ =	task.clear_ibuf [dreg:s6], $0x2FFFF;
	_ =	strace $0x9FFFFFFF  }
0xc2: {  	(tm) =	ssettm $0x7FFFFFFF  }
0xc3: {  	_ =	shalt  }
tec
execute0_lowered:
.L_overlay_start_1:
0x0: {  	(tag) =	ssettag $0x1  }
0x1: {  	s6 =	rddreg [dreg:$0x0]  }
0x2: {  	s0 =	srdreg.scid;
	s2 =	rddreg [dreg:$0x1]  }
0x3: {  	s3 =	simm.s32 $0x0;
	s18 =	simm.s32 $0xA000;
	s19 =	simm.s32 $0x3  }
0x4: {  	s20 =	simm.s32 $0x5000;
	s21 =	simm.s32 $0x80;
	s22 =	simm.s32 $0xC000  }
0x5: {  	s23 =	simm.s32 $0x1;
	s5 =	sand.u32 $0x1, s0;
	s0 =	stileid.u32  }
0x6: {  	s24 =	simm.s32 $0x2;
	s25 =	simm.s32 $0x0;
	s8 =	smul.u32 $0x280, s0  }
0x7: {  	[smem:$0x7FF] =	sst s3;
	s1 =	sshll.u32 s5, $0x4;
	s9 =	smul.u32 $0x2800, s5  }
0x8: {  	s10 =	smul.u32 $0x28000, s0;
	s29 =	ssub.s32 $0x2, s5;
	s1 =	sor.u32 s0, s1  }
0x9: {  	s4 =	sadd.s32 $0xAE000, s6;
	s31 =	sshrl.u32 s29, $0x1;
	s7 =	smul.u32 $0xA00, s1  }
0xa: {  	s1 =	rddreg [dreg:$0x2];
	_ =	strace $0x8000004D;
	s30 =	sshrl.u32 s10, $0x2  }
0xb: {  	s28 =	sadd.s32 s8, s9;
	s17 =	ssub.s32 s29, s31;
	s5 =	sadd.s32 s30, s2  }
0xc: {  	s17 =	smax.u32 s17, $0x1;
	s11 =	sadd.s32 s7, s6;
	s7 =	sshll.u32 s28, $0x3  }
0xd: {  	s8 =	sadd.s32 $0x6000, s5;
	s9 =	sadd.s32 $0x8000, s5;
	s16 =	sadd.s32 s7, s6  }
0xe: {  	s6 =	sadd.s32 $0x2000, s5;
	s7 =	sadd.s32 $0x4000, s5;
	s10 =	sadd.s32 $0x22000, s11  }
0xf: {  	s11 =	sadd.s32 $0xE000, s11;
	s12 =	sadd.s32 $0xD6000, s16;
	s13 =	sadd.s32 $0xD6400, s16  }
0x10: {  	v0 =	vimm.f32 $0.0e+00;
	s14 =	sadd.s32 $0xD6800, s16;
	s15 =	sadd.s32 $0xD6C00, s16;
	s16 =	sadd.s32 $0xD7000, s16  }
.LBB2_1:
0x11: {  	s28 =	simm.s32 $0x100;
	s26 =	simm.s32 $0x0  }
.LBB2_2:
0x12: {  	p0 =	sne.s32 s28, $0x7F00;
	[tilespmem:s26+$0xA030] =	vst v0;
	s29 =	smov.u32 s28;
	s28 =	sadd.s32 $0x100, s28  }
.Ltmp0:
0x13: {  	[tilespmem:s26+$0xA020] =	vst v0;
	(pc) =	sbr.rel @p0 .LBB2_2-.Ltmp0, $3  }
0x14: {  	[tilespmem:s26+$0xA000] =	vst v0  }
0x15: {  	[tilespmem:s26+$0xA010] =	vst v0;
	_ =	sdelay $0x1  }
0x16: {  	s26 =	sshra.s32 s29, $0x2  }
0x17: {  	[tilespmem:s26+$0xA030] =	vst v0  }
0x18: {  	[tilespmem:s26+$0xA020] =	vst v0  }
0x19: {  	[tilespmem:s26+$0xA000] =	vst v0  }
0x1a: {  	[tilespmem:s26+$0xA010] =	vst v0  }
0x1b: {  	[spmem:s5] =	stream.linear.scatter [tilespmem:s18], [sflag:$0x3], $0x2000, $0x38;
	[tilespmem:$0x18000] =	vst v63  }
0x1c: {  	_ =	swait.ge [sflag:s19], $0x2000  }
0x1d: {  	[sflag:s19] =	ssyncset.done $0x0  }
0x1e: {  	[sflag:s19] =	ssyncadd.s32 $0xFFFFE000  }
0x1f: {  	[spmem:s6] =	stream.linear.scatter [tilespmem:s18], [sflag:$0x3], $0x2000, $0x38;
	[tilespmem:$0x18000] =	vst v63  }
0x20: {  	_ =	swait.ge [sflag:s19], $0x2000  }
0x21: {  	[sflag:s19] =	ssyncset.done $0x0  }
0x22: {  	[sflag:s19] =	ssyncadd.s32 $0xFFFFE000  }
0x23: {  	[spmem:s7] =	stream.linear.scatter [tilespmem:s18], [sflag:$0x3], $0x2000, $0x38;
	[tilespmem:$0x18000] =	vst v63  }
0x24: {  	_ =	swait.ge [sflag:s19], $0x2000  }
0x25: {  	[sflag:s19] =	ssyncset.done $0x0  }
0x26: {  	[sflag:s19] =	ssyncadd.s32 $0xFFFFE000  }
0x27: {  	[spmem:s8] =	stream.linear.scatter [tilespmem:s18], [sflag:$0x3], $0x2000, $0x38;
	[tilespmem:$0x18000] =	vst v63  }
0x28: {  	_ =	swait.ge [sflag:s19], $0x2000  }
0x29: {  	[sflag:s19] =	ssyncset.done $0x0  }
0x2a: {  	[sflag:s19] =	ssyncadd.s32 $0xFFFFE000  }
0x2b: {  	[spmem:s9] =	stream.linear.scatter [tilespmem:s18], [sflag:$0x3], $0x2000, $0x38;
	[tilespmem:$0x18000] =	vst v63  }
0x2c: {  	_ =	swait.ge [sflag:s19], $0x2000  }
0x2d: {  	[sflag:s19] =	ssyncset.done $0x0  }
0x2e: {  	[sflag:s19] =	ssyncadd.s32 $0xFFFFE000  }
0x2f: {  	s31 =	simm.s32 $0x0;
	[bflag:$0x0] =	sbarrier.arrive $0xFFFF  }
0x30: {  	[tilespmem:s31], [sflag:$0x3] =	stream.linear.gather [hbm4b:s10+s31], $0x5000, $0x38;
	[tilespmem:$0x18000] =	vst v63  }
0x31: {  	_ =	swait.ge [sflag:s19], $0x5000  }
0x32: {  	[sflag:s19] =	ssyncset.done $0x0  }
0x33: {  	[sflag:s19] =	ssyncadd.s32 $0xFFFFB000  }
0x34: {  	[tilespmem:s20], [sflag:$0x3] =	stream.linear.gather [hbm4b:s11+s31], $0x5000, $0x38;
	[tilespmem:$0x18000] =	vst v63  }
0x35: {  	_ =	swait.ge [sflag:s19], $0x5000  }
0x36: {  	[sflag:s19] =	ssyncset.done $0x0  }
0x37: {  	[sflag:s19] =	ssyncadd.s32 $0xFFFFB000  }
0x38: {  	[tilespmem:s18], [sflag:$0x1] =	stream.indirect.gather [hbm4b:s4+s21], $0x40, s31, s21, $0xb8;
	[tilespmem:$0x18000] =	vst v63  }
0x39: {  	_ = 	snop  }
0x3a: {  	[tilespmem:s22], [sflag:$0x2] =	stream.indirect.gather [hbm4b:s4+s21], $0x40, s21, s21, $0xb8;
	[tilespmem:$0x18000] =	vst v63  }
0x3b: {  	_ =	swait.ge [sflag:s23], $0x2000  }
0x3c: {  	[sflag:s23] =	ssyncset.done $0x0  }
0x3d: {  	s29 =	simm.s32 $0x5000;
	[sflag:s23] =	ssyncadd.s32 $0xFFFFE000  }
0x3e: {  	[spmem:s2] =	stream.indirect.scatter.add.f32 [tilespmem:s18], [sflag:$0x3], $0x40, s29, s21, $0xb8;
	[tilespmem:$0x18000] =	vst v63  }
0x3f: {  	_ =	swait.ge [sflag:s19], $0x2000  }
0x40: {  	[sflag:s19] =	ssyncset.done $0x0  }
0x41: {  	s30 =	simm.s32 $0x100;
	[sflag:s19] =	ssyncadd.s32 $0xFFFFE000  }
0x42: {  	[tilespmem:s18], [sflag:$0x1] =	stream.indirect.gather [hbm4b:s4+s21], $0x40, s30, s21, $0xb8;
	[tilespmem:$0x18000] =	vst v63  }
0x43: {  	_ =	swait.ge [sflag:s24], $0x2000  }
0x44: {  	[sflag:s24] =	ssyncset.done $0x0  }
0x45: {  	s31 =	simm.s32 $0x5080;
	[sflag:s24] =	ssyncadd.s32 $0xFFFFE000  }
0x46: {  	[spmem:s2] =	stream.indirect.scatter.add.f32 [tilespmem:s22], [sflag:$0x3], $0x40, s31, s21, $0xb8;
	[tilespmem:$0x18000] =	vst v63  }
0x47: {  	_ =	swait.ge [sflag:s19], $0x2000  }
0x48: {  	[sflag:s19] =	ssyncset.done $0x0  }
0x49: {  	s26 =	simm.s32 $0x400;
	s28 =	simm.s32 $0x180;
	[sflag:s19] =	ssyncadd.s32 $0xFFFFE000  }
.LBB2_4:
0x4a: {  	[tilespmem:s22], [sflag:$0x2] =	stream.indirect.gather [hbm4b:s4+s21], $0x40, s28, s21, $0xb8;
	[tilespmem:$0x18000] =	vst v63  }
0x4b: {  	s28 =	smov.u32 s26  }
0x4c: {  	p0 =	sne.s32 s26, $0x13800;
	s26 =	sadd.s32 $0x400, s26;
	_ =	swait.ge [sflag:s23], $0x2000  }
0x4d: {  	s28 =	sshra.s32 s28, $0x2;
	[sflag:s23] =	ssyncset.done $0x0  }
0x4e: {  	s29 =	sadd.s32 $0x5000, s28;
	[sflag:s23] =	ssyncadd.s32 $0xFFFFE000  }
0x4f: {  	[spmem:s2] =	stream.indirect.scatter.add.f32 [tilespmem:s18], [sflag:$0x3], $0x40, s29, s21, $0xb8;
	[tilespmem:$0x18000] =	vst v63  }
0x50: {  	_ =	swait.ge [sflag:s19], $0x2000  }
0x51: {  	[sflag:s19] =	ssyncset.done $0x0  }
0x52: {  	s29 =	sadd.s32 $0x100, s28;
	[sflag:s19] =	ssyncadd.s32 $0xFFFFE000  }
0x53: {  	[tilespmem:s18], [sflag:$0x1] =	stream.indirect.gather [hbm4b:s4+s21], $0x40, s29, s21, $0xb8;
	[tilespmem:$0x18000] =	vst v63  }
0x54: {  	_ =	swait.ge [sflag:s24], $0x2000  }
0x55: {  	[sflag:s24] =	ssyncset.done $0x0  }
.Ltmp1:
0x56: {  	s29 =	sadd.s32 $0x5080, s28;
	[sflag:s24] =	ssyncadd.s32 $0xFFFFE000;
	(pc) =	sbr.rel @p0 .LBB2_4-.Ltmp1, $4  }
0x57: {  	[spmem:s2] =	stream.indirect.scatter.add.f32 [tilespmem:s22], [sflag:$0x3], $0x40, s29, s21, $0xb8;
	[tilespmem:$0x18000] =	vst v63  }
0x58: {  	_ =	swait.ge [sflag:s19], $0x2000  }
0x59: {  	[sflag:s19] =	ssyncset.done $0x0  }
0x5a: {  	s28 =	sadd.s32 $0x180, s28;
	[sflag:s19] =	ssyncadd.s32 $0xFFFFE000  }
0x5b: {  	[tilespmem:s22], [sflag:$0x2] =	stream.indirect.gather [hbm4b:s4+s21], $0x40, s28, s21, $0xb8;
	[tilespmem:$0x18000] =	vst v63  }
0x5c: {  	_ =	swait.ge [sflag:s23], $0x2000  }
0x5d: {  	[sflag:s23] =	ssyncset.done $0x0  }
0x5e: {  	[sflag:s23] =	ssyncadd.s32 $0xFFFFE000  }
0x5f: {  	_ =	swait.ge [sflag:s24], $0x2000  }
0x60: {  	[sflag:s24] =	ssyncset.done $0x0  }
0x61: {  	[sflag:s24] =	ssyncadd.s32 $0xFFFFE000  }
0x62: {  	[bflag:$0x0] =	sbarrier.arrive $0xFFFF  }
0x63: {  	[tilespmem:s18], [sflag:$0x3] =	stream.linear.gather [spmem:s5], $0x2000, $0x38;
	[tilespmem:$0x18000] =	vst v63  }
0x64: {  	_ =	swait.ge [sflag:s19], $0x2000  }
0x65: {  	[sflag:s19] =	ssyncset.done $0x0  }
0x66: {  	[sflag:s19] =	ssyncadd.s32 $0xFFFFE000  }
0x67: {  	[hbm4b:s12+s3] =	stream.linear.scatter [tilespmem:s18], [sflag:$0x3], $0x2000, $0x38;
	[tilespmem:$0x18000] =	vst v63  }
0x68: {  	_ =	swait.ge [sflag:s19], $0x2000  }
0x69: {  	[sflag:s19] =	ssyncset.done $0x0  }
0x6a: {  	[sflag:s19] =	ssyncadd.s32 $0xFFFFE000  }
0x6b: {  	[tilespmem:s18], [sflag:$0x3] =	stream.linear.gather [spmem:s6], $0x2000, $0x38;
	[tilespmem:$0x18000] =	vst v63  }
0x6c: {  	_ =	swait.ge [sflag:s19], $0x2000  }
0x6d: {  	[sflag:s19] =	ssyncset.done $0x0  }
0x6e: {  	[sflag:s19] =	ssyncadd.s32 $0xFFFFE000  }
0x6f: {  	[hbm4b:s13+s3] =	stream.linear.scatter [tilespmem:s18], [sflag:$0x3], $0x2000, $0x38;
	[tilespmem:$0x18000] =	vst v63  }
0x70: {  	_ =	swait.ge [sflag:s19], $0x2000  }
0x71: {  	[sflag:s19] =	ssyncset.done $0x0  }
0x72: {  	[sflag:s19] =	ssyncadd.s32 $0xFFFFE000  }
0x73: {  	[tilespmem:s18], [sflag:$0x3] =	stream.linear.gather [spmem:s7], $0x2000, $0x38;
	[tilespmem:$0x18000] =	vst v63  }
0x74: {  	_ =	swait.ge [sflag:s19], $0x2000  }
0x75: {  	[sflag:s19] =	ssyncset.done $0x0  }
0x76: {  	[sflag:s19] =	ssyncadd.s32 $0xFFFFE000  }
0x77: {  	[hbm4b:s14+s3] =	stream.linear.scatter [tilespmem:s18], [sflag:$0x3], $0x2000, $0x38;
	[tilespmem:$0x18000] =	vst v63  }
0x78: {  	_ =	swait.ge [sflag:s19], $0x2000  }
0x79: {  	[sflag:s19] =	ssyncset.done $0x0  }
0x7a: {  	[sflag:s19] =	ssyncadd.s32 $0xFFFFE000  }
0x7b: {  	[tilespmem:s18], [sflag:$0x3] =	stream.linear.gather [spmem:s8], $0x2000, $0x38;
	[tilespmem:$0x18000] =	vst v63  }
0x7c: {  	_ =	swait.ge [sflag:s19], $0x2000  }
0x7d: {  	[sflag:s19] =	ssyncset.done $0x0  }
0x7e: {  	[sflag:s19] =	ssyncadd.s32 $0xFFFFE000  }
0x7f: {  	[hbm4b:s15+s3] =	stream.linear.scatter [tilespmem:s18], [sflag:$0x3], $0x2000, $0x38;
	[tilespmem:$0x18000] =	vst v63  }
0x80: {  	_ =	swait.ge [sflag:s19], $0x2000  }
0x81: {  	[sflag:s19] =	ssyncset.done $0x0  }
0x82: {  	[sflag:s19] =	ssyncadd.s32 $0xFFFFE000  }
0x83: {  	[tilespmem:s18], [sflag:$0x3] =	stream.linear.gather [spmem:s9], $0x2000, $0x38;
	[tilespmem:$0x18000] =	vst v63  }
0x84: {  	s25 =	sadd.s32 $0x1, s25;
	_ =	swait.ge [sflag:s19], $0x2000  }
0x85: {  	p0 =	sne.s32 s25, s17;
	[sflag:s19] =	ssyncset.done $0x0  }
.Ltmp2:
0x86: {  	[sflag:s19] =	ssyncadd.s32 $0xFFFFE000;
	(pc) =	sbr.rel @p0 .LBB2_1-.Ltmp2, $4  }
0x87: {  	[hbm4b:s16+s3] =	stream.linear.scatter [tilespmem:s18], [sflag:$0x3], $0x2000, $0x38;
	[tilespmem:$0x18000] =	vst v63  }
0x88: {  	_ =	swait.ge [sflag:s19], $0x2000  }
0x89: {  	[sflag:s19] =	ssyncset.done $0x0  }
0x8a: {  	[sflag:s19] =	ssyncadd.s32 $0xFFFFE000  }
0x8b: {  	_ =	sfence.sel $0x180000  }
0x8c: {  	[bflag:$0x0] =	sbarrier.arrive $0xFFFF  }
0x8d: {  	p0 =	sne.s32 s0, $0x0;
	_ =	strace $0x9000004D  }
0x8e: {  	s0 =	sadd.s32 @!p0 $0x100000, s1;
	[bflag:$0x2] =	sbarrier.arrive $0xFFFF  }
0x8f: {  	[sflag:s0] =	ssyncadd.tile.s32 @!p0 $0x1;
	_ =	shalt  }
.Lfunc_end2:
_tile_overlayer_lowered:
.L_overlay_start_2:
0x90: {  	(tag) =	ssettag $0x2  }
0x91: {  	s0 =	rddreg [dreg:$0x0];
	s2 =	stileid.u32  }
0x92: {  	s1 =	rddreg [dreg:$0x1];
	p0 =	sne.s32 s2, $0x0  }
0x93: {  	s3 =	rddreg [dreg:$0x2];
	[bflag:$0x3] =	sbarrier.arrive $0xFFFF;
	s2 =	simm.s32 @!p0 $0x1C03  }
0x94: {  	[timem:s3], [sflag:s2] =	dma.local @!p0 [hbm:s0], s1  }
0x95: {  	s0 =	simm.s32 @!p0 $0x3  }
0x96: {  	_ =	swait.ge @!p0 [sflag:s0], s1  }
0x97: {  	s1 =	ssub.s32 @!p0 $0x0, s1;
	[sflag:s0] =	ssyncset.done @!p0 $0x0  }
0x98: {  	[sflag:s0] =	ssyncadd.s32 @!p0 s1  }
0x99: {  	[bflag:$0x3] =	sbarrier.arrive $0xFFFF  }
0x9a: {  	_ =	shalt  }

// kernel: kernel.19.cloned.1.call-start
scs
__scs_entry_jumppad:
0x0: {  	(pc) =	sbr.rel $0x88, $3  }
0x1: {  	(tag) =	ssettag $0x0;
	lr =	simm.s32 $0x1  }
0x2: {  	[smem:$0x3F95] =	sst lr;
	_ =	strace $0xD0000000  }
0x3: {  	_ = 	snop  }
0x4: {  	_ = 	snop  }
0x5: {  	_ = 	snop  }
0x6: {  	_ = 	snop  }
0x7: {  	_ = 	snop  }
__scs_overlays_trampoline_lowered:
0x8: {  	[smem:$0x3FA4] =	sst s0  }
0x9: {  	[smem:$0x3FA5] =	sst s1  }
0xa: {  	[smem:$0x3FA6] =	sst s2  }
0xb: {  	[smem:$0x3FA7] =	sst s3  }
0xc: {  	[smem:$0x3FA8] =	sst s4  }
0xd: {  	[smem:$0x3FA9] =	sst s5  }
0xe: {  	[smem:$0x3FAA] =	sst s6  }
0xf: {  	[smem:$0x3FAB] =	sst s7  }
0x10: {  	[smem:$0x3FAC] =	sst s8  }
0x11: {  	[smem:$0x3FAD] =	sst s9;
	s0 =	simm.s32 @!p0 $0x0  }
0x12: {  	s1 =	sld [smem:$0x3F93];
	s0 =	simm.s32 @p0 $0x1  }
0x13: {  	[smem:$0x3FAE] =	sst s0;
	s0 =	simm.s32 @!p1 $0x0  }
0x14: {  	s2 =	sld [smem:$0x3F92];
	s0 =	simm.s32 @p1 $0x1  }
0x15: {  	[smem:$0x3FAF] =	sst s0;
	s0 =	simm.s32 @!p2 $0x0  }
0x16: {  	s3 =	sld [smem:$0x3FDB];
	s0 =	simm.s32 @p2 $0x1  }
0x17: {  	s4 =	simm.s32 $0x1BF5;
	[smem:$0x3FB1] =	sst s0  }
0x18: {  	s0 =	sld [smem:$0x3F94];
	_ =	swait.ge [sflag:s4], $0x0  }
0x19: {  	s7 =	sld [smem:$0x3F95]  }
0x1a: {  	s8 =	sadd.s32 $0xFFFFE003, lr  }
0x1b: {  	s9 =	sadd.s32 $0xFFFFFEF7, lr;
	s5 =	simm.s32 $0xFFFFFFFF;
	p2 =	slt.u32 s8, $0xFFFFF086  }
0x1c: {  	p1 =	slt.u32 s9, $0xF7A;
	s5 =	simm.s32 @!p2 $0x0  }
0x1d: {  	s5 =	simm.s32 @p1 $0x1;
	p0 =	seq.s32 s7, s2  }
0x1e: {  	s7 =	smul.u32 @!p0 $0xF7A, s2;
	p2 =	seq.s32 @!p0 s5, $0x0  }
0x1f: {  	s9 =	smul.u32 $0xF7A, s1;
	s8 =	simm.s32 @!p0 $0x1BF5;
	p2 =	por !p2, p0  }
0x20: {  	[sflag:s8] =	ssyncset.s32 @!p0 $0xFFFFF086;
	s6 =	sadd.s32 @!p0 s3, s7;
	s7 =	simm.s32 @!p0 $0x108  }
0x21: {  	s3 =	sadd.s32 s3, s9;
	s6 =	sadd.s32 @!p0 $0x88, s6;
	s7 =	simm.s32 @p2 $0x1082  }
0x22: {  	[simem:s7], [sflag:s8] =	dma.local @!p0 [hbm:s6], $0xF7A  }
0x23: {  	s9 =	sor.u32 $0xD0000000, s2;
	s6 =	simm.s32 $0x108;
	_ =	swait.ge @!p0 [sflag:s8], $0x0  }
0x24: {  	s3 =	sadd.s32 $0x88, s3;
	s6 =	simm.s32 @!p1 $0x1082;
	[sflag:s4] =	ssyncset.s32 $0xFFFFF086  }
0x25: {  	[simem:s6], [sflag:s4] =	dma.local [hbm:s3], $0xF7A  }
0x26: {  	[smem:$0x3F95] =	sst s1;
	(tag) =	ssettag s2;
	_ =	strace s9  }
0x27: {  	s1 =	sld [smem:$0x3FA5]  }
0x28: {  	s2 =	sld [smem:$0x3FA6]  }
0x29: {  	s4 =	sld [smem:$0x3FA8]  }
0x2a: {  	p0 =	seq.s32 s5, $0x0;
	s5 =	sld [smem:$0x3FA9]  }
0x2b: {  	s6 =	sld [smem:$0x3FAA]  }
0x2c: {  	s7 =	sld [smem:$0x3FAB]  }
0x2d: {  	s3 =	simm.s32 $0x108;
	s8 =	sld [smem:$0x3FAC]  }
0x2e: {  	s3 =	simm.s32 @!p0 $0x1082;
	s9 =	sld [smem:$0x3FAD]  }
0x2f: {  	lr =	sadd.s32 s0, s3;
	s0 =	sld [smem:$0x3FA4]  }
0x30: {  	s3 =	sld [smem:$0x3FA7]  }
0x31: {  	[smem:$0x3FB0] =	sst s10  }
0x32: {  	s10 =	sld [smem:$0x3FAE];
	_ =	sdelay $0x3  }
0x33: {  	p0 =	seq.s32 s10, $0x1;
	s10 =	sld [smem:$0x3FB0];
	_ =	sdelay $0x3  }
0x34: {  	[smem:$0x3FB0] =	sst s10  }
0x35: {  	s10 =	sld [smem:$0x3FAF];
	_ =	sdelay $0x3  }
0x36: {  	p1 =	seq.s32 s10, $0x1;
	s10 =	sld [smem:$0x3FB0];
	_ =	sdelay $0x3  }
0x37: {  	[smem:$0x3FB0] =	sst s10  }
0x38: {  	s10 =	sld [smem:$0x3FB1]  }
0x39: {  	_ = 	snop;
	(pc) =	sbr.ind lr, $3  }
0x3a: {  	_ = 	snop  }
0x3b: {  	_ = 	snop  }
0x3c: {  	p2 =	seq.s32 s10, $0x1;
	s10 =	sld [smem:$0x3FB0]  }
0x3d: {  	_ =	shalt  }
0x3e: {  	_ =	shalt  }
0x3f: {  	_ =	shalt  }
0x40: {  	_ =	shalt  }
0x41: {  	_ =	shalt  }
0x42: {  	_ =	shalt  }
0x43: {  	_ =	shalt  }
0x44: {  	_ =	shalt  }
0x45: {  	_ =	shalt  }
0x46: {  	_ =	shalt  }
0x47: {  	_ =	shalt  }
0x48: {  	_ =	shalt  }
0x49: {  	_ =	shalt  }
0x4a: {  	_ =	shalt  }
0x4b: {  	_ =	shalt  }
0x4c: {  	_ =	shalt  }
0x4d: {  	_ =	shalt  }
0x4e: {  	_ =	shalt  }
0x4f: {  	_ =	shalt  }
0x50: {  	_ =	shalt  }
0x51: {  	_ =	shalt  }
0x52: {  	_ =	shalt  }
0x53: {  	_ =	shalt  }
0x54: {  	_ =	shalt  }
0x55: {  	_ =	shalt  }
0x56: {  	_ =	shalt  }
0x57: {  	_ =	shalt  }
0x58: {  	_ =	shalt  }
0x59: {  	_ =	shalt  }
0x5a: {  	_ =	shalt  }
0x5b: {  	_ =	shalt  }
0x5c: {  	_ =	shalt  }
0x5d: {  	_ =	shalt  }
0x5e: {  	_ =	shalt  }
0x5f: {  	_ =	shalt  }
0x60: {  	_ =	shalt  }
0x61: {  	_ =	shalt  }
0x62: {  	_ =	shalt  }
0x63: {  	_ =	shalt  }
0x64: {  	_ =	shalt  }
0x65: {  	_ =	shalt  }
0x66: {  	_ =	shalt  }
0x67: {  	_ =	shalt  }
0x68: {  	_ =	shalt  }
0x69: {  	_ =	shalt  }
0x6a: {  	_ =	shalt  }
0x6b: {  	_ =	shalt  }
0x6c: {  	_ =	shalt  }
0x6d: {  	_ =	shalt  }
0x6e: {  	_ =	shalt  }
0x6f: {  	_ =	shalt  }
0x70: {  	_ =	shalt  }
0x71: {  	_ =	shalt  }
0x72: {  	_ =	shalt  }
0x73: {  	_ =	shalt  }
0x74: {  	_ =	shalt  }
0x75: {  	_ =	shalt  }
0x76: {  	_ =	shalt  }
0x77: {  	_ =	shalt  }
0x78: {  	_ =	shalt  }
0x79: {  	_ =	shalt  }
0x7a: {  	_ =	shalt  }
0x7b: {  	_ =	shalt  }
0x7c: {  	_ =	shalt  }
0x7d: {  	_ =	shalt  }
0x7e: {  	_ =	shalt  }
0x7f: {  	_ =	shalt  }
0x80: {  	_ =	shalt  }
0x81: {  	_ =	shalt  }
0x82: {  	_ =	shalt  }
0x83: {  	_ =	shalt  }
0x84: {  	_ =	shalt  }
0x85: {  	_ =	shalt  }
0x86: {  	_ =	shalt  }
0x87: {  	_ =	shalt  }
.Lfunc_end0:
.L_simem_size_0:
called_computation.3_lowered:
.L_overlay_start_0:
0x88: {  	s2 =	sld [smem:$0x3FD9]  }
0x89: {  	s3 =	sld [smem:$0x3FFE];
	_ =	sdelay $0x1  }
0x8a: {  	s1 =	srdreg.scid  }
0x8b: {  	s0 =	sand.u32 $0x1, s1  }
0x8c: {  	s16 =	sshll.u32 s0, $0xA;
	s2 =	sadd.s32 s3, s2  }
0x8d: {  	s2 =	sadd.s32 s2, s16  }
0x8e: {  	[smem:$0x3FBC] =	sst s2  }
0x8f: {  	_ = 	snop  }
0x90: {  	(tm) =	ssettm $0x1  }
0x91: {  	s17 =	sld [smem:$0x3FFB];
	_ =	sdelay $0x3  }
0x92: {  	_ =	strace s17  }
0x93: {  	s2 =	sld [smem:$0x3FFC];
	_ =	sdelay $0x3  }
0x94: {  	_ =	strace s2  }
0x95: {  	s2 =	sld [smem:$0x3FFD];
	_ =	sdelay $0x3  }
0x96: {  	_ =	strace s2  }
0x97: {  	_ =	strace $0x8FFFFFFF  }
0x98: {  	s18 =	sld [smem:$0x3FDB];
	_ =	sdelay $0x1  }
0x99: {  	s19 =	simm.s32 $_scs_section_size  }
0x9a: {  	s4 =	simm.s32 $_size__tile_overlayer_lowered;
	s5 =	simm.s32 $_tile_overlayer_lowered  }
0x9b: {  	s22 =	simm.s32 $0x1BFF;
	s21 =	sshll.u32 s5, $0x1;
	s2 =	sadd.s32 s19, s18  }
0x9c: {  	s6 =	simm.s32 $0x0;
	s20 =	sshll.u32 s4, $0x1;
	s4 =	sadd.s32 s21, s2  }
0x9d: {  	[timem:s6], [sflag:s22] =	dma.local [hbm:s4], s20  }
0x9e: {  	_ =	swait.ge [sflag:s22], s20  }
0x9f: {  	s3 =	ssub.s32 $0x0, s20;
	[sflag:s22] =	ssyncset.done $0x0  }
0xa0: {  	[sflag:s22] =	ssyncadd.s32 s3;
	_ =	sdelay $0x1  }
0xa1: {  	s23 =	simm.s32 $0x1B8B  }
0xa2: {  	_ =	swait.ge [sflag:s23], $0x1  }
0xa3: {  	[sflag:s23] =	ssyncset.done $0x0  }
0xa4: {  	s25 =	simm.s32 $0x1B8E;
	s24 =	sld [smem:$0x3FFE];
	[sflag:s23] =	ssyncadd.s32 $0xFFFFFFFF  }
0xa5: {  	s26 =	simm.s32 $execute0_lowered;
	[smem:$0x3FD2] =	sst s25  }
0xa6: {  	s4 =	sshll.u32 s26, $0x1;
	_ =	strace $0x8000004F;
	[dreg:$0x1] =	wrdreg $0xFFFFFFFF  }
0xa7: {  	s28 =	simm.s32 $_size_execute0_lowered;
	s2 =	sadd.s32 s2, s4;
	[dreg:$0x0] =	wrdreg $0x0  }
0xa8: {  	s4 =	sshll.u32 s28, $0x1;
	[dreg:$0x2] =	wrdreg s2  }
0xa9: {  	[dreg:$0x3] =	wrdreg s4  }
0xaa: {  	[dreg:$0x4] =	wrdreg $0xC0  }
0xab: {  	_ =	task [dreg:s6], $0x5FFFF  }
0xac: {  	[dreg:$0x1] =	wrdreg $0xFFFFFFFF  }
0xad: {  	[dreg:$0x0] =	wrdreg $0x60  }
0xae: {  	[dreg:$0x2] =	wrdreg s24  }
0xaf: {  	[dreg:$0x3] =	wrdreg $0xE0000  }
0xb0: {  	[dreg:$0x4] =	wrdreg $0x9  }
0xb1: {  	_ =	task.clear_ibuf [dreg:s6], $0x5FFFF;
	_ =	strace $0x9000004F  }
0xb2: {  	s29 =	simm.s32 $0x9;
	_ =	strace $0x80000051  }
0xb3: {  	_ =	swait.ge [sflag:s29], $0x1  }
0xb4: {  	[sflag:s29] =	ssyncadd.s32 $0xFFFFFFFF  }
0xb5: {  	_ =	strace $0x90000051  }
0xb6: {  	_ =	sfence  }
0xb7: {  	s30 =	sld [smem:$0x0];
	_ =	sdelay $0x2  }
0xb8: {  	s31 =	sshll.u32 s1, $0xD;
	s1 =	sshrl.u32 s1, $0x2  }
0xb9: {  	s3 =	sand.u32 $0x4000, s31;
	s1 =	sadd.s32 s1, s30  }
0xba: {  	s0 =	sor.u32 s3, s0;
	s1 =	sshll.u32 s1, $0x11  }
0xbb: {  	s0 =	sor.u32 s1, s0  }
0xbc: {  	s0 =	sadd.s32 $0x8F2B, s0  }
0xbd: {  	[sflag:s0] =	ssyncadd.remote.s32 $0x1  }
0xbe: {  	_ =	sfence.sel $0xFFFF  }
0xbf: {  	[dreg:$0x0] =	wrdreg $0xFFFFFFFF;
	(pc) =	sbr.abs _section_cstart, $3  }
0xc0: {  	[dreg:$0x1] =	wrdreg $0xFFFFFFFF  }
0xc1: {  	_ =	task.clear_ibuf [dreg:s6], $0x2FFFF;
	_ =	strace $0x9FFFFFFF  }
0xc2: {  	(tm) =	ssettm $0x7FFFFFFF  }
0xc3: {  	_ =	shalt  }
tec
execute0_lowered:
.L_overlay_start_1:
0x0: {  	(tag) =	ssettag $0x1  }
0x1: {  	s6 =	rddreg [dreg:$0x0]  }
0x2: {  	s0 =	srdreg.scid;
	s2 =	rddreg [dreg:$0x1]  }
0x3: {  	s3 =	simm.s32 $0x0;
	s18 =	simm.s32 $0xA000;
	s19 =	simm.s32 $0x3  }
0x4: {  	s20 =	simm.s32 $0x5000;
	s21 =	simm.s32 $0x80;
	s22 =	simm.s32 $0xC000  }
0x5: {  	s23 =	simm.s32 $0x1;
	s5 =	sand.u32 $0x1, s0;
	s0 =	stileid.u32  }
0x6: {  	s24 =	simm.s32 $0x2;
	s25 =	simm.s32 $0x0;
	s8 =	smul.u32 $0x280, s0  }
0x7: {  	[smem:$0x7FF] =	sst s3;
	s1 =	sshll.u32 s5, $0x4;
	s9 =	smul.u32 $0x2800, s5  }
0x8: {  	s10 =	smul.u32 $0x28000, s0;
	s29 =	ssub.s32 $0x2, s5;
	s1 =	sor.u32 s0, s1  }
0x9: {  	s4 =	sadd.s32 $0x5E000, s6;
	s31 =	sshrl.u32 s29, $0x1;
	s7 =	smul.u32 $0xA00, s1  }
0xa: {  	s1 =	rddreg [dreg:$0x2];
	_ =	strace $0x80000050;
	s30 =	sshrl.u32 s10, $0x2  }
0xb: {  	s28 =	sadd.s32 s8, s9;
	s17 =	ssub.s32 s29, s31;
	s5 =	sadd.s32 s30, s2  }
0xc: {  	s17 =	smax.u32 s17, $0x1;
	s11 =	sadd.s32 s7, s6;
	s7 =	sshll.u32 s28, $0x3  }
0xd: {  	s8 =	sadd.s32 $0x6000, s5;
	s9 =	sadd.s32 $0x8000, s5;
	s16 =	sadd.s32 s7, s6  }
0xe: {  	s6 =	sadd.s32 $0x2000, s5;
	s7 =	sadd.s32 $0x4000, s5;
	s10 =	sadd.s32 $0x22000, s11  }
0xf: {  	s11 =	sadd.s32 $0xE000, s11;
	s12 =	sadd.s32 $0x86000, s16;
	s13 =	sadd.s32 $0x86400, s16  }
0x10: {  	v0 =	vimm.f32 $0.0e+00;
	s14 =	sadd.s32 $0x86800, s16;
	s15 =	sadd.s32 $0x86C00, s16;
	s16 =	sadd.s32 $0x87000, s16  }
.LBB2_1:
0x11: {  	s28 =	simm.s32 $0x100;
	s26 =	simm.s32 $0x0  }
.LBB2_2:
0x12: {  	p0 =	sne.s32 s28, $0x7F00;
	[tilespmem:s26+$0xA030] =	vst v0;
	s29 =	smov.u32 s28;
	s28 =	sadd.s32 $0x100, s28  }
.Ltmp0:
0x13: {  	[tilespmem:s26+$0xA020] =	vst v0;
	(pc) =	sbr.rel @p0 .LBB2_2-.Ltmp0, $3  }
0x14: {  	[tilespmem:s26+$0xA000] =	vst v0  }
0x15: {  	[tilespmem:s26+$0xA010] =	vst v0;
	_ =	sdelay $0x1  }
0x16: {  	s26 =	sshra.s32 s29, $0x2  }
0x17: {  	[tilespmem:s26+$0xA030] =	vst v0  }
0x18: {  	[tilespmem:s26+$0xA020] =	vst v0  }
0x19: {  	[tilespmem:s26+$0xA000] =	vst v0  }
0x1a: {  	[tilespmem:s26+$0xA010] =	vst v0  }
0x1b: {  	[spmem:s5] =	stream.linear.scatter [tilespmem:s18], [sflag:$0x3], $0x2000, $0x38;
	[tilespmem:$0x18000] =	vst v63  }
0x1c: {  	_ =	swait.ge [sflag:s19], $0x2000  }
0x1d: {  	[sflag:s19] =	ssyncset.done $0x0  }
0x1e: {  	[sflag:s19] =	ssyncadd.s32 $0xFFFFE000  }
0x1f: {  	[spmem:s6] =	stream.linear.scatter [tilespmem:s18], [sflag:$0x3], $0x2000, $0x38;
	[tilespmem:$0x18000] =	vst v63  }
0x20: {  	_ =	swait.ge [sflag:s19], $0x2000  }
0x21: {  	[sflag:s19] =	ssyncset.done $0x0  }
0x22: {  	[sflag:s19] =	ssyncadd.s32 $0xFFFFE000  }
0x23: {  	[spmem:s7] =	stream.linear.scatter [tilespmem:s18], [sflag:$0x3], $0x2000, $0x38;
	[tilespmem:$0x18000] =	vst v63  }
0x24: {  	_ =	swait.ge [sflag:s19], $0x2000  }
0x25: {  	[sflag:s19] =	ssyncset.done $0x0  }
0x26: {  	[sflag:s19] =	ssyncadd.s32 $0xFFFFE000  }
0x27: {  	[spmem:s8] =	stream.linear.scatter [tilespmem:s18], [sflag:$0x3], $0x2000, $0x38;
	[tilespmem:$0x18000] =	vst v63  }
0x28: {  	_ =	swait.ge [sflag:s19], $0x2000  }
0x29: {  	[sflag:s19] =	ssyncset.done $0x0  }
0x2a: {  	[sflag:s19] =	ssyncadd.s32 $0xFFFFE000  }
0x2b: {  	[spmem:s9] =	stream.linear.scatter [tilespmem:s18], [sflag:$0x3], $0x2000, $0x38;
	[tilespmem:$0x18000] =	vst v63  }
0x2c: {  	_ =	swait.ge [sflag:s19], $0x2000  }
0x2d: {  	[sflag:s19] =	ssyncset.done $0x0  }
0x2e: {  	[sflag:s19] =	ssyncadd.s32 $0xFFFFE000  }
0x2f: {  	s31 =	simm.s32 $0x0;
	[bflag:$0x0] =	sbarrier.arrive $0xFFFF  }
0x30: {  	[tilespmem:s31], [sflag:$0x3] =	stream.linear.gather [hbm4b:s10+s31], $0x5000, $0x38;
	[tilespmem:$0x18000] =	vst v63  }
0x31: {  	_ =	swait.ge [sflag:s19], $0x5000  }
0x32: {  	[sflag:s19] =	ssyncset.done $0x0  }
0x33: {  	[sflag:s19] =	ssyncadd.s32 $0xFFFFB000  }
0x34: {  	[tilespmem:s20], [sflag:$0x3] =	stream.linear.gather [hbm4b:s11+s31], $0x5000, $0x38;
	[tilespmem:$0x18000] =	vst v63  }
0x35: {  	_ =	swait.ge [sflag:s19], $0x5000  }
0x36: {  	[sflag:s19] =	ssyncset.done $0x0  }
0x37: {  	[sflag:s19] =	ssyncadd.s32 $0xFFFFB000  }
0x38: {  	[tilespmem:s18], [sflag:$0x1] =	stream.indirect.gather [hbm4b:s4+s21], $0x40, s31, s21, $0xb8;
	[tilespmem:$0x18000] =	vst v63  }
0x39: {  	_ = 	snop  }
0x3a: {  	[tilespmem:s22], [sflag:$0x2] =	stream.indirect.gather [hbm4b:s4+s21], $0x40, s21, s21, $0xb8;
	[tilespmem:$0x18000] =	vst v63  }
0x3b: {  	_ =	swait.ge [sflag:s23], $0x2000  }
0x3c: {  	[sflag:s23] =	ssyncset.done $0x0  }
0x3d: {  	s29 =	simm.s32 $0x5000;
	[sflag:s23] =	ssyncadd.s32 $0xFFFFE000  }
0x3e: {  	[spmem:s2] =	stream.indirect.scatter.add.f32 [tilespmem:s18], [sflag:$0x3], $0x40, s29, s21, $0xb8;
	[tilespmem:$0x18000] =	vst v63  }
0x3f: {  	_ =	swait.ge [sflag:s19], $0x2000  }
0x40: {  	[sflag:s19] =	ssyncset.done $0x0  }
0x41: {  	s30 =	simm.s32 $0x100;
	[sflag:s19] =	ssyncadd.s32 $0xFFFFE000  }
0x42: {  	[tilespmem:s18], [sflag:$0x1] =	stream.indirect.gather [hbm4b:s4+s21], $0x40, s30, s21, $0xb8;
	[tilespmem:$0x18000] =	vst v63  }
0x43: {  	_ =	swait.ge [sflag:s24], $0x2000  }
0x44: {  	[sflag:s24] =	ssyncset.done $0x0  }
0x45: {  	s31 =	simm.s32 $0x5080;
	[sflag:s24] =	ssyncadd.s32 $0xFFFFE000  }
0x46: {  	[spmem:s2] =	stream.indirect.scatter.add.f32 [tilespmem:s22], [sflag:$0x3], $0x40, s31, s21, $0xb8;
	[tilespmem:$0x18000] =	vst v63  }
0x47: {  	_ =	swait.ge [sflag:s19], $0x2000  }
0x48: {  	[sflag:s19] =	ssyncset.done $0x0  }
0x49: {  	s26 =	simm.s32 $0x400;
	s28 =	simm.s32 $0x180;
	[sflag:s19] =	ssyncadd.s32 $0xFFFFE000  }
.LBB2_4:
0x4a: {  	[tilespmem:s22], [sflag:$0x2] =	stream.indirect.gather [hbm4b:s4+s21], $0x40, s28, s21, $0xb8;
	[tilespmem:$0x18000] =	vst v63  }
0x4b: {  	s28 =	smov.u32 s26  }
0x4c: {  	p0 =	sne.s32 s26, $0x13800;
	s26 =	sadd.s32 $0x400, s26;
	_ =	swait.ge [sflag:s23], $0x2000  }
0x4d: {  	s28 =	sshra.s32 s28, $0x2;
	[sflag:s23] =	ssyncset.done $0x0  }
0x4e: {  	s29 =	sadd.s32 $0x5000, s28;
	[sflag:s23] =	ssyncadd.s32 $0xFFFFE000  }
0x4f: {  	[spmem:s2] =	stream.indirect.scatter.add.f32 [tilespmem:s18], [sflag:$0x3], $0x40, s29, s21, $0xb8;
	[tilespmem:$0x18000] =	vst v63  }
0x50: {  	_ =	swait.ge [sflag:s19], $0x2000  }
0x51: {  	[sflag:s19] =	ssyncset.done $0x0  }
0x52: {  	s29 =	sadd.s32 $0x100, s28;
	[sflag:s19] =	ssyncadd.s32 $0xFFFFE000  }
0x53: {  	[tilespmem:s18], [sflag:$0x1] =	stream.indirect.gather [hbm4b:s4+s21], $0x40, s29, s21, $0xb8;
	[tilespmem:$0x18000] =	vst v63  }
0x54: {  	_ =	swait.ge [sflag:s24], $0x2000  }
0x55: {  	[sflag:s24] =	ssyncset.done $0x0  }
.Ltmp1:
0x56: {  	s29 =	sadd.s32 $0x5080, s28;
	[sflag:s24] =	ssyncadd.s32 $0xFFFFE000;
	(pc) =	sbr.rel @p0 .LBB2_4-.Ltmp1, $4  }
0x57: {  	[spmem:s2] =	stream.indirect.scatter.add.f32 [tilespmem:s22], [sflag:$0x3], $0x40, s29, s21, $0xb8;
	[tilespmem:$0x18000] =	vst v63  }
0x58: {  	_ =	swait.ge [sflag:s19], $0x2000  }
0x59: {  	[sflag:s19] =	ssyncset.done $0x0  }
0x5a: {  	s28 =	sadd.s32 $0x180, s28;
	[sflag:s19] =	ssyncadd.s32 $0xFFFFE000  }
0x5b: {  	[tilespmem:s22], [sflag:$0x2] =	stream.indirect.gather [hbm4b:s4+s21], $0x40, s28, s21, $0xb8;
	[tilespmem:$0x18000] =	vst v63  }
0x5c: {  	_ =	swait.ge [sflag:s23], $0x2000  }
0x5d: {  	[sflag:s23] =	ssyncset.done $0x0  }
0x5e: {  	[sflag:s23] =	ssyncadd.s32 $0xFFFFE000  }
0x5f: {  	_ =	swait.ge [sflag:s24], $0x2000  }
0x60: {  	[sflag:s24] =	ssyncset.done $0x0  }
0x61: {  	[sflag:s24] =	ssyncadd.s32 $0xFFFFE000  }
0x62: {  	[bflag:$0x0] =	sbarrier.arrive $0xFFFF  }
0x63: {  	[tilespmem:s18], [sflag:$0x3] =	stream.linear.gather [spmem:s5], $0x2000, $0x38;
	[tilespmem:$0x18000] =	vst v63  }
0x64: {  	_ =	swait.ge [sflag:s19], $0x2000  }
0x65: {  	[sflag:s19] =	ssyncset.done $0x0  }
0x66: {  	[sflag:s19] =	ssyncadd.s32 $0xFFFFE000  }
0x67: {  	[hbm4b:s12+s3] =	stream.linear.scatter [tilespmem:s18], [sflag:$0x3], $0x2000, $0x38;
	[tilespmem:$0x18000] =	vst v63  }
0x68: {  	_ =	swait.ge [sflag:s19], $0x2000  }
0x69: {  	[sflag:s19] =	ssyncset.done $0x0  }
0x6a: {  	[sflag:s19] =	ssyncadd.s32 $0xFFFFE000  }
0x6b: {  	[tilespmem:s18], [sflag:$0x3] =	stream.linear.gather [spmem:s6], $0x2000, $0x38;
	[tilespmem:$0x18000] =	vst v63  }
0x6c: {  	_ =	swait.ge [sflag:s19], $0x2000  }
0x6d: {  	[sflag:s19] =	ssyncset.done $0x0  }
0x6e: {  	[sflag:s19] =	ssyncadd.s32 $0xFFFFE000  }
0x6f: {  	[hbm4b:s13+s3] =	stream.linear.scatter [tilespmem:s18], [sflag:$0x3], $0x2000, $0x38;
	[tilespmem:$0x18000] =	vst v63  }
0x70: {  	_ =	swait.ge [sflag:s19], $0x2000  }
0x71: {  	[sflag:s19] =	ssyncset.done $0x0  }
0x72: {  	[sflag:s19] =	ssyncadd.s32 $0xFFFFE000  }
0x73: {  	[tilespmem:s18], [sflag:$0x3] =	stream.linear.gather [spmem:s7], $0x2000, $0x38;
	[tilespmem:$0x18000] =	vst v63  }
0x74: {  	_ =	swait.ge [sflag:s19], $0x2000  }
0x75: {  	[sflag:s19] =	ssyncset.done $0x0  }
0x76: {  	[sflag:s19] =	ssyncadd.s32 $0xFFFFE000  }
0x77: {  	[hbm4b:s14+s3] =	stream.linear.scatter [tilespmem:s18], [sflag:$0x3], $0x2000, $0x38;
	[tilespmem:$0x18000] =	vst v63  }
0x78: {  	_ =	swait.ge [sflag:s19], $0x2000  }
0x79: {  	[sflag:s19] =	ssyncset.done $0x0  }
0x7a: {  	[sflag:s19] =	ssyncadd.s32 $0xFFFFE000  }
0x7b: {  	[tilespmem:s18], [sflag:$0x3] =	stream.linear.gather [spmem:s8], $0x2000, $0x38;
	[tilespmem:$0x18000] =	vst v63  }
0x7c: {  	_ =	swait.ge [sflag:s19], $0x2000  }
0x7d: {  	[sflag:s19] =	ssyncset.done $0x0  }
0x7e: {  	[sflag:s19] =	ssyncadd.s32 $0xFFFFE000  }
0x7f: {  	[hbm4b:s15+s3] =	stream.linear.scatter [tilespmem:s18], [sflag:$0x3], $0x2000, $0x38;
	[tilespmem:$0x18000] =	vst v63  }
0x80: {  	_ =	swait.ge [sflag:s19], $0x2000  }
0x81: {  	[sflag:s19] =	ssyncset.done $0x0  }
0x82: {  	[sflag:s19] =	ssyncadd.s32 $0xFFFFE000  }
0x83: {  	[tilespmem:s18], [sflag:$0x3] =	stream.linear.gather [spmem:s9], $0x2000, $0x38;
	[tilespmem:$0x18000] =	vst v63  }
0x84: {  	s25 =	sadd.s32 $0x1, s25;
	_ =	swait.ge [sflag:s19], $0x2000  }
0x85: {  	p0 =	sne.s32 s25, s17;
	[sflag:s19] =	ssyncset.done $0x0  }
.Ltmp2:
0x86: {  	[sflag:s19] =	ssyncadd.s32 $0xFFFFE000;
	(pc) =	sbr.rel @p0 .LBB2_1-.Ltmp2, $4  }
0x87: {  	[hbm4b:s16+s3] =	stream.linear.scatter [tilespmem:s18], [sflag:$0x3], $0x2000, $0x38;
	[tilespmem:$0x18000] =	vst v63  }
0x88: {  	_ =	swait.ge [sflag:s19], $0x2000  }
0x89: {  	[sflag:s19] =	ssyncset.done $0x0  }
0x8a: {  	[sflag:s19] =	ssyncadd.s32 $0xFFFFE000  }
0x8b: {  	_ =	sfence.sel $0x180000  }
0x8c: {  	[bflag:$0x0] =	sbarrier.arrive $0xFFFF  }
0x8d: {  	p0 =	sne.s32 s0, $0x0;
	_ =	strace $0x90000050  }
0x8e: {  	s0 =	sadd.s32 @!p0 $0x100000, s1;
	[bflag:$0x2] =	sbarrier.arrive $0xFFFF  }
0x8f: {  	[sflag:s0] =	ssyncadd.tile.s32 @!p0 $0x1;
	_ =	shalt  }
.Lfunc_end2:
_tile_overlayer_lowered:
.L_overlay_start_2:
0x90: {  	(tag) =	ssettag $0x2  }
0x91: {  	s0 =	rddreg [dreg:$0x0];
	s2 =	stileid.u32  }
0x92: {  	s1 =	rddreg [dreg:$0x1];
	p0 =	sne.s32 s2, $0x0  }
0x93: {  	s3 =	rddreg [dreg:$0x2];
	[bflag:$0x3] =	sbarrier.arrive $0xFFFF;
	s2 =	simm.s32 @!p0 $0x1C03  }
0x94: {  	[timem:s3], [sflag:s2] =	dma.local @!p0 [hbm:s0], s1  }
0x95: {  	s0 =	simm.s32 @!p0 $0x3  }
0x96: {  	_ =	swait.ge @!p0 [sflag:s0], s1  }
0x97: {  	s1 =	ssub.s32 @!p0 $0x0, s1;
	[sflag:s0] =	ssyncset.done @!p0 $0x0  }
0x98: {  	[sflag:s0] =	ssyncadd.s32 @!p0 s1  }
0x99: {  	[bflag:$0x3] =	sbarrier.arrive $0xFFFF  }
0x9a: {  	_ =	shalt  }

</sc_bundles>
